<compile_context>
chip_gen: v7x
topology: tpu7x:2x2x1
jax: 0.10.2.dev20260603
libtpu: 0.0.44.dev20260713+nightly
codegen_flags: <defaults>
</compile_context>

<pallas_src>
import functools

import jax
import jax.numpy as jnp
from jax import lax
from jax.experimental import pallas as pl
from jax.experimental.pallas import tpu as pltpu
from jax.experimental.pallas import tpu_sc as plsc

N = 10000
E = 320000
D = 128
DOUT = 64
NC = 2
NS = 16
NW = NC * NS
NPAD = 10240
RPT = NPAD // NS
EPT = E // NW
K = 40

def _mesh():
    return plsc.VectorSubcoreMesh(core_axis_name="c", subcore_axis_name="s",
                                  num_cores=NC, num_subcores=NS)


CH = 2000


@functools.cache
def _make_sc_degrees():
    return functools.partial(
        pl.kernel,
        out_type=jax.ShapeDtypeStruct((2, NW, NPAD), jnp.float32),
        mesh=_mesh(),
        compiler_params=pltpu.CompilerParams(needs_layout_passes=False,
                                             use_tc_tiling_on_sc=False),
        scratch_types=[
            pltpu.VMEM((NPAD,), jnp.float32),
            pltpu.VMEM((NPAD,), jnp.float32),
            pltpu.VMEM((CH,), jnp.int32),
            pltpu.VMEM((CH,), jnp.int32),
        ],
    )(_sc_degrees_body)


def _sc_degrees_body(src_hbm, dst_hbm, out_hbm, cnt_s, cnt_d, ebuf_s, ebuf_d):
    c = lax.axis_index("c")
    s = lax.axis_index("s")
    wid = c * NS + s
    base = wid * EPT
    zeros16 = jnp.zeros((16,), jnp.float32)
    ones16 = jnp.ones((16,), jnp.float32)

    def _z(i, _):
        cnt_s[pl.ds(i * 16, 16)] = zeros16
        cnt_d[pl.ds(i * 16, 16)] = zeros16
        return _
    lax.fori_loop(0, NPAD // 16, _z, None)

    def _outer(oi, _):
        pltpu.sync_copy(src_hbm.at[pl.ds(base + oi * CH, CH)], ebuf_s)
        pltpu.sync_copy(dst_hbm.at[pl.ds(base + oi * CH, CH)], ebuf_d)

        def _inner(j, _):
            vs = ebuf_s[pl.ds(j * 16, 16)]
            vd = ebuf_d[pl.ds(j * 16, 16)]
            plsc.addupdate_scatter(cnt_s, [vs], ones16)
            plsc.addupdate_scatter(cnt_d, [vd], ones16)
            return _
        lax.fori_loop(0, CH // 16, _inner, None)
        return _
    lax.fori_loop(0, EPT // CH, _outer, None)

    pltpu.sync_copy(cnt_s, out_hbm.at[0, wid])
    pltpu.sync_copy(cnt_d, out_hbm.at[1, wid])


NCHUNK = EPT // K
NB = 5


@functools.cache
def _make_sc_agg(src_rows):
    @functools.partial(
        pl.kernel,
        out_type=jax.ShapeDtypeStruct((NC, NPAD, D), jnp.float32),
        mesh=_mesh(),
        compiler_params=pltpu.CompilerParams(use_tc_tiling_on_sc=False),
        scratch_types=[
            pltpu.VMEM_SHARED((NPAD, D), jnp.float32),
            pltpu.VMEM((NCHUNK, K), jnp.int32),
            pltpu.VMEM((NB, K), jnp.int32),
        ] + [pltpu.VMEM((K, D), jnp.float32)] * NB
          + [pltpu.SemaphoreType.DMA] * (3 * NB),
    )
    def _agg(h_hbm, src_hbm, dst_hbm, out_hbm, acc, sidx, didx, *bufs):
        rows = bufs[:NB]
        sg = bufs[NB:2 * NB]
        ss = bufs[2 * NB:3 * NB]
        sd = bufs[3 * NB:4 * NB]
        c = lax.axis_index("c")
        s = lax.axis_index("s")
        wid = c * NS + s

        zeros16 = jnp.zeros((16,), jnp.float32)

        def _zrow(r, _):
            for cc in range(D // 16):
                rows[0][r, pl.ds(cc * 16, 16)] = zeros16
            return _
        lax.fori_loop(0, K, _zrow, None)

        def _zacc(j, _):
            pltpu.sync_copy(rows[0], acc.at[pl.ds(s * RPT + j * K, K)])
            return _
        lax.fori_loop(0, RPT // K, _zacc, None)

        pltpu.sync_copy(src_hbm.at[wid], sidx)
        plsc.subcore_barrier()

        def _wait(sem, like):
            pltpu.make_async_copy(h_hbm.at[pl.ds(0, K)], like, sem).wait()

        def _wait_idx(sem, like):
            pltpu.make_async_copy(dst_hbm.at[wid, 0], like, sem).wait()

        for j in range(NB):
            pltpu.async_copy(dst_hbm.at[wid, j], didx.at[j], sd[j])
            pltpu.async_copy(h_hbm.at[sidx.at[j]], rows[j], sg[j])

        def _body(t, _):
            for j in range(NB):
                i = NB * t + j

                @pl.when(i < NCHUNK)
                def _():
                    _wait(sg[j], rows[j])
                    _wait_idx(sd[j], didx.at[j])
                    pltpu.async_copy(rows[j], acc.at[didx.at[j]], ss[j],
                                     add=True)

                    @pl.when(i + NB < NCHUNK)
                    def _():
                        _wait(ss[j], rows[j])
                        pltpu.async_copy(dst_hbm.at[wid, i + NB],
                                         didx.at[j], sd[j])
                        pltpu.async_copy(h_hbm.at[sidx.at[i + NB]],
                                         rows[j], sg[j])
            return _
        lax.fori_loop(0, (NCHUNK + NB - 1) // NB, _body, None)
        for j in range(NB):
            _wait(ss[j], rows[j])
        plsc.subcore_barrier()

        def _out(j, _):
            r0 = s * RPT + j * K
            pltpu.sync_copy(acc.at[pl.ds(r0, K)], rows[0])
            pltpu.sync_copy(rows[0], out_hbm.at[c, pl.ds(r0, K)])
            return _
        lax.fori_loop(0, RPT // K, _out, None)

    return _agg


def _tc_prep_body(deg_ref, x_ref, hs_ref, norms_ref):
    ones_w = jnp.ones((NW, 1), jnp.float32)
    cdims = (((0,), (0,)), ((), ()))
    ds_col = lax.dot_general(deg_ref[0], ones_w, cdims,
                             preferred_element_type=jnp.float32)
    dd_col = lax.dot_general(deg_ref[1], ones_w, cdims,
                             preferred_element_type=jnp.float32)
    ns_col = lax.rsqrt(jnp.maximum(ds_col, 1.0))
    nd_col = lax.rsqrt(jnp.maximum(dd_col, 1.0))
    norms_ref[...] = jnp.concatenate([ns_col, nd_col], axis=1)
    hs_ref[...] = x_ref[...] * ns_col[:N]


def _tc_prep(deg_p, x):
    return pl.pallas_call(
        _tc_prep_body,
        out_shape=(jax.ShapeDtypeStruct((N, D), jnp.float32),
                   jax.ShapeDtypeStruct((NPAD, 2), jnp.float32)),
    )(deg_p, x)


def _tc_layer1_body(p_ref, norms_ref, wa_ref, wb_ref, wc_ref,
                    ba_ref, bb_ref, bc_ref, w_ref, g_ref, be_ref, out_ref):
    w = w_ref[...]
    wn = w / jnp.sum(w)
    W = (wn[:, 0:1] * wa_ref[...] + wn[:, 1:2] * wb_ref[...]
         + wn[:, 2:3] * wc_ref[...])
    b = (wn[:, 0:1] * ba_ref[...] + wn[:, 1:2] * bb_ref[...]
         + wn[:, 2:3] * bc_ref[...])
    agg = p_ref[0] + p_ref[1]
    a = agg * norms_ref[:, 1:2]
    h = lax.dot_general(a, W, (((1,), (0,)), ((), ())),
                        preferred_element_type=jnp.float32) + b
    h = jnp.maximum(g_ref[...] * h + be_ref[...], 0.0)
    out_ref[...] = h * norms_ref[:, 0:1]


def _tc_layer1(p, norms, Wa, Wb, Wc, ba, bb, bc, w, gamma, beta):
    return pl.pallas_call(
        _tc_layer1_body,
        out_shape=jax.ShapeDtypeStruct((NPAD, D), jnp.float32),
    )(p, norms, Wa, Wb, Wc, ba.reshape(1, D), bb.reshape(1, D),
      bc.reshape(1, D), w.reshape(1, 3), gamma.reshape(1, D),
      beta.reshape(1, D))


def _tc_layer2_body(p_ref, norms_ref, wa_ref, wb_ref, wc_ref,
                    ba_ref, bb_ref, bc_ref, w_ref, out_ref):
    w = w_ref[...]
    wn = w / jnp.sum(w)
    W = (wn[:, 0:1] * wa_ref[...] + wn[:, 1:2] * wb_ref[...]
         + wn[:, 2:3] * wc_ref[...])
    b = (wn[:, 0:1] * ba_ref[...] + wn[:, 1:2] * bb_ref[...]
         + wn[:, 2:3] * bc_ref[...])
    agg = p_ref[0] + p_ref[1]
    a = agg * norms_ref[:, 1:2]
    o = lax.dot_general(a, W, (((1,), (0,)), ((), ())),
                        preferred_element_type=jnp.float32) + b
    m = jnp.max(o, axis=1, keepdims=True)
    ex = jnp.exp(o - m)
    out_ref[...] = (o - m) - jnp.log(jnp.sum(ex, axis=1, keepdims=True))


def _tc_layer2(p, norms, Wa, Wb, Wc, ba, bb, bc, w):
    return pl.pallas_call(
        _tc_layer2_body,
        out_shape=jax.ShapeDtypeStruct((NPAD, DOUT), jnp.float32),
    )(p, norms, Wa, Wb, Wc, ba.reshape(1, DOUT), bb.reshape(1, DOUT),
      bc.reshape(1, DOUT), w.reshape(1, 3))


def kernel(x, edge_index, W1a, b1a, W1b, b1b, W1c, b1c, w1, bn_gamma,
           bn_beta, W2a, b2a, W2b, b2b, W2c, b2c, w2):
    src = edge_index[0]
    dst = edge_index[1]
    src3 = src.reshape(NW, NCHUNK, K)
    dst3 = dst.reshape(NW, NCHUNK, K)
    deg_p = _make_sc_degrees()(src, dst)
    hs, norms = _tc_prep(deg_p, x)
    p1 = _make_sc_agg(N)(hs, src3, dst3)
    hs2 = _tc_layer1(p1, norms, W1a, W1b, W1c, b1a, b1b, b1c, w1,
                     bn_gamma, bn_beta)
    p2 = _make_sc_agg(NPAD)(hs2, src3, dst3)
    out = _tc_layer2(p2, norms, W2a, W2b, W2c, b2a, b2b, b2c, w2)
    return out[:N]

# --- scband reference (transcript-rebuilt; emitter-appended) ---
"""Pipeline reference for scband-net-2723009265794 (READ-ONLY COPY).

The authoritative reference and input builder live on the scoring server;
editing this copy changes nothing except your own understanding.
"""

import jax, jax.numpy as jnp
import numpy as np

N = 10000
E = 320000
DIN = 128
DH = 128
DOUT = 64


def _glorot(key, fan_in, fan_out):
    s = jnp.sqrt(6.0 / (fan_in + fan_out))
    return jax.random.uniform(key, (fan_in, fan_out), dtype=jnp.float32, minval=-s, maxval=s)


def setup_inputs(seed: int = 0) -> dict:
    key = jax.random.key(seed)
    ks = jax.random.split(key, 16)
    x = jax.random.normal(ks[0], (N, DIN), dtype=jnp.float32)
    edge_index = jax.random.randint(ks[1], (2, E), 0, N, dtype=jnp.int32)
    inp = {
        'x': x,
        'edge_index': edge_index,
        'W1a': _glorot(ks[2], DIN, DH), 'b1a': jnp.zeros((DH,), jnp.float32),
        'W1b': _glorot(ks[3], DIN, DH), 'b1b': jnp.zeros((DH,), jnp.float32),
        'W1c': _glorot(ks[4], DIN, DH), 'b1c': jnp.zeros((DH,), jnp.float32),
        'w1': jnp.ones((3,), jnp.float32),
        'bn_gamma': jnp.ones((DH,), jnp.float32),
        'bn_beta': jnp.zeros((DH,), jnp.float32),
        'W2a': _glorot(ks[5], DH, DOUT), 'b2a': jnp.zeros((DOUT,), jnp.float32),
        'W2b': _glorot(ks[6], DH, DOUT), 'b2b': jnp.zeros((DOUT,), jnp.float32),
        'W2c': _glorot(ks[7], DH, DOUT), 'b2c': jnp.zeros((DOUT,), jnp.float32),
        'w2': jnp.ones((3,), jnp.float32),
    }
    return inp


def _graph_conv(x, W, b, src, dst, norm_src, norm_dst):
    # DGL GraphConv with norm='both': D_dst^{-1/2} A D_src^{-1/2} X W + b
    h = x * norm_src[:, None]
    m = jnp.take(h, src, axis=0)
    agg = jax.ops.segment_sum(m, dst, num_segments=N)
    agg = agg * norm_dst[:, None]
    return agg @ W + b


def _conet(x, Wa, ba, Wb, bb, Wc, bc, w, src, dst, ns, nd):
    x1 = _graph_conv(x, Wa, ba, src, dst, ns, nd)
    x2 = _graph_conv(x, Wb, bb, src, dst, ns, nd)
    x3 = _graph_conv(x, Wc, bc, src, dst, ns, nd)
    wn = w / jnp.sum(w)
    return wn[0] * x1 + wn[1] * x2 + wn[2] * x3


def reference(x, edge_index, W1a, b1a, W1b, b1b, W1c, b1c, w1, bn_gamma, bn_beta, W2a, b2a, W2b, b2b, W2c, b2c, w2):
    src = edge_index[0]
    dst = edge_index[1]
    deg_out = jnp.bincount(src, length=N).astype(jnp.float32)
    deg_in = jnp.bincount(dst, length=N).astype(jnp.float32)
    ns = 1.0 / jnp.sqrt(jnp.clip(deg_out, 1.0))
    nd = 1.0 / jnp.sqrt(jnp.clip(deg_in, 1.0))
    h = _conet(x, W1a, b1a, W1b, b1b, W1c, b1c, w1, src, dst, ns, nd)
    # BatchNorm1d in eval mode with fresh running stats (mean=0, var=1)
    h = bn_gamma * h + bn_beta
    h = jax.nn.relu(h)
    # dropout is identity in eval mode
    out = _conet(h, W2a, b2a, W2b, b2b, W2c, b2c, w2, src, dst, ns, nd)
    return jax.nn.log_softmax(out, axis=1)

if __name__ == "__main__":
    import jax
    _d = setup_inputs()
    print(jax.jit(kernel)(*tuple(_d.values())))

</pallas_src>

<mosaic_0001>
#map = affine_map<(d0, d1) -> (0)>
#map1 = affine_map<(d0, d1) -> (0, 0, 0)>
module attributes {stable_mosaic.version = 14 : i64} {
  func.func @_sc_degrees_body(%arg0: i32, %arg1: i32, %arg2: memref<320000xi32, #tpu.memory_space<hbm>>, %arg3: memref<320000xi32, #tpu.memory_space<hbm>>, %arg4: memref<2x32x10240xf32, #tpu.memory_space<hbm>>, %arg5: memref<10240xf32, #tpu.memory_space<vmem>>, %arg6: memref<10240xf32, #tpu.memory_space<vmem>>, %arg7: memref<2000xi32, #tpu.memory_space<vmem>>, %arg8: memref<2000xi32, #tpu.memory_space<vmem>>) attributes {dimension_semantics = [#tpu.dimension_semantics<core_parallel>, #tpu.dimension_semantics<subcore_parallel>], iteration_bounds = array<i64: 2, 16>, scalar_prefetch = 0 : i64, scratch_operands = 4 : i64, tpu.core_type = #tpu.core_type<sc_vector_subcore>, window_params = [{transform_indices = #map}, {transform_indices = #map}, {transform_indices = #map1}]} {
    %mul3A = arith.constant 16 : i32
    %mul3A_0 = arith.muli %arg0, %mul3A : i32
    %add3A = arith.addi %mul3A_0, %arg1 : i32
    %mul3A_1 = arith.constant 10000 : i32
    %mul3A_2 = arith.muli %add3A, %mul3A_1 : i32
    %broadcast_in_dim3A = arith.constant 0.000000e+00 : f32
    %broadcast_in_dim3A_3 = vector.broadcast %broadcast_in_dim3A : f32 to vector<16xf32>
    %broadcast_in_dim3A_4 = arith.constant 1.000000e+00 : f32
    %broadcast_in_dim3A_5 = vector.broadcast %broadcast_in_dim3A_4 : f32 to vector<16xf32>
    %scan3A = arith.constant 0 : i32
    %scan3A_6 = arith.constant 640 : i32
    %scan3A_7 = arith.addi %scan3A, %scan3A_6 : i32
    %scan3A_8 = arith.constant 1 : i32
    scf.for %scan3A_16 = %scan3A to %scan3A_7 step %scan3A_8  : i32 {
      %mul3A_17 = arith.constant 16 : i32
      %mul3A_18 = arith.muli %scan3A_16, %mul3A_17 : i32
      %swap3A = arith.index_cast %mul3A_18 : i32 to index
      %swap3A_19 = tpu.vector_load %arg5[%swap3A] {strides = array<i32>} : memref<10240xf32, #tpu.memory_space<vmem>>, vector<16xf32>,
      tpu.vector_store %arg5[%swap3A], %broadcast_in_dim3A_3 {strides = array<i32>} : memref<10240xf32, #tpu.memory_space<vmem>>, vector<16xf32>,
      %mul3A_20 = arith.constant 16 : i32
      %mul3A_21 = arith.muli %scan3A_16, %mul3A_20 : i32
      %swap3A_22 = arith.index_cast %mul3A_21 : i32 to index
      %swap3A_23 = tpu.vector_load %arg6[%swap3A_22] {strides = array<i32>} : memref<10240xf32, #tpu.memory_space<vmem>>, vector<16xf32>,
      tpu.vector_store %arg6[%swap3A_22], %broadcast_in_dim3A_3 {strides = array<i32>} : memref<10240xf32, #tpu.memory_space<vmem>>, vector<16xf32>,
    }
    %scan3A_9 = arith.constant 640 : i32
    %scan3A_10 = arith.constant 0 : i32
    %scan3A_11 = arith.constant 5 : i32
    %scan3A_12 = arith.addi %scan3A_10, %scan3A_11 : i32
    %scan3A_13 = arith.constant 1 : i32
    scf.for %scan3A_16 = %scan3A_10 to %scan3A_12 step %scan3A_13  : i32 {
      %mul3A_17 = arith.constant 2000 : i32
      %mul3A_18 = arith.muli %scan3A_16, %mul3A_17 : i32
      %add3A_19 = arith.addi %mul3A_2, %mul3A_18 : i32
      "tpu.region"() ({
        %run_scoped3A_28 = tpu.sem_alloc : memref<!tpu.dma_semaphore, #tpu.memory_space<semaphore_mem>>
        %dma_start3A = tpu.memref_slice %arg2[%add3A_19] : memref<320000xi32, #tpu.memory_space<hbm>> -> memref<2000xi32, #tpu.memory_space<hbm>>
        %dma_start3A_29 = tpu.memref_slice %arg2[%add3A_19] : memref<320000xi32, #tpu.memory_space<hbm>> -> memref<2000xi32, #tpu.memory_space<hbm>>
        tpu.enqueue_dma source(%dma_start3A_29 : memref<2000xi32, #tpu.memory_space<hbm>>) target(%arg7 : memref<2000xi32, #tpu.memory_space<vmem>>) target_semaphore(%run_scoped3A_28 : memref<!tpu.dma_semaphore, #tpu.memory_space<semaphore_mem>>)
        %dma_wait3A = tpu.memref_slice %arg2[%add3A_19] : memref<320000xi32, #tpu.memory_space<hbm>> -> memref<2000xi32, #tpu.memory_space<hbm>>
        %dma_wait3A_30 = tpu.memref_slice %arg2[%add3A_19] : memref<320000xi32, #tpu.memory_space<hbm>> -> memref<2000xi32, #tpu.memory_space<hbm>>
        tpu.wait_dma2 semaphore(%run_scoped3A_28 : memref<!tpu.dma_semaphore, #tpu.memory_space<semaphore_mem>>) src(%dma_wait3A_30 : memref<2000xi32, #tpu.memory_space<hbm>>) dst(%arg7 : memref<2000xi32, #tpu.memory_space<vmem>>)
        tpu.yield
      }) : () -> ()
      %mul3A_20 = arith.constant 2000 : i32
      %mul3A_21 = arith.muli %scan3A_16, %mul3A_20 : i32
      %add3A_22 = arith.addi %mul3A_2, %mul3A_21 : i32
      "tpu.region"() ({
        %run_scoped3A_28 = tpu.sem_alloc : memref<!tpu.dma_semaphore, #tpu.memory_space<semaphore_mem>>
        %dma_start3A = tpu.memref_slice %arg3[%add3A_22] : memref<320000xi32, #tpu.memory_space<hbm>> -> memref<2000xi32, #tpu.memory_space<hbm>>
        %dma_start3A_29 = tpu.memref_slice %arg3[%add3A_22] : memref<320000xi32, #tpu.memory_space<hbm>> -> memref<2000xi32, #tpu.memory_space<hbm>>
        tpu.enqueue_dma source(%dma_start3A_29 : memref<2000xi32, #tpu.memory_space<hbm>>) target(%arg8 : memref<2000xi32, #tpu.memory_space<vmem>>) target_semaphore(%run_scoped3A_28 : memref<!tpu.dma_semaphore, #tpu.memory_space<semaphore_mem>>)
        %dma_wait3A = tpu.memref_slice %arg3[%add3A_22] : memref<320000xi32, #tpu.memory_space<hbm>> -> memref<2000xi32, #tpu.memory_space<hbm>>
        %dma_wait3A_30 = tpu.memref_slice %arg3[%add3A_22] : memref<320000xi32, #tpu.memory_space<hbm>> -> memref<2000xi32, #tpu.memory_space<hbm>>
        tpu.wait_dma2 semaphore(%run_scoped3A_28 : memref<!tpu.dma_semaphore, #tpu.memory_space<semaphore_mem>>) src(%dma_wait3A_30 : memref<2000xi32, #tpu.memory_space<hbm>>) dst(%arg8 : memref<2000xi32, #tpu.memory_space<vmem>>)
        tpu.yield
      }) : () -> ()
      %scan3A_23 = arith.constant 0 : i32
      %scan3A_24 = arith.constant 125 : i32
      %scan3A_25 = arith.addi %scan3A_23, %scan3A_24 : i32
      %scan3A_26 = arith.constant 1 : i32
      scf.for %scan3A_28 = %scan3A_23 to %scan3A_25 step %scan3A_26  : i32 {
        %mul3A_29 = arith.constant 16 : i32
        %mul3A_30 = arith.muli %scan3A_28, %mul3A_29 : i32
        %get3A = arith.index_cast %mul3A_30 : i32 to index
        %get3A_31 = tpu.vector_load %arg7[%get3A] {strides = array<i32>} : memref<2000xi32, #tpu.memory_space<vmem>>, vector<16xi32>,
        %mul3A_32 = arith.constant 16 : i32
        %mul3A_33 = arith.muli %scan3A_28, %mul3A_32 : i32
        %get3A_34 = arith.index_cast %mul3A_33 : i32 to index
        %get3A_35 = tpu.vector_load %arg8[%get3A_34] {strides = array<i32>} : memref<2000xi32, #tpu.memory_space<vmem>>, vector<16xi32>,
        tpu.vector_store_idx %arg5[%get3A_31], %broadcast_in_dim3A_5 {add = true} : memref<10240xf32, #tpu.memory_space<vmem>>[vector<16xi32>], vector<16xf32>,
        tpu.vector_store_idx %arg6[%get3A_35], %broadcast_in_dim3A_5 {add = true} : memref<10240xf32, #tpu.memory_space<vmem>>[vector<16xi32>], vector<16xf32>,
      }
      %scan3A_27 = arith.constant 125 : i32
    }
    %scan3A_14 = arith.constant 5 : i32
    %run_scoped3A = arith.constant 0 : i32
    "tpu.region"() ({
      %run_scoped3A_16 = tpu.sem_alloc : memref<!tpu.dma_semaphore, #tpu.memory_space<semaphore_mem>>
      %dma_start3A = arith.constant 0 : i32
      %dma_start3A_17 = tpu.memref_slice %arg4[%run_scoped3A, %add3A, %dma_start3A] : memref<2x32x10240xf32, #tpu.memory_space<hbm>> -> memref<1x1x10240xf32, #tpu.memory_space<hbm>>
      %dma_start3A_18 = tpu.memref_squeeze %dma_start3A_17 : memref<1x1x10240xf32, #tpu.memory_space<hbm>> -> memref<10240xf32, #tpu.memory_space<hbm>>
      %dma_start3A_19 = arith.constant 0 : i32
      %dma_start3A_20 = tpu.memref_slice %arg4[%run_scoped3A, %add3A, %dma_start3A_19] : memref<2x32x10240xf32, #tpu.memory_space<hbm>> -> memref<1x1x10240xf32, #tpu.memory_space<hbm>>
      %dma_start3A_21 = tpu.memref_squeeze %dma_start3A_20 : memref<1x1x10240xf32, #tpu.memory_space<hbm>> -> memref<10240xf32, #tpu.memory_space<hbm>>
      tpu.enqueue_dma source(%arg5 : memref<10240xf32, #tpu.memory_space<vmem>>) target(%dma_start3A_21 : memref<10240xf32, #tpu.memory_space<hbm>>) target_semaphore(%run_scoped3A_16 : memref<!tpu.dma_semaphore, #tpu.memory_space<semaphore_mem>>)
      %dma_wait3A = arith.constant 0 : i32
      %dma_wait3A_22 = tpu.memref_slice %arg4[%run_scoped3A, %add3A, %dma_wait3A] : memref<2x32x10240xf32, #tpu.memory_space<hbm>> -> memref<1x1x10240xf32, #tpu.memory_space<hbm>>
      %dma_wait3A_23 = tpu.memref_squeeze %dma_wait3A_22 : memref<1x1x10240xf32, #tpu.memory_space<hbm>> -> memref<10240xf32, #tpu.memory_space<hbm>>
      %dma_wait3A_24 = arith.constant 0 : i32
      %dma_wait3A_25 = tpu.memref_slice %arg4[%run_scoped3A, %add3A, %dma_wait3A_24] : memref<2x32x10240xf32, #tpu.memory_space<hbm>> -> memref<1x1x10240xf32, #tpu.memory_space<hbm>>
      %dma_wait3A_26 = tpu.memref_squeeze %dma_wait3A_25 : memref<1x1x10240xf32, #tpu.memory_space<hbm>> -> memref<10240xf32, #tpu.memory_space<hbm>>
      tpu.wait_dma2 semaphore(%run_scoped3A_16 : memref<!tpu.dma_semaphore, #tpu.memory_space<semaphore_mem>>) src(%arg5 : memref<10240xf32, #tpu.memory_space<vmem>>) dst(%dma_wait3A_26 : memref<10240xf32, #tpu.memory_space<hbm>>)
      tpu.yield
    }) : () -> ()
    %run_scoped3A_15 = arith.constant 1 : i32
    "tpu.region"() ({
      %run_scoped3A_16 = tpu.sem_alloc : memref<!tpu.dma_semaphore, #tpu.memory_space<semaphore_mem>>
      %dma_start3A = arith.constant 0 : i32
      %dma_start3A_17 = tpu.memref_slice %arg4[%run_scoped3A_15, %add3A, %dma_start3A] : memref<2x32x10240xf32, #tpu.memory_space<hbm>> -> memref<1x1x10240xf32, #tpu.memory_space<hbm>>
      %dma_start3A_18 = tpu.memref_squeeze %dma_start3A_17 : memref<1x1x10240xf32, #tpu.memory_space<hbm>> -> memref<10240xf32, #tpu.memory_space<hbm>>
      %dma_start3A_19 = arith.constant 0 : i32
      %dma_start3A_20 = tpu.memref_slice %arg4[%run_scoped3A_15, %add3A, %dma_start3A_19] : memref<2x32x10240xf32, #tpu.memory_space<hbm>> -> memref<1x1x10240xf32, #tpu.memory_space<hbm>>
      %dma_start3A_21 = tpu.memref_squeeze %dma_start3A_20 : memref<1x1x10240xf32, #tpu.memory_space<hbm>> -> memref<10240xf32, #tpu.memory_space<hbm>>
      tpu.enqueue_dma source(%arg6 : memref<10240xf32, #tpu.memory_space<vmem>>) target(%dma_start3A_21 : memref<10240xf32, #tpu.memory_space<hbm>>) target_semaphore(%run_scoped3A_16 : memref<!tpu.dma_semaphore, #tpu.memory_space<semaphore_mem>>)
      %dma_wait3A = arith.constant 0 : i32
      %dma_wait3A_22 = tpu.memref_slice %arg4[%run_scoped3A_15, %add3A, %dma_wait3A] : memref<2x32x10240xf32, #tpu.memory_space<hbm>> -> memref<1x1x10240xf32, #tpu.memory_space<hbm>>
      %dma_wait3A_23 = tpu.memref_squeeze %dma_wait3A_22 : memref<1x1x10240xf32, #tpu.memory_space<hbm>> -> memref<10240xf32, #tpu.memory_space<hbm>>
      %dma_wait3A_24 = arith.constant 0 : i32
      %dma_wait3A_25 = tpu.memref_slice %arg4[%run_scoped3A_15, %add3A, %dma_wait3A_24] : memref<2x32x10240xf32, #tpu.memory_space<hbm>> -> memref<1x1x10240xf32, #tpu.memory_space<hbm>>
      %dma_wait3A_26 = tpu.memref_squeeze %dma_wait3A_25 : memref<1x1x10240xf32, #tpu.memory_space<hbm>> -> memref<10240xf32, #tpu.memory_space<hbm>>
      tpu.wait_dma2 semaphore(%run_scoped3A_16 : memref<!tpu.dma_semaphore, #tpu.memory_space<semaphore_mem>>) src(%arg6 : memref<10240xf32, #tpu.memory_space<vmem>>) dst(%dma_wait3A_26 : memref<10240xf32, #tpu.memory_space<hbm>>)
      tpu.yield
    }) : () -> ()
    return
  }
}

#map = affine_map<(d0, d1) -> (0, 0)>
#map1 = affine_map<(d0, d1) -> (0, 0, 0)>
module attributes {stable_mosaic.version = 14 : i64} {
  func.func @_agg(%arg0: i32, %arg1: i32, %arg2: memref<10000x128xf32, #tpu.memory_space<hbm>>, %arg3: memref<32x250x40xi32, #tpu.memory_space<hbm>>, %arg4: memref<32x250x40xi32, #tpu.memory_space<hbm>>, %arg5: memref<2x10240x128xf32, #tpu.memory_space<hbm>>, %arg6: memref<10240x128xf32, #tpu.memory_space<vmem_shared>>, %arg7: memref<250x40xi32, #tpu.memory_space<vmem>>, %arg8: memref<5x40xi32, #tpu.memory_space<vmem>>, %arg9: memref<40x128xf32, #tpu.memory_space<vmem>>, %arg10: memref<40x128xf32, #tpu.memory_space<vmem>>, %arg11: memref<40x128xf32, #tpu.memory_space<vmem>>, %arg12: memref<40x128xf32, #tpu.memory_space<vmem>>, %arg13: memref<40x128xf32, #tpu.memory_space<vmem>>, %arg14: memref<!tpu.dma_semaphore, #tpu.memory_space<semaphore_mem>>, %arg15: memref<!tpu.dma_semaphore, #tpu.memory_space<semaphore_mem>>, %arg16: memref<!tpu.dma_semaphore, #tpu.memory_space<semaphore_mem>>, %arg17: memref<!tpu.dma_semaphore, #tpu.memory_space<semaphore_mem>>, %arg18: memref<!tpu.dma_semaphore, #tpu.memory_space<semaphore_mem>>, %arg19: memref<!tpu.dma_semaphore, #tpu.memory_space<semaphore_mem>>, %arg20: memref<!tpu.dma_semaphore, #tpu.memory_space<semaphore_mem>>, %arg21: memref<!tpu.dma_semaphore, #tpu.memory_space<semaphore_mem>>, %arg22: memref<!tpu.dma_semaphore, #tpu.memory_space<semaphore_mem>>, %arg23: memref<!tpu.dma_semaphore, #tpu.memory_space<semaphore_mem>>, %arg24: memref<!tpu.dma_semaphore, #tpu.memory_space<semaphore_mem>>, %arg25: memref<!tpu.dma_semaphore, #tpu.memory_space<semaphore_mem>>, %arg26: memref<!tpu.dma_semaphore, #tpu.memory_space<semaphore_mem>>, %arg27: memref<!tpu.dma_semaphore, #tpu.memory_space<semaphore_mem>>, %arg28: memref<!tpu.dma_semaphore, #tpu.memory_space<semaphore_mem>>) attributes {dimension_semantics = [#tpu.dimension_semantics<core_parallel>, #tpu.dimension_semantics<subcore_parallel>], iteration_bounds = array<i64: 2, 16>, scalar_prefetch = 0 : i64, scratch_operands = 23 : i64, tpu.core_type = #tpu.core_type<sc_vector_subcore>, window_params = [{transform_indices = #map}, {transform_indices = #map1}, {transform_indices = #map1}, {transform_indices = #map1}]} {
    %mul3A = arith.constant 16 : i32
    %mul3A_0 = arith.muli %arg0, %mul3A : i32
    %add3A = arith.addi %mul3A_0, %arg1 : i32
    %broadcast_in_dim3A = arith.constant 0.000000e+00 : f32
    %broadcast_in_dim3A_1 = vector.broadcast %broadcast_in_dim3A : f32 to vector<16xf32>
    %scan3A = arith.constant 0 : i32
    %scan3A_2 = arith.constant 40 : i32
    %scan3A_3 = arith.addi %scan3A, %scan3A_2 : i32
    %scan3A_4 = arith.constant 1 : i32
    scf.for %scan3A_155 = %scan3A to %scan3A_3 step %scan3A_4  : i32 {
      %swap3A = arith.index_cast %scan3A_155 : i32 to index
      %swap3A_156 = arith.constant 0 : index
      %swap3A_157 = tpu.vector_load %arg9[%swap3A, %swap3A_156] {strides = array<i32>} : memref<40x128xf32, #tpu.memory_space<vmem>>, vector<1x16xf32>,
      %swap3A_158 = vector.shape_cast %swap3A_157 : vector<1x16xf32> to vector<16xf32>
      %swap3A_159 = vector.shape_cast %broadcast_in_dim3A_1 : vector<16xf32> to vector<1x16xf32>
      tpu.vector_store %arg9[%swap3A, %swap3A_156], %swap3A_159 {strides = array<i32>} : memref<40x128xf32, #tpu.memory_space<vmem>>, vector<1x16xf32>,
      %swap3A_160 = arith.index_cast %scan3A_155 : i32 to index
      %swap3A_161 = arith.constant 16 : index
      %swap3A_162 = tpu.vector_load %arg9[%swap3A_160, %swap3A_161] {strides = array<i32>} : memref<40x128xf32, #tpu.memory_space<vmem>>, vector<1x16xf32>,
      %swap3A_163 = vector.shape_cast %swap3A_162 : vector<1x16xf32> to vector<16xf32>
      %swap3A_164 = vector.shape_cast %broadcast_in_dim3A_1 : vector<16xf32> to vector<1x16xf32>
      tpu.vector_store %arg9[%swap3A_160, %swap3A_161], %swap3A_164 {strides = array<i32>} : memref<40x128xf32, #tpu.memory_space<vmem>>, vector<1x16xf32>,
      %swap3A_165 = arith.index_cast %scan3A_155 : i32 to index
      %swap3A_166 = arith.constant 32 : index
      %swap3A_167 = tpu.vector_load %arg9[%swap3A_165, %swap3A_166] {strides = array<i32>} : memref<40x128xf32, #tpu.memory_space<vmem>>, vector<1x16xf32>,
      %swap3A_168 = vector.shape_cast %swap3A_167 : vector<1x16xf32> to vector<16xf32>
      %swap3A_169 = vector.shape_cast %broadcast_in_dim3A_1 : vector<16xf32> to vector<1x16xf32>
      tpu.vector_store %arg9[%swap3A_165, %swap3A_166], %swap3A_169 {strides = array<i32>} : memref<40x128xf32, #tpu.memory_space<vmem>>, vector<1x16xf32>,
      %swap3A_170 = arith.index_cast %scan3A_155 : i32 to index
      %swap3A_171 = arith.constant 48 : index
      %swap3A_172 = tpu.vector_load %arg9[%swap3A_170, %swap3A_171] {strides = array<i32>} : memref<40x128xf32, #tpu.memory_space<vmem>>, vector<1x16xf32>,
      %swap3A_173 = vector.shape_cast %swap3A_172 : vector<1x16xf32> to vector<16xf32>
      %swap3A_174 = vector.shape_cast %broadcast_in_dim3A_1 : vector<16xf32> to vector<1x16xf32>
      tpu.vector_store %arg9[%swap3A_170, %swap3A_171], %swap3A_174 {strides = array<i32>} : memref<40x128xf32, #tpu.memory_space<vmem>>, vector<1x16xf32>,
      %swap3A_175 = arith.index_cast %scan3A_155 : i32 to index
      %swap3A_176 = arith.constant 64 : index
      %swap3A_177 = tpu.vector_load %arg9[%swap3A_175, %swap3A_176] {strides = array<i32>} : memref<40x128xf32, #tpu.memory_space<vmem>>, vector<1x16xf32>,
      %swap3A_178 = vector.shape_cast %swap3A_177 : vector<1x16xf32> to vector<16xf32>
      %swap3A_179 = vector.shape_cast %broadcast_in_dim3A_1 : vector<16xf32> to vector<1x16xf32>
      tpu.vector_store %arg9[%swap3A_175, %swap3A_176], %swap3A_179 {strides = array<i32>} : memref<40x128xf32, #tpu.memory_space<vmem>>, vector<1x16xf32>,
      %swap3A_180 = arith.index_cast %scan3A_155 : i32 to index
      %swap3A_181 = arith.constant 80 : index
      %swap3A_182 = tpu.vector_load %arg9[%swap3A_180, %swap3A_181] {strides = array<i32>} : memref<40x128xf32, #tpu.memory_space<vmem>>, vector<1x16xf32>,
      %swap3A_183 = vector.shape_cast %swap3A_182 : vector<1x16xf32> to vector<16xf32>
      %swap3A_184 = vector.shape_cast %broadcast_in_dim3A_1 : vector<16xf32> to vector<1x16xf32>
      tpu.vector_store %arg9[%swap3A_180, %swap3A_181], %swap3A_184 {strides = array<i32>} : memref<40x128xf32, #tpu.memory_space<vmem>>, vector<1x16xf32>,
      %swap3A_185 = arith.index_cast %scan3A_155 : i32 to index
      %swap3A_186 = arith.constant 96 : index
      %swap3A_187 = tpu.vector_load %arg9[%swap3A_185, %swap3A_186] {strides = array<i32>} : memref<40x128xf32, #tpu.memory_space<vmem>>, vector<1x16xf32>,
      %swap3A_188 = vector.shape_cast %swap3A_187 : vector<1x16xf32> to vector<16xf32>
      %swap3A_189 = vector.shape_cast %broadcast_in_dim3A_1 : vector<16xf32> to vector<1x16xf32>
      tpu.vector_store %arg9[%swap3A_185, %swap3A_186], %swap3A_189 {strides = array<i32>} : memref<40x128xf32, #tpu.memory_space<vmem>>, vector<1x16xf32>,
      %swap3A_190 = arith.index_cast %scan3A_155 : i32 to index
      %swap3A_191 = arith.constant 112 : index
      %swap3A_192 = tpu.vector_load %arg9[%swap3A_190, %swap3A_191] {strides = array<i32>} : memref<40x128xf32, #tpu.memory_space<vmem>>, vector<1x16xf32>,
      %swap3A_193 = vector.shape_cast %swap3A_192 : vector<1x16xf32> to vector<16xf32>
      %swap3A_194 = vector.shape_cast %broadcast_in_dim3A_1 : vector<16xf32> to vector<1x16xf32>
      tpu.vector_store %arg9[%swap3A_190, %swap3A_191], %swap3A_194 {strides = array<i32>} : memref<40x128xf32, #tpu.memory_space<vmem>>, vector<1x16xf32>,
    }
    %scan3A_5 = arith.constant 40 : i32
    %scan3A_6 = arith.constant 0 : i32
    %scan3A_7 = arith.constant 16 : i32
    %scan3A_8 = arith.addi %scan3A_6, %scan3A_7 : i32
    %scan3A_9 = arith.constant 1 : i32
    scf.for %scan3A_155 = %scan3A_6 to %scan3A_8 step %scan3A_9  : i32 {
      %mul3A_156 = arith.constant 640 : i32
      %mul3A_157 = arith.muli %arg1, %mul3A_156 : i32
      %mul3A_158 = arith.constant 40 : i32
      %mul3A_159 = arith.muli %scan3A_155, %mul3A_158 : i32
      %add3A_160 = arith.addi %mul3A_157, %mul3A_159 : i32
      "tpu.region"() ({
        %run_scoped3A = tpu.sem_alloc : memref<!tpu.dma_semaphore, #tpu.memory_space<semaphore_mem>>
        %dma_start3A_161 = arith.constant 0 : i32
        %dma_start3A_162 = tpu.memref_slice %arg6[%add3A_160, %dma_start3A_161] : memref<10240x128xf32, #tpu.memory_space<vmem_shared>> -> memref<40x128xf32, #tpu.memory_space<vmem_shared>>
        %dma_start3A_163 = arith.constant 0 : i32
        %dma_start3A_164 = tpu.memref_slice %arg6[%add3A_160, %dma_start3A_163] : memref<10240x128xf32, #tpu.memory_space<vmem_shared>> -> memref<40x128xf32, #tpu.memory_space<vmem_shared>>
        tpu.enqueue_dma source(%arg9 : memref<40x128xf32, #tpu.memory_space<vmem>>) target(%dma_start3A_164 : memref<40x128xf32, #tpu.memory_space<vmem_shared>>) target_semaphore(%run_scoped3A : memref<!tpu.dma_semaphore, #tpu.memory_space<semaphore_mem>>)
        %dma_wait3A_165 = arith.constant 0 : i32
        %dma_wait3A_166 = tpu.memref_slice %arg6[%add3A_160, %dma_wait3A_165] : memref<10240x128xf32, #tpu.memory_space<vmem_shared>> -> memref<40x128xf32, #tpu.memory_space<vmem_shared>>
        %dma_wait3A_167 = arith.constant 0 : i32
        %dma_wait3A_168 = tpu.memref_slice %arg6[%add3A_160, %dma_wait3A_167] : memref<10240x128xf32, #tpu.memory_space<vmem_shared>> -> memref<40x128xf32, #tpu.memory_space<vmem_shared>>
        tpu.wait_dma2 semaphore(%run_scoped3A : memref<!tpu.dma_semaphore, #tpu.memory_space<semaphore_mem>>) src(%arg9 : memref<40x128xf32, #tpu.memory_space<vmem>>) dst(%dma_wait3A_168 : memref<40x128xf32, #tpu.memory_space<vmem_shared>>)
        tpu.yield
      }) : () -> ()
    }
    %scan3A_10 = arith.constant 16 : i32
    "tpu.region"() ({
      %run_scoped3A = tpu.sem_alloc : memref<!tpu.dma_semaphore, #tpu.memory_space<semaphore_mem>>
      %dma_start3A_155 = arith.constant 0 : i32
      %dma_start3A_156 = arith.constant 0 : i32
      %dma_start3A_157 = tpu.memref_slice %arg3[%add3A, %dma_start3A_155, %dma_start3A_156] : memref<32x250x40xi32, #tpu.memory_space<hbm>> -> memref<1x250x40xi32, #tpu.memory_space<hbm>>
      %dma_start3A_158 = tpu.memref_squeeze %dma_start3A_157 : memref<1x250x40xi32, #tpu.memory_space<hbm>> -> memref<250x40xi32, #tpu.memory_space<hbm>>
      %dma_start3A_159 = arith.constant 0 : i32
      %dma_start3A_160 = arith.constant 0 : i32
      %dma_start3A_161 = tpu.memref_slice %arg3[%add3A, %dma_start3A_159, %dma_start3A_160] : memref<32x250x40xi32, #tpu.memory_space<hbm>> -> memref<1x250x40xi32, #tpu.memory_space<hbm>>
      %dma_start3A_162 = tpu.memref_squeeze %dma_start3A_161 : memref<1x250x40xi32, #tpu.memory_space<hbm>> -> memref<250x40xi32, #tpu.memory_space<hbm>>
      tpu.enqueue_dma source(%dma_start3A_162 : memref<250x40xi32, #tpu.memory_space<hbm>>) target(%arg7 : memref<250x40xi32, #tpu.memory_space<vmem>>) target_semaphore(%run_scoped3A : memref<!tpu.dma_semaphore, #tpu.memory_space<semaphore_mem>>)
      %dma_wait3A_163 = arith.constant 0 : i32
      %dma_wait3A_164 = arith.constant 0 : i32
      %dma_wait3A_165 = tpu.memref_slice %arg3[%add3A, %dma_wait3A_163, %dma_wait3A_164] : memref<32x250x40xi32, #tpu.memory_space<hbm>> -> memref<1x250x40xi32, #tpu.memory_space<hbm>>
      %dma_wait3A_166 = tpu.memref_squeeze %dma_wait3A_165 : memref<1x250x40xi32, #tpu.memory_space<hbm>> -> memref<250x40xi32, #tpu.memory_space<hbm>>
      %dma_wait3A_167 = arith.constant 0 : i32
      %dma_wait3A_168 = arith.constant 0 : i32
      %dma_wait3A_169 = tpu.memref_slice %arg3[%add3A, %dma_wait3A_167, %dma_wait3A_168] : memref<32x250x40xi32, #tpu.memory_space<hbm>> -> memref<1x250x40xi32, #tpu.memory_space<hbm>>
      %dma_wait3A_170 = tpu.memref_squeeze %dma_wait3A_169 : memref<1x250x40xi32, #tpu.memory_space<hbm>> -> memref<250x40xi32, #tpu.memory_space<hbm>>
      tpu.wait_dma2 semaphore(%run_scoped3A : memref<!tpu.dma_semaphore, #tpu.memory_space<semaphore_mem>>) src(%dma_wait3A_170 : memref<250x40xi32, #tpu.memory_space<hbm>>) dst(%arg7 : memref<250x40xi32, #tpu.memory_space<vmem>>)
      tpu.yield
    }) : () -> ()
    %barrier3A = arith.constant 0 : index
    tpu.barrier barrier_id(%barrier3A)
    %dma_start3A = arith.constant 0 : i32
    %dma_start3A_11 = arith.constant 0 : i32
    %dma_start3A_12 = arith.constant 0 : i32
    %dma_start3A_13 = tpu.memref_slice %arg8[%dma_start3A_11, %dma_start3A_12] : memref<5x40xi32, #tpu.memory_space<vmem>> -> memref<1x40xi32, #tpu.memory_space<vmem>>
    %dma_start3A_14 = tpu.memref_squeeze %dma_start3A_13 : memref<1x40xi32, #tpu.memory_space<vmem>> -> memref<40xi32, #tpu.memory_space<vmem>>
    %dma_start3A_15 = arith.constant 0 : i32
    %dma_start3A_16 = tpu.memref_slice %arg4[%add3A, %dma_start3A, %dma_start3A_15] : memref<32x250x40xi32, #tpu.memory_space<hbm>> -> memref<1x1x40xi32, #tpu.memory_space<hbm>>
    %dma_start3A_17 = tpu.memref_squeeze %dma_start3A_16 : memref<1x1x40xi32, #tpu.memory_space<hbm>> -> memref<40xi32, #tpu.memory_space<hbm>>
    %dma_start3A_18 = arith.constant 0 : i32
    %dma_start3A_19 = tpu.memref_slice %arg8[%dma_start3A_11, %dma_start3A_18] : memref<5x40xi32, #tpu.memory_space<vmem>> -> memref<1x40xi32, #tpu.memory_space<vmem>>
    %dma_start3A_20 = tpu.memref_squeeze %dma_start3A_19 : memref<1x40xi32, #tpu.memory_space<vmem>> -> memref<40xi32, #tpu.memory_space<vmem>>
    %dma_start3A_21 = arith.constant 0 : i32
    %dma_start3A_22 = tpu.memref_slice %arg4[%add3A, %dma_start3A, %dma_start3A_21] : memref<32x250x40xi32, #tpu.memory_space<hbm>> -> memref<1x1x40xi32, #tpu.memory_space<hbm>>
    %dma_start3A_23 = tpu.memref_squeeze %dma_start3A_22 : memref<1x1x40xi32, #tpu.memory_space<hbm>> -> memref<40xi32, #tpu.memory_space<hbm>>
    tpu.enqueue_dma source(%dma_start3A_23 : memref<40xi32, #tpu.memory_space<hbm>>) target(%dma_start3A_20 : memref<40xi32, #tpu.memory_space<vmem>>) target_semaphore(%arg24 : memref<!tpu.dma_semaphore, #tpu.memory_space<semaphore_mem>>)
    %dma_start3A_24 = arith.constant 0 : i32
    %dma_start3A_25 = arith.constant 0 : i32
    %dma_start3A_26 = tpu.memref_slice %arg7[%dma_start3A_24, %dma_start3A_25] : memref<250x40xi32, #tpu.memory_space<vmem>> -> memref<1x40xi32, #tpu.memory_space<vmem>>
    %dma_start3A_27 = tpu.memref_squeeze %dma_start3A_26 : memref<1x40xi32, #tpu.memory_space<vmem>> -> memref<40xi32, #tpu.memory_space<vmem>>
    %dma_start3A_28 = arith.constant 0 : i32
    %dma_start3A_29 = arith.constant 0 : i32
    %dma_start3A_30 = tpu.memref_slice %arg2[%dma_start3A_28, %dma_start3A_29] : memref<10000x128xf32, #tpu.memory_space<hbm>> -> memref<10000x128xf32, #tpu.memory_space<hbm>>
    tpu.enqueue_indirect_dma source(%dma_start3A_30 : memref<10000x128xf32, #tpu.memory_space<hbm>>) target(%arg9 : memref<40x128xf32, #tpu.memory_space<vmem>>) offsets(%dma_start3A_27 : memref<40xi32, #tpu.memory_space<vmem>>) semaphore(%arg14 : memref<!tpu.dma_semaphore, #tpu.memory_space<semaphore_mem>>)
    %dma_start3A_31 = arith.constant 1 : i32
    %dma_start3A_32 = arith.constant 1 : i32
    %dma_start3A_33 = arith.constant 0 : i32
    %dma_start3A_34 = tpu.memref_slice %arg8[%dma_start3A_32, %dma_start3A_33] : memref<5x40xi32, #tpu.memory_space<vmem>> -> memref<1x40xi32, #tpu.memory_space<vmem>>
    %dma_start3A_35 = tpu.memref_squeeze %dma_start3A_34 : memref<1x40xi32, #tpu.memory_space<vmem>> -> memref<40xi32, #tpu.memory_space<vmem>>
    %dma_start3A_36 = arith.constant 0 : i32
    %dma_start3A_37 = tpu.memref_slice %arg4[%add3A, %dma_start3A_31, %dma_start3A_36] : memref<32x250x40xi32, #tpu.memory_space<hbm>> -> memref<1x1x40xi32, #tpu.memory_space<hbm>>
    %dma_start3A_38 = tpu.memref_squeeze %dma_start3A_37 : memref<1x1x40xi32, #tpu.memory_space<hbm>> -> memref<40xi32, #tpu.memory_space<hbm>>
    %dma_start3A_39 = arith.constant 0 : i32
    %dma_start3A_40 = tpu.memref_slice %arg8[%dma_start3A_32, %dma_start3A_39] : memref<5x40xi32, #tpu.memory_space<vmem>> -> memref<1x40xi32, #tpu.memory_space<vmem>>
    %dma_start3A_41 = tpu.memref_squeeze %dma_start3A_40 : memref<1x40xi32, #tpu.memory_space<vmem>> -> memref<40xi32, #tpu.memory_space<vmem>>
    %dma_start3A_42 = arith.constant 0 : i32
    %dma_start3A_43 = tpu.memref_slice %arg4[%add3A, %dma_start3A_31, %dma_start3A_42] : memref<32x250x40xi32, #tpu.memory_space<hbm>> -> memref<1x1x40xi32, #tpu.memory_space<hbm>>
    %dma_start3A_44 = tpu.memref_squeeze %dma_start3A_43 : memref<1x1x40xi32, #tpu.memory_space<hbm>> -> memref<40xi32, #tpu.memory_space<hbm>>
    tpu.enqueue_dma source(%dma_start3A_44 : memref<40xi32, #tpu.memory_space<hbm>>) target(%dma_start3A_41 : memref<40xi32, #tpu.memory_space<vmem>>) target_semaphore(%arg25 : memref<!tpu.dma_semaphore, #tpu.memory_space<semaphore_mem>>)
    %dma_start3A_45 = arith.constant 1 : i32
    %dma_start3A_46 = arith.constant 0 : i32
    %dma_start3A_47 = tpu.memref_slice %arg7[%dma_start3A_45, %dma_start3A_46] : memref<250x40xi32, #tpu.memory_space<vmem>> -> memref<1x40xi32, #tpu.memory_space<vmem>>
    %dma_start3A_48 = tpu.memref_squeeze %dma_start3A_47 : memref<1x40xi32, #tpu.memory_space<vmem>> -> memref<40xi32, #tpu.memory_space<vmem>>
    %dma_start3A_49 = arith.constant 0 : i32
    %dma_start3A_50 = arith.constant 0 : i32
    %dma_start3A_51 = tpu.memref_slice %arg2[%dma_start3A_49, %dma_start3A_50] : memref<10000x128xf32, #tpu.memory_space<hbm>> -> memref<10000x128xf32, #tpu.memory_space<hbm>>
    tpu.enqueue_indirect_dma source(%dma_start3A_51 : memref<10000x128xf32, #tpu.memory_space<hbm>>) target(%arg10 : memref<40x128xf32, #tpu.memory_space<vmem>>) offsets(%dma_start3A_48 : memref<40xi32, #tpu.memory_space<vmem>>) semaphore(%arg15 : memref<!tpu.dma_semaphore, #tpu.memory_space<semaphore_mem>>)
    %dma_start3A_52 = arith.constant 2 : i32
    %dma_start3A_53 = arith.constant 2 : i32
    %dma_start3A_54 = arith.constant 0 : i32
    %dma_start3A_55 = tpu.memref_slice %arg8[%dma_start3A_53, %dma_start3A_54] : memref<5x40xi32, #tpu.memory_space<vmem>> -> memref<1x40xi32, #tpu.memory_space<vmem>>
    %dma_start3A_56 = tpu.memref_squeeze %dma_start3A_55 : memref<1x40xi32, #tpu.memory_space<vmem>> -> memref<40xi32, #tpu.memory_space<vmem>>
    %dma_start3A_57 = arith.constant 0 : i32
    %dma_start3A_58 = tpu.memref_slice %arg4[%add3A, %dma_start3A_52, %dma_start3A_57] : memref<32x250x40xi32, #tpu.memory_space<hbm>> -> memref<1x1x40xi32, #tpu.memory_space<hbm>>
    %dma_start3A_59 = tpu.memref_squeeze %dma_start3A_58 : memref<1x1x40xi32, #tpu.memory_space<hbm>> -> memref<40xi32, #tpu.memory_space<hbm>>
    %dma_start3A_60 = arith.constant 0 : i32
    %dma_start3A_61 = tpu.memref_slice %arg8[%dma_start3A_53, %dma_start3A_60] : memref<5x40xi32, #tpu.memory_space<vmem>> -> memref<1x40xi32, #tpu.memory_space<vmem>>
    %dma_start3A_62 = tpu.memref_squeeze %dma_start3A_61 : memref<1x40xi32, #tpu.memory_space<vmem>> -> memref<40xi32, #tpu.memory_space<vmem>>
    %dma_start3A_63 = arith.constant 0 : i32
    %dma_start3A_64 = tpu.memref_slice %arg4[%add3A, %dma_start3A_52, %dma_start3A_63] : memref<32x250x40xi32, #tpu.memory_space<hbm>> -> memref<1x1x40xi32, #tpu.memory_space<hbm>>
    %dma_start3A_65 = tpu.memref_squeeze %dma_start3A_64 : memref<1x1x40xi32, #tpu.memory_space<hbm>> -> memref<40xi32, #tpu.memory_space<hbm>>
    tpu.enqueue_dma source(%dma_start3A_65 : memref<40xi32, #tpu.memory_space<hbm>>) target(%dma_start3A_62 : memref<40xi32, #tpu.memory_space<vmem>>) target_semaphore(%arg26 : memref<!tpu.dma_semaphore, #tpu.memory_space<semaphore_mem>>)
    %dma_start3A_66 = arith.constant 2 : i32
    %dma_start3A_67 = arith.constant 0 : i32
    %dma_start3A_68 = tpu.memref_slice %arg7[%dma_start3A_66, %dma_start3A_67] : memref<250x40xi32, #tpu.memory_space<vmem>> -> memref<1x40xi32, #tpu.memory_space<vmem>>
    %dma_start3A_69 = tpu.memref_squeeze %dma_start3A_68 : memref<1x40xi32, #tpu.memory_space<vmem>> -> memref<40xi32, #tpu.memory_space<vmem>>
    %dma_start3A_70 = arith.constant 0 : i32
    %dma_start3A_71 = arith.constant 0 : i32
    %dma_start3A_72 = tpu.memref_slice %arg2[%dma_start3A_70, %dma_start3A_71] : memref<10000x128xf32, #tpu.memory_space<hbm>> -> memref<10000x128xf32, #tpu.memory_space<hbm>>
    tpu.enqueue_indirect_dma source(%dma_start3A_72 : memref<10000x128xf32, #tpu.memory_space<hbm>>) target(%arg11 : memref<40x128xf32, #tpu.memory_space<vmem>>) offsets(%dma_start3A_69 : memref<40xi32, #tpu.memory_space<vmem>>) semaphore(%arg16 : memref<!tpu.dma_semaphore, #tpu.memory_space<semaphore_mem>>)
    %dma_start3A_73 = arith.constant 3 : i32
    %dma_start3A_74 = arith.constant 3 : i32
    %dma_start3A_75 = arith.constant 0 : i32
    %dma_start3A_76 = tpu.memref_slice %arg8[%dma_start3A_74, %dma_start3A_75] : memref<5x40xi32, #tpu.memory_space<vmem>> -> memref<1x40xi32, #tpu.memory_space<vmem>>
    %dma_start3A_77 = tpu.memref_squeeze %dma_start3A_76 : memref<1x40xi32, #tpu.memory_space<vmem>> -> memref<40xi32, #tpu.memory_space<vmem>>
    %dma_start3A_78 = arith.constant 0 : i32
    %dma_start3A_79 = tpu.memref_slice %arg4[%add3A, %dma_start3A_73, %dma_start3A_78] : memref<32x250x40xi32, #tpu.memory_space<hbm>> -> memref<1x1x40xi32, #tpu.memory_space<hbm>>
    %dma_start3A_80 = tpu.memref_squeeze %dma_start3A_79 : memref<1x1x40xi32, #tpu.memory_space<hbm>> -> memref<40xi32, #tpu.memory_space<hbm>>
    %dma_start3A_81 = arith.constant 0 : i32
    %dma_start3A_82 = tpu.memref_slice %arg8[%dma_start3A_74, %dma_start3A_81] : memref<5x40xi32, #tpu.memory_space<vmem>> -> memref<1x40xi32, #tpu.memory_space<vmem>>
    %dma_start3A_83 = tpu.memref_squeeze %dma_start3A_82 : memref<1x40xi32, #tpu.memory_space<vmem>> -> memref<40xi32, #tpu.memory_space<vmem>>
    %dma_start3A_84 = arith.constant 0 : i32
    %dma_start3A_85 = tpu.memref_slice %arg4[%add3A, %dma_start3A_73, %dma_start3A_84] : memref<32x250x40xi32, #tpu.memory_space<hbm>> -> memref<1x1x40xi32, #tpu.memory_space<hbm>>
    %dma_start3A_86 = tpu.memref_squeeze %dma_start3A_85 : memref<1x1x40xi32, #tpu.memory_space<hbm>> -> memref<40xi32, #tpu.memory_space<hbm>>
    tpu.enqueue_dma source(%dma_start3A_86 : memref<40xi32, #tpu.memory_space<hbm>>) target(%dma_start3A_83 : memref<40xi32, #tpu.memory_space<vmem>>) target_semaphore(%arg27 : memref<!tpu.dma_semaphore, #tpu.memory_space<semaphore_mem>>)
    %dma_start3A_87 = arith.constant 3 : i32
    %dma_start3A_88 = arith.constant 0 : i32
    %dma_start3A_89 = tpu.memref_slice %arg7[%dma_start3A_87, %dma_start3A_88] : memref<250x40xi32, #tpu.memory_space<vmem>> -> memref<1x40xi32, #tpu.memory_space<vmem>>
    %dma_start3A_90 = tpu.memref_squeeze %dma_start3A_89 : memref<1x40xi32, #tpu.memory_space<vmem>> -> memref<40xi32, #tpu.memory_space<vmem>>
    %dma_start3A_91 = arith.constant 0 : i32
    %dma_start3A_92 = arith.constant 0 : i32
    %dma_start3A_93 = tpu.memref_slice %arg2[%dma_start3A_91, %dma_start3A_92] : memref<10000x128xf32, #tpu.memory_space<hbm>> -> memref<10000x128xf32, #tpu.memory_space<hbm>>
    tpu.enqueue_indirect_dma source(%dma_start3A_93 : memref<10000x128xf32, #tpu.memory_space<hbm>>) target(%arg12 : memref<40x128xf32, #tpu.memory_space<vmem>>) offsets(%dma_start3A_90 : memref<40xi32, #tpu.memory_space<vmem>>) semaphore(%arg17 : memref<!tpu.dma_semaphore, #tpu.memory_space<semaphore_mem>>)
    %dma_start3A_94 = arith.constant 4 : i32
    %dma_start3A_95 = arith.constant 4 : i32
    %dma_start3A_96 = arith.constant 0 : i32
    %dma_start3A_97 = tpu.memref_slice %arg8[%dma_start3A_95, %dma_start3A_96] : memref<5x40xi32, #tpu.memory_space<vmem>> -> memref<1x40xi32, #tpu.memory_space<vmem>>
    %dma_start3A_98 = tpu.memref_squeeze %dma_start3A_97 : memref<1x40xi32, #tpu.memory_space<vmem>> -> memref<40xi32, #tpu.memory_space<vmem>>
    %dma_start3A_99 = arith.constant 0 : i32
    %dma_start3A_100 = tpu.memref_slice %arg4[%add3A, %dma_start3A_94, %dma_start3A_99] : memref<32x250x40xi32, #tpu.memory_space<hbm>> -> memref<1x1x40xi32, #tpu.memory_space<hbm>>
    %dma_start3A_101 = tpu.memref_squeeze %dma_start3A_100 : memref<1x1x40xi32, #tpu.memory_space<hbm>> -> memref<40xi32, #tpu.memory_space<hbm>>
    %dma_start3A_102 = arith.constant 0 : i32
    %dma_start3A_103 = tpu.memref_slice %arg8[%dma_start3A_95, %dma_start3A_102] : memref<5x40xi32, #tpu.memory_space<vmem>> -> memref<1x40xi32, #tpu.memory_space<vmem>>
    %dma_start3A_104 = tpu.memref_squeeze %dma_start3A_103 : memref<1x40xi32, #tpu.memory_space<vmem>> -> memref<40xi32, #tpu.memory_space<vmem>>
    %dma_start3A_105 = arith.constant 0 : i32
    %dma_start3A_106 = tpu.memref_slice %arg4[%add3A, %dma_start3A_94, %dma_start3A_105] : memref<32x250x40xi32, #tpu.memory_space<hbm>> -> memref<1x1x40xi32, #tpu.memory_space<hbm>>
    %dma_start3A_107 = tpu.memref_squeeze %dma_start3A_106 : memref<1x1x40xi32, #tpu.memory_space<hbm>> -> memref<40xi32, #tpu.memory_space<hbm>>
    tpu.enqueue_dma source(%dma_start3A_107 : memref<40xi32, #tpu.memory_space<hbm>>) target(%dma_start3A_104 : memref<40xi32, #tpu.memory_space<vmem>>) target_semaphore(%arg28 : memref<!tpu.dma_semaphore, #tpu.memory_space<semaphore_mem>>)
    %dma_start3A_108 = arith.constant 4 : i32
    %dma_start3A_109 = arith.constant 0 : i32
    %dma_start3A_110 = tpu.memref_slice %arg7[%dma_start3A_108, %dma_start3A_109] : memref<250x40xi32, #tpu.memory_space<vmem>> -> memref<1x40xi32, #tpu.memory_space<vmem>>
    %dma_start3A_111 = tpu.memref_squeeze %dma_start3A_110 : memref<1x40xi32, #tpu.memory_space<vmem>> -> memref<40xi32, #tpu.memory_space<vmem>>
    %dma_start3A_112 = arith.constant 0 : i32
    %dma_start3A_113 = arith.constant 0 : i32
    %dma_start3A_114 = tpu.memref_slice %arg2[%dma_start3A_112, %dma_start3A_113] : memref<10000x128xf32, #tpu.memory_space<hbm>> -> memref<10000x128xf32, #tpu.memory_space<hbm>>
    tpu.enqueue_indirect_dma source(%dma_start3A_114 : memref<10000x128xf32, #tpu.memory_space<hbm>>) target(%arg13 : memref<40x128xf32, #tpu.memory_space<vmem>>) offsets(%dma_start3A_111 : memref<40xi32, #tpu.memory_space<vmem>>) semaphore(%arg18 : memref<!tpu.dma_semaphore, #tpu.memory_space<semaphore_mem>>)
    %scan3A_115 = arith.constant 0 : i32
    %scan3A_116 = arith.constant 50 : i32
    %scan3A_117 = arith.addi %scan3A_115, %scan3A_116 : i32
    %scan3A_118 = arith.constant 1 : i32
    scf.for %scan3A_155 = %scan3A_115 to %scan3A_117 step %scan3A_118  : i32 {
      %mul3A_156 = arith.constant 5 : i32
      %mul3A_157 = arith.muli %mul3A_156, %scan3A_155 : i32
      %add3A_158 = arith.constant 0 : i32
      %add3A_159 = arith.addi %mul3A_157, %add3A_158 : i32
      %lt3A = arith.constant 250 : i32
      %lt3A_160 = arith.cmpi slt, %add3A_159, %lt3A : i32
      %convert_element_type3A = arith.extui %lt3A_160 : i1 to i32
      %cond3A = arith.constant 0 : i32
      %cond3A_161 = arith.cmpi ne, %convert_element_type3A, %cond3A : i32
      scf.if %cond3A_161 {
        %dma_wait3A_198 = arith.constant 0 : i32
        %dma_wait3A_199 = arith.constant 0 : i32
        %dma_wait3A_200 = tpu.memref_slice %arg2[%dma_wait3A_198, %dma_wait3A_199] : memref<10000x128xf32, #tpu.memory_space<hbm>> -> memref<40x128xf32, #tpu.memory_space<hbm>>
        %dma_wait3A_201 = arith.constant 0 : i32
        %dma_wait3A_202 = arith.constant 0 : i32
        %dma_wait3A_203 = tpu.memref_slice %arg2[%dma_wait3A_201, %dma_wait3A_202] : memref<10000x128xf32, #tpu.memory_space<hbm>> -> memref<40x128xf32, #tpu.memory_space<hbm>>
        tpu.wait_dma2 semaphore(%arg14 : memref<!tpu.dma_semaphore, #tpu.memory_space<semaphore_mem>>) src(%dma_wait3A_203 : memref<40x128xf32, #tpu.memory_space<hbm>>) dst(%arg9 : memref<40x128xf32, #tpu.memory_space<vmem>>)
        %dma_wait3A_204 = arith.constant 0 : i32
        %dma_wait3A_205 = arith.constant 0 : i32
        %dma_wait3A_206 = arith.constant 0 : i32
        %dma_wait3A_207 = tpu.memref_slice %arg8[%dma_wait3A_205, %dma_wait3A_206] : memref<5x40xi32, #tpu.memory_space<vmem>> -> memref<1x40xi32, #tpu.memory_space<vmem>>
        %dma_wait3A_208 = tpu.memref_squeeze %dma_wait3A_207 : memref<1x40xi32, #tpu.memory_space<vmem>> -> memref<40xi32, #tpu.memory_space<vmem>>
        %dma_wait3A_209 = arith.constant 0 : i32
        %dma_wait3A_210 = tpu.memref_slice %arg4[%add3A, %dma_wait3A_204, %dma_wait3A_209] : memref<32x250x40xi32, #tpu.memory_space<hbm>> -> memref<1x1x40xi32, #tpu.memory_space<hbm>>
        %dma_wait3A_211 = tpu.memref_squeeze %dma_wait3A_210 : memref<1x1x40xi32, #tpu.memory_space<hbm>> -> memref<40xi32, #tpu.memory_space<hbm>>
        %dma_wait3A_212 = arith.constant 0 : i32
        %dma_wait3A_213 = tpu.memref_slice %arg8[%dma_wait3A_205, %dma_wait3A_212] : memref<5x40xi32, #tpu.memory_space<vmem>> -> memref<1x40xi32, #tpu.memory_space<vmem>>
        %dma_wait3A_214 = tpu.memref_squeeze %dma_wait3A_213 : memref<1x40xi32, #tpu.memory_space<vmem>> -> memref<40xi32, #tpu.memory_space<vmem>>
        %dma_wait3A_215 = arith.constant 0 : i32
        %dma_wait3A_216 = tpu.memref_slice %arg4[%add3A, %dma_wait3A_204, %dma_wait3A_215] : memref<32x250x40xi32, #tpu.memory_space<hbm>> -> memref<1x1x40xi32, #tpu.memory_space<hbm>>
        %dma_wait3A_217 = tpu.memref_squeeze %dma_wait3A_216 : memref<1x1x40xi32, #tpu.memory_space<hbm>> -> memref<40xi32, #tpu.memory_space<hbm>>
        tpu.wait_dma2 semaphore(%arg24 : memref<!tpu.dma_semaphore, #tpu.memory_space<semaphore_mem>>) src(%dma_wait3A_217 : memref<40xi32, #tpu.memory_space<hbm>>) dst(%dma_wait3A_214 : memref<40xi32, #tpu.memory_space<vmem>>)
        %dma_start3A_218 = arith.constant 0 : i32
        %dma_start3A_219 = arith.constant 0 : i32
        %dma_start3A_220 = tpu.memref_slice %arg8[%dma_start3A_218, %dma_start3A_219] : memref<5x40xi32, #tpu.memory_space<vmem>> -> memref<1x40xi32, #tpu.memory_space<vmem>>
        %dma_start3A_221 = tpu.memref_squeeze %dma_start3A_220 : memref<1x40xi32, #tpu.memory_space<vmem>> -> memref<40xi32, #tpu.memory_space<vmem>>
        %dma_start3A_222 = arith.constant 0 : i32
        %dma_start3A_223 = arith.constant 0 : i32
        %dma_start3A_224 = tpu.memref_slice %arg6[%dma_start3A_222, %dma_start3A_223] : memref<10240x128xf32, #tpu.memory_space<vmem_shared>> -> memref<10240x128xf32, #tpu.memory_space<vmem_shared>>
        tpu.enqueue_indirect_dma source(%arg9 : memref<40x128xf32, #tpu.memory_space<vmem>>) target(%dma_start3A_224 : memref<10240x128xf32, #tpu.memory_space<vmem_shared>>) offsets(%dma_start3A_221 : memref<40xi32, #tpu.memory_space<vmem>>) semaphore(%arg19 : memref<!tpu.dma_semaphore, #tpu.memory_space<semaphore_mem>>) {add = true}
        %add3A_225 = arith.constant 5 : i32
        %add3A_226 = arith.addi %add3A_159, %add3A_225 : i32
        %lt3A_227 = arith.constant 250 : i32
        %lt3A_228 = arith.cmpi slt, %add3A_226, %lt3A_227 : i32
        %convert_element_type3A_229 = arith.extui %lt3A_228 : i1 to i32
        %cond3A_230 = arith.constant 0 : i32
        %cond3A_231 = arith.cmpi ne, %convert_element_type3A_229, %cond3A_230 : i32
        scf.if %cond3A_231 {
          %dma_wait3A_232 = arith.constant 0 : i32
          %dma_wait3A_233 = arith.constant 0 : i32
          %dma_wait3A_234 = tpu.memref_slice %arg2[%dma_wait3A_232, %dma_wait3A_233] : memref<10000x128xf32, #tpu.memory_space<hbm>> -> memref<40x128xf32, #tpu.memory_space<hbm>>
          %dma_wait3A_235 = arith.constant 0 : i32
          %dma_wait3A_236 = arith.constant 0 : i32
          %dma_wait3A_237 = tpu.memref_slice %arg2[%dma_wait3A_235, %dma_wait3A_236] : memref<10000x128xf32, #tpu.memory_space<hbm>> -> memref<40x128xf32, #tpu.memory_space<hbm>>
          tpu.wait_dma2 semaphore(%arg19 : memref<!tpu.dma_semaphore, #tpu.memory_space<semaphore_mem>>) src(%dma_wait3A_237 : memref<40x128xf32, #tpu.memory_space<hbm>>) dst(%arg9 : memref<40x128xf32, #tpu.memory_space<vmem>>)
          %add3A_238 = arith.constant 5 : i32
          %add3A_239 = arith.addi %add3A_159, %add3A_238 : i32
          %dma_start3A_240 = arith.constant 0 : i32
          %dma_start3A_241 = arith.constant 0 : i32
          %dma_start3A_242 = tpu.memref_slice %arg8[%dma_start3A_240, %dma_start3A_241] : memref<5x40xi32, #tpu.memory_space<vmem>> -> memref<1x40xi32, #tpu.memory_space<vmem>>
          %dma_start3A_243 = tpu.memref_squeeze %dma_start3A_242 : memref<1x40xi32, #tpu.memory_space<vmem>> -> memref<40xi32, #tpu.memory_space<vmem>>
          %dma_start3A_244 = arith.constant 0 : i32
          %dma_start3A_245 = tpu.memref_slice %arg4[%add3A, %add3A_239, %dma_start3A_244] : memref<32x250x40xi32, #tpu.memory_space<hbm>> -> memref<1x1x40xi32, #tpu.memory_space<hbm>>
          %dma_start3A_246 = tpu.memref_squeeze %dma_start3A_245 : memref<1x1x40xi32, #tpu.memory_space<hbm>> -> memref<40xi32, #tpu.memory_space<hbm>>
          %dma_start3A_247 = arith.constant 0 : i32
          %dma_start3A_248 = tpu.memref_slice %arg8[%dma_start3A_240, %dma_start3A_247] : memref<5x40xi32, #tpu.memory_space<vmem>> -> memref<1x40xi32, #tpu.memory_space<vmem>>
          %dma_start3A_249 = tpu.memref_squeeze %dma_start3A_248 : memref<1x40xi32, #tpu.memory_space<vmem>> -> memref<40xi32, #tpu.memory_space<vmem>>
          %dma_start3A_250 = arith.constant 0 : i32
          %dma_start3A_251 = tpu.memref_slice %arg4[%add3A, %add3A_239, %dma_start3A_250] : memref<32x250x40xi32, #tpu.memory_space<hbm>> -> memref<1x1x40xi32, #tpu.memory_space<hbm>>
          %dma_start3A_252 = tpu.memref_squeeze %dma_start3A_251 : memref<1x1x40xi32, #tpu.memory_space<hbm>> -> memref<40xi32, #tpu.memory_space<hbm>>
          tpu.enqueue_dma source(%dma_start3A_252 : memref<40xi32, #tpu.memory_space<hbm>>) target(%dma_start3A_249 : memref<40xi32, #tpu.memory_space<vmem>>) target_semaphore(%arg24 : memref<!tpu.dma_semaphore, #tpu.memory_space<semaphore_mem>>)
          %add3A_253 = arith.constant 5 : i32
          %add3A_254 = arith.addi %add3A_159, %add3A_253 : i32
          %dma_start3A_255 = arith.constant 0 : i32
          %dma_start3A_256 = tpu.memref_slice %arg7[%add3A_254, %dma_start3A_255] : memref<250x40xi32, #tpu.memory_space<vmem>> -> memref<1x40xi32, #tpu.memory_space<vmem>>
          %dma_start3A_257 = tpu.memref_squeeze %dma_start3A_256 : memref<1x40xi32, #tpu.memory_space<vmem>> -> memref<40xi32, #tpu.memory_space<vmem>>
          %dma_start3A_258 = arith.constant 0 : i32
          %dma_start3A_259 = arith.constant 0 : i32
          %dma_start3A_260 = tpu.memref_slice %arg2[%dma_start3A_258, %dma_start3A_259] : memref<10000x128xf32, #tpu.memory_space<hbm>> -> memref<10000x128xf32, #tpu.memory_space<hbm>>
          tpu.enqueue_indirect_dma source(%dma_start3A_260 : memref<10000x128xf32, #tpu.memory_space<hbm>>) target(%arg9 : memref<40x128xf32, #tpu.memory_space<vmem>>) offsets(%dma_start3A_257 : memref<40xi32, #tpu.memory_space<vmem>>) semaphore(%arg14 : memref<!tpu.dma_semaphore, #tpu.memory_space<semaphore_mem>>)
        } else {
        }
      } else {
      }
      %mul3A_162 = arith.constant 5 : i32
      %mul3A_163 = arith.muli %mul3A_162, %scan3A_155 : i32
      %add3A_164 = arith.constant 1 : i32
      %add3A_165 = arith.addi %mul3A_163, %add3A_164 : i32
      %lt3A_166 = arith.constant 250 : i32
      %lt3A_167 = arith.cmpi slt, %add3A_165, %lt3A_166 : i32
      %convert_element_type3A_168 = arith.extui %lt3A_167 : i1 to i32
      %cond3A_169 = arith.constant 0 : i32
      %cond3A_170 = arith.cmpi ne, %convert_element_type3A_168, %cond3A_169 : i32
      scf.if %cond3A_170 {
        %dma_wait3A_198 = arith.constant 0 : i32
        %dma_wait3A_199 = arith.constant 0 : i32
        %dma_wait3A_200 = tpu.memref_slice %arg2[%dma_wait3A_198, %dma_wait3A_199] : memref<10000x128xf32, #tpu.memory_space<hbm>> -> memref<40x128xf32, #tpu.memory_space<hbm>>
        %dma_wait3A_201 = arith.constant 0 : i32
        %dma_wait3A_202 = arith.constant 0 : i32
        %dma_wait3A_203 = tpu.memref_slice %arg2[%dma_wait3A_201, %dma_wait3A_202] : memref<10000x128xf32, #tpu.memory_space<hbm>> -> memref<40x128xf32, #tpu.memory_space<hbm>>
        tpu.wait_dma2 semaphore(%arg15 : memref<!tpu.dma_semaphore, #tpu.memory_space<semaphore_mem>>) src(%dma_wait3A_203 : memref<40x128xf32, #tpu.memory_space<hbm>>) dst(%arg10 : memref<40x128xf32, #tpu.memory_space<vmem>>)
        %dma_wait3A_204 = arith.constant 0 : i32
        %dma_wait3A_205 = arith.constant 1 : i32
        %dma_wait3A_206 = arith.constant 0 : i32
        %dma_wait3A_207 = tpu.memref_slice %arg8[%dma_wait3A_205, %dma_wait3A_206] : memref<5x40xi32, #tpu.memory_space<vmem>> -> memref<1x40xi32, #tpu.memory_space<vmem>>
        %dma_wait3A_208 = tpu.memref_squeeze %dma_wait3A_207 : memref<1x40xi32, #tpu.memory_space<vmem>> -> memref<40xi32, #tpu.memory_space<vmem>>
        %dma_wait3A_209 = arith.constant 0 : i32
        %dma_wait3A_210 = tpu.memref_slice %arg4[%add3A, %dma_wait3A_204, %dma_wait3A_209] : memref<32x250x40xi32, #tpu.memory_space<hbm>> -> memref<1x1x40xi32, #tpu.memory_space<hbm>>
        %dma_wait3A_211 = tpu.memref_squeeze %dma_wait3A_210 : memref<1x1x40xi32, #tpu.memory_space<hbm>> -> memref<40xi32, #tpu.memory_space<hbm>>
        %dma_wait3A_212 = arith.constant 0 : i32
        %dma_wait3A_213 = tpu.memref_slice %arg8[%dma_wait3A_205, %dma_wait3A_212] : memref<5x40xi32, #tpu.memory_space<vmem>> -> memref<1x40xi32, #tpu.memory_space<vmem>>
        %dma_wait3A_214 = tpu.memref_squeeze %dma_wait3A_213 : memref<1x40xi32, #tpu.memory_space<vmem>> -> memref<40xi32, #tpu.memory_space<vmem>>
        %dma_wait3A_215 = arith.constant 0 : i32
        %dma_wait3A_216 = tpu.memref_slice %arg4[%add3A, %dma_wait3A_204, %dma_wait3A_215] : memref<32x250x40xi32, #tpu.memory_space<hbm>> -> memref<1x1x40xi32, #tpu.memory_space<hbm>>
        %dma_wait3A_217 = tpu.memref_squeeze %dma_wait3A_216 : memref<1x1x40xi32, #tpu.memory_space<hbm>> -> memref<40xi32, #tpu.memory_space<hbm>>
        tpu.wait_dma2 semaphore(%arg25 : memref<!tpu.dma_semaphore, #tpu.memory_space<semaphore_mem>>) src(%dma_wait3A_217 : memref<40xi32, #tpu.memory_space<hbm>>) dst(%dma_wait3A_214 : memref<40xi32, #tpu.memory_space<vmem>>)
        %dma_start3A_218 = arith.constant 1 : i32
        %dma_start3A_219 = arith.constant 0 : i32
        %dma_start3A_220 = tpu.memref_slice %arg8[%dma_start3A_218, %dma_start3A_219] : memref<5x40xi32, #tpu.memory_space<vmem>> -> memref<1x40xi32, #tpu.memory_space<vmem>>
        %dma_start3A_221 = tpu.memref_squeeze %dma_start3A_220 : memref<1x40xi32, #tpu.memory_space<vmem>> -> memref<40xi32, #tpu.memory_space<vmem>>
        %dma_start3A_222 = arith.constant 0 : i32
        %dma_start3A_223 = arith.constant 0 : i32
        %dma_start3A_224 = tpu.memref_slice %arg6[%dma_start3A_222, %dma_start3A_223] : memref<10240x128xf32, #tpu.memory_space<vmem_shared>> -> memref<10240x128xf32, #tpu.memory_space<vmem_shared>>
        tpu.enqueue_indirect_dma source(%arg10 : memref<40x128xf32, #tpu.memory_space<vmem>>) target(%dma_start3A_224 : memref<10240x128xf32, #tpu.memory_space<vmem_shared>>) offsets(%dma_start3A_221 : memref<40xi32, #tpu.memory_space<vmem>>) semaphore(%arg20 : memref<!tpu.dma_semaphore, #tpu.memory_space<semaphore_mem>>) {add = true}
        %add3A_225 = arith.constant 5 : i32
        %add3A_226 = arith.addi %add3A_165, %add3A_225 : i32
        %lt3A_227 = arith.constant 250 : i32
        %lt3A_228 = arith.cmpi slt, %add3A_226, %lt3A_227 : i32
        %convert_element_type3A_229 = arith.extui %lt3A_228 : i1 to i32
        %cond3A_230 = arith.constant 0 : i32
        %cond3A_231 = arith.cmpi ne, %convert_element_type3A_229, %cond3A_230 : i32
        scf.if %cond3A_231 {
          %dma_wait3A_232 = arith.constant 0 : i32
          %dma_wait3A_233 = arith.constant 0 : i32
          %dma_wait3A_234 = tpu.memref_slice %arg2[%dma_wait3A_232, %dma_wait3A_233] : memref<10000x128xf32, #tpu.memory_space<hbm>> -> memref<40x128xf32, #tpu.memory_space<hbm>>
          %dma_wait3A_235 = arith.constant 0 : i32
          %dma_wait3A_236 = arith.constant 0 : i32
          %dma_wait3A_237 = tpu.memref_slice %arg2[%dma_wait3A_235, %dma_wait3A_236] : memref<10000x128xf32, #tpu.memory_space<hbm>> -> memref<40x128xf32, #tpu.memory_space<hbm>>
          tpu.wait_dma2 semaphore(%arg20 : memref<!tpu.dma_semaphore, #tpu.memory_space<semaphore_mem>>) src(%dma_wait3A_237 : memref<40x128xf32, #tpu.memory_space<hbm>>) dst(%arg10 : memref<40x128xf32, #tpu.memory_space<vmem>>)
          %add3A_238 = arith.constant 5 : i32
          %add3A_239 = arith.addi %add3A_165, %add3A_238 : i32
          %dma_start3A_240 = arith.constant 1 : i32
          %dma_start3A_241 = arith.constant 0 : i32
          %dma_start3A_242 = tpu.memref_slice %arg8[%dma_start3A_240, %dma_start3A_241] : memref<5x40xi32, #tpu.memory_space<vmem>> -> memref<1x40xi32, #tpu.memory_space<vmem>>
          %dma_start3A_243 = tpu.memref_squeeze %dma_start3A_242 : memref<1x40xi32, #tpu.memory_space<vmem>> -> memref<40xi32, #tpu.memory_space<vmem>>
          %dma_start3A_244 = arith.constant 0 : i32
          %dma_start3A_245 = tpu.memref_slice %arg4[%add3A, %add3A_239, %dma_start3A_244] : memref<32x250x40xi32, #tpu.memory_space<hbm>> -> memref<1x1x40xi32, #tpu.memory_space<hbm>>
          %dma_start3A_246 = tpu.memref_squeeze %dma_start3A_245 : memref<1x1x40xi32, #tpu.memory_space<hbm>> -> memref<40xi32, #tpu.memory_space<hbm>>
          %dma_start3A_247 = arith.constant 0 : i32
          %dma_start3A_248 = tpu.memref_slice %arg8[%dma_start3A_240, %dma_start3A_247] : memref<5x40xi32, #tpu.memory_space<vmem>> -> memref<1x40xi32, #tpu.memory_space<vmem>>
          %dma_start3A_249 = tpu.memref_squeeze %dma_start3A_248 : memref<1x40xi32, #tpu.memory_space<vmem>> -> memref<40xi32, #tpu.memory_space<vmem>>
          %dma_start3A_250 = arith.constant 0 : i32
          %dma_start3A_251 = tpu.memref_slice %arg4[%add3A, %add3A_239, %dma_start3A_250] : memref<32x250x40xi32, #tpu.memory_space<hbm>> -> memref<1x1x40xi32, #tpu.memory_space<hbm>>
          %dma_start3A_252 = tpu.memref_squeeze %dma_start3A_251 : memref<1x1x40xi32, #tpu.memory_space<hbm>> -> memref<40xi32, #tpu.memory_space<hbm>>
          tpu.enqueue_dma source(%dma_start3A_252 : memref<40xi32, #tpu.memory_space<hbm>>) target(%dma_start3A_249 : memref<40xi32, #tpu.memory_space<vmem>>) target_semaphore(%arg25 : memref<!tpu.dma_semaphore, #tpu.memory_space<semaphore_mem>>)
          %add3A_253 = arith.constant 5 : i32
          %add3A_254 = arith.addi %add3A_165, %add3A_253 : i32
          %dma_start3A_255 = arith.constant 0 : i32
          %dma_start3A_256 = tpu.memref_slice %arg7[%add3A_254, %dma_start3A_255] : memref<250x40xi32, #tpu.memory_space<vmem>> -> memref<1x40xi32, #tpu.memory_space<vmem>>
          %dma_start3A_257 = tpu.memref_squeeze %dma_start3A_256 : memref<1x40xi32, #tpu.memory_space<vmem>> -> memref<40xi32, #tpu.memory_space<vmem>>
          %dma_start3A_258 = arith.constant 0 : i32
          %dma_start3A_259 = arith.constant 0 : i32
          %dma_start3A_260 = tpu.memref_slice %arg2[%dma_start3A_258, %dma_start3A_259] : memref<10000x128xf32, #tpu.memory_space<hbm>> -> memref<10000x128xf32, #tpu.memory_space<hbm>>
          tpu.enqueue_indirect_dma source(%dma_start3A_260 : memref<10000x128xf32, #tpu.memory_space<hbm>>) target(%arg10 : memref<40x128xf32, #tpu.memory_space<vmem>>) offsets(%dma_start3A_257 : memref<40xi32, #tpu.memory_space<vmem>>) semaphore(%arg15 : memref<!tpu.dma_semaphore, #tpu.memory_space<semaphore_mem>>)
        } else {
        }
      } else {
      }
      %mul3A_171 = arith.constant 5 : i32
      %mul3A_172 = arith.muli %mul3A_171, %scan3A_155 : i32
      %add3A_173 = arith.constant 2 : i32
      %add3A_174 = arith.addi %mul3A_172, %add3A_173 : i32
      %lt3A_175 = arith.constant 250 : i32
      %lt3A_176 = arith.cmpi slt, %add3A_174, %lt3A_175 : i32
      %convert_element_type3A_177 = arith.extui %lt3A_176 : i1 to i32
      %cond3A_178 = arith.constant 0 : i32
      %cond3A_179 = arith.cmpi ne, %convert_element_type3A_177, %cond3A_178 : i32
      scf.if %cond3A_179 {
        %dma_wait3A_198 = arith.constant 0 : i32
        %dma_wait3A_199 = arith.constant 0 : i32
        %dma_wait3A_200 = tpu.memref_slice %arg2[%dma_wait3A_198, %dma_wait3A_199] : memref<10000x128xf32, #tpu.memory_space<hbm>> -> memref<40x128xf32, #tpu.memory_space<hbm>>
        %dma_wait3A_201 = arith.constant 0 : i32
        %dma_wait3A_202 = arith.constant 0 : i32
        %dma_wait3A_203 = tpu.memref_slice %arg2[%dma_wait3A_201, %dma_wait3A_202] : memref<10000x128xf32, #tpu.memory_space<hbm>> -> memref<40x128xf32, #tpu.memory_space<hbm>>
        tpu.wait_dma2 semaphore(%arg16 : memref<!tpu.dma_semaphore, #tpu.memory_space<semaphore_mem>>) src(%dma_wait3A_203 : memref<40x128xf32, #tpu.memory_space<hbm>>) dst(%arg11 : memref<40x128xf32, #tpu.memory_space<vmem>>)
        %dma_wait3A_204 = arith.constant 0 : i32
        %dma_wait3A_205 = arith.constant 2 : i32
        %dma_wait3A_206 = arith.constant 0 : i32
        %dma_wait3A_207 = tpu.memref_slice %arg8[%dma_wait3A_205, %dma_wait3A_206] : memref<5x40xi32, #tpu.memory_space<vmem>> -> memref<1x40xi32, #tpu.memory_space<vmem>>
        %dma_wait3A_208 = tpu.memref_squeeze %dma_wait3A_207 : memref<1x40xi32, #tpu.memory_space<vmem>> -> memref<40xi32, #tpu.memory_space<vmem>>
        %dma_wait3A_209 = arith.constant 0 : i32
        %dma_wait3A_210 = tpu.memref_slice %arg4[%add3A, %dma_wait3A_204, %dma_wait3A_209] : memref<32x250x40xi32, #tpu.memory_space<hbm>> -> memref<1x1x40xi32, #tpu.memory_space<hbm>>
        %dma_wait3A_211 = tpu.memref_squeeze %dma_wait3A_210 : memref<1x1x40xi32, #tpu.memory_space<hbm>> -> memref<40xi32, #tpu.memory_space<hbm>>
        %dma_wait3A_212 = arith.constant 0 : i32
        %dma_wait3A_213 = tpu.memref_slice %arg8[%dma_wait3A_205, %dma_wait3A_212] : memref<5x40xi32, #tpu.memory_space<vmem>> -> memref<1x40xi32, #tpu.memory_space<vmem>>
        %dma_wait3A_214 = tpu.memref_squeeze %dma_wait3A_213 : memref<1x40xi32, #tpu.memory_space<vmem>> -> memref<40xi32, #tpu.memory_space<vmem>>
        %dma_wait3A_215 = arith.constant 0 : i32
        %dma_wait3A_216 = tpu.memref_slice %arg4[%add3A, %dma_wait3A_204, %dma_wait3A_215] : memref<32x250x40xi32, #tpu.memory_space<hbm>> -> memref<1x1x40xi32, #tpu.memory_space<hbm>>
        %dma_wait3A_217 = tpu.memref_squeeze %dma_wait3A_216 : memref<1x1x40xi32, #tpu.memory_space<hbm>> -> memref<40xi32, #tpu.memory_space<hbm>>
        tpu.wait_dma2 semaphore(%arg26 : memref<!tpu.dma_semaphore, #tpu.memory_space<semaphore_mem>>) src(%dma_wait3A_217 : memref<40xi32, #tpu.memory_space<hbm>>) dst(%dma_wait3A_214 : memref<40xi32, #tpu.memory_space<vmem>>)
        %dma_start3A_218 = arith.constant 2 : i32
        %dma_start3A_219 = arith.constant 0 : i32
        %dma_start3A_220 = tpu.memref_slice %arg8[%dma_start3A_218, %dma_start3A_219] : memref<5x40xi32, #tpu.memory_space<vmem>> -> memref<1x40xi32, #tpu.memory_space<vmem>>
        %dma_start3A_221 = tpu.memref_squeeze %dma_start3A_220 : memref<1x40xi32, #tpu.memory_space<vmem>> -> memref<40xi32, #tpu.memory_space<vmem>>
        %dma_start3A_222 = arith.constant 0 : i32
        %dma_start3A_223 = arith.constant 0 : i32
        %dma_start3A_224 = tpu.memref_slice %arg6[%dma_start3A_222, %dma_start3A_223] : memref<10240x128xf32, #tpu.memory_space<vmem_shared>> -> memref<10240x128xf32, #tpu.memory_space<vmem_shared>>
        tpu.enqueue_indirect_dma source(%arg11 : memref<40x128xf32, #tpu.memory_space<vmem>>) target(%dma_start3A_224 : memref<10240x128xf32, #tpu.memory_space<vmem_shared>>) offsets(%dma_start3A_221 : memref<40xi32, #tpu.memory_space<vmem>>) semaphore(%arg21 : memref<!tpu.dma_semaphore, #tpu.memory_space<semaphore_mem>>) {add = true}
        %add3A_225 = arith.constant 5 : i32
        %add3A_226 = arith.addi %add3A_174, %add3A_225 : i32
        %lt3A_227 = arith.constant 250 : i32
        %lt3A_228 = arith.cmpi slt, %add3A_226, %lt3A_227 : i32
        %convert_element_type3A_229 = arith.extui %lt3A_228 : i1 to i32
        %cond3A_230 = arith.constant 0 : i32
        %cond3A_231 = arith.cmpi ne, %convert_element_type3A_229, %cond3A_230 : i32
        scf.if %cond3A_231 {
          %dma_wait3A_232 = arith.constant 0 : i32
          %dma_wait3A_233 = arith.constant 0 : i32
          %dma_wait3A_234 = tpu.memref_slice %arg2[%dma_wait3A_232, %dma_wait3A_233] : memref<10000x128xf32, #tpu.memory_space<hbm>> -> memref<40x128xf32, #tpu.memory_space<hbm>>
          %dma_wait3A_235 = arith.constant 0 : i32
          %dma_wait3A_236 = arith.constant 0 : i32
          %dma_wait3A_237 = tpu.memref_slice %arg2[%dma_wait3A_235, %dma_wait3A_236] : memref<10000x128xf32, #tpu.memory_space<hbm>> -> memref<40x128xf32, #tpu.memory_space<hbm>>
          tpu.wait_dma2 semaphore(%arg21 : memref<!tpu.dma_semaphore, #tpu.memory_space<semaphore_mem>>) src(%dma_wait3A_237 : memref<40x128xf32, #tpu.memory_space<hbm>>) dst(%arg11 : memref<40x128xf32, #tpu.memory_space<vmem>>)
          %add3A_238 = arith.constant 5 : i32
          %add3A_239 = arith.addi %add3A_174, %add3A_238 : i32
          %dma_start3A_240 = arith.constant 2 : i32
          %dma_start3A_241 = arith.constant 0 : i32
          %dma_start3A_242 = tpu.memref_slice %arg8[%dma_start3A_240, %dma_start3A_241] : memref<5x40xi32, #tpu.memory_space<vmem>> -> memref<1x40xi32, #tpu.memory_space<vmem>>
          %dma_start3A_243 = tpu.memref_squeeze %dma_start3A_242 : memref<1x40xi32, #tpu.memory_space<vmem>> -> memref<40xi32, #tpu.memory_space<vmem>>
          %dma_start3A_244 = arith.constant 0 : i32
          %dma_start3A_245 = tpu.memref_slice %arg4[%add3A, %add3A_239, %dma_start3A_244] : memref<32x250x40xi32, #tpu.memory_space<hbm>> -> memref<1x1x40xi32, #tpu.memory_space<hbm>>
          %dma_start3A_246 = tpu.memref_squeeze %dma_start3A_245 : memref<1x1x40xi32, #tpu.memory_space<hbm>> -> memref<40xi32, #tpu.memory_space<hbm>>
          %dma_start3A_247 = arith.constant 0 : i32
          %dma_start3A_248 = tpu.memref_slice %arg8[%dma_start3A_240, %dma_start3A_247] : memref<5x40xi32, #tpu.memory_space<vmem>> -> memref<1x40xi32, #tpu.memory_space<vmem>>
          %dma_start3A_249 = tpu.memref_squeeze %dma_start3A_248 : memref<1x40xi32, #tpu.memory_space<vmem>> -> memref<40xi32, #tpu.memory_space<vmem>>
          %dma_start3A_250 = arith.constant 0 : i32
          %dma_start3A_251 = tpu.memref_slice %arg4[%add3A, %add3A_239, %dma_start3A_250] : memref<32x250x40xi32, #tpu.memory_space<hbm>> -> memref<1x1x40xi32, #tpu.memory_space<hbm>>
          %dma_start3A_252 = tpu.memref_squeeze %dma_start3A_251 : memref<1x1x40xi32, #tpu.memory_space<hbm>> -> memref<40xi32, #tpu.memory_space<hbm>>
          tpu.enqueue_dma source(%dma_start3A_252 : memref<40xi32, #tpu.memory_space<hbm>>) target(%dma_start3A_249 : memref<40xi32, #tpu.memory_space<vmem>>) target_semaphore(%arg26 : memref<!tpu.dma_semaphore, #tpu.memory_space<semaphore_mem>>)
          %add3A_253 = arith.constant 5 : i32
          %add3A_254 = arith.addi %add3A_174, %add3A_253 : i32
          %dma_start3A_255 = arith.constant 0 : i32
          %dma_start3A_256 = tpu.memref_slice %arg7[%add3A_254, %dma_start3A_255] : memref<250x40xi32, #tpu.memory_space<vmem>> -> memref<1x40xi32, #tpu.memory_space<vmem>>
          %dma_start3A_257 = tpu.memref_squeeze %dma_start3A_256 : memref<1x40xi32, #tpu.memory_space<vmem>> -> memref<40xi32, #tpu.memory_space<vmem>>
          %dma_start3A_258 = arith.constant 0 : i32
          %dma_start3A_259 = arith.constant 0 : i32
          %dma_start3A_260 = tpu.memref_slice %arg2[%dma_start3A_258, %dma_start3A_259] : memref<10000x128xf32, #tpu.memory_space<hbm>> -> memref<10000x128xf32, #tpu.memory_space<hbm>>
          tpu.enqueue_indirect_dma source(%dma_start3A_260 : memref<10000x128xf32, #tpu.memory_space<hbm>>) target(%arg11 : memref<40x128xf32, #tpu.memory_space<vmem>>) offsets(%dma_start3A_257 : memref<40xi32, #tpu.memory_space<vmem>>) semaphore(%arg16 : memref<!tpu.dma_semaphore, #tpu.memory_space<semaphore_mem>>)
        } else {
        }
      } else {
      }
      %mul3A_180 = arith.constant 5 : i32
      %mul3A_181 = arith.muli %mul3A_180, %scan3A_155 : i32
      %add3A_182 = arith.constant 3 : i32
      %add3A_183 = arith.addi %mul3A_181, %add3A_182 : i32
      %lt3A_184 = arith.constant 250 : i32
      %lt3A_185 = arith.cmpi slt, %add3A_183, %lt3A_184 : i32
      %convert_element_type3A_186 = arith.extui %lt3A_185 : i1 to i32
      %cond3A_187 = arith.constant 0 : i32
      %cond3A_188 = arith.cmpi ne, %convert_element_type3A_186, %cond3A_187 : i32
      scf.if %cond3A_188 {
        %dma_wait3A_198 = arith.constant 0 : i32
        %dma_wait3A_199 = arith.constant 0 : i32
        %dma_wait3A_200 = tpu.memref_slice %arg2[%dma_wait3A_198, %dma_wait3A_199] : memref<10000x128xf32, #tpu.memory_space<hbm>> -> memref<40x128xf32, #tpu.memory_space<hbm>>
        %dma_wait3A_201 = arith.constant 0 : i32
        %dma_wait3A_202 = arith.constant 0 : i32
        %dma_wait3A_203 = tpu.memref_slice %arg2[%dma_wait3A_201, %dma_wait3A_202] : memref<10000x128xf32, #tpu.memory_space<hbm>> -> memref<40x128xf32, #tpu.memory_space<hbm>>
        tpu.wait_dma2 semaphore(%arg17 : memref<!tpu.dma_semaphore, #tpu.memory_space<semaphore_mem>>) src(%dma_wait3A_203 : memref<40x128xf32, #tpu.memory_space<hbm>>) dst(%arg12 : memref<40x128xf32, #tpu.memory_space<vmem>>)
        %dma_wait3A_204 = arith.constant 0 : i32
        %dma_wait3A_205 = arith.constant 3 : i32
        %dma_wait3A_206 = arith.constant 0 : i32
        %dma_wait3A_207 = tpu.memref_slice %arg8[%dma_wait3A_205, %dma_wait3A_206] : memref<5x40xi32, #tpu.memory_space<vmem>> -> memref<1x40xi32, #tpu.memory_space<vmem>>
        %dma_wait3A_208 = tpu.memref_squeeze %dma_wait3A_207 : memref<1x40xi32, #tpu.memory_space<vmem>> -> memref<40xi32, #tpu.memory_space<vmem>>
        %dma_wait3A_209 = arith.constant 0 : i32
        %dma_wait3A_210 = tpu.memref_slice %arg4[%add3A, %dma_wait3A_204, %dma_wait3A_209] : memref<32x250x40xi32, #tpu.memory_space<hbm>> -> memref<1x1x40xi32, #tpu.memory_space<hbm>>
        %dma_wait3A_211 = tpu.memref_squeeze %dma_wait3A_210 : memref<1x1x40xi32, #tpu.memory_space<hbm>> -> memref<40xi32, #tpu.memory_space<hbm>>
        %dma_wait3A_212 = arith.constant 0 : i32
        %dma_wait3A_213 = tpu.memref_slice %arg8[%dma_wait3A_205, %dma_wait3A_212] : memref<5x40xi32, #tpu.memory_space<vmem>> -> memref<1x40xi32, #tpu.memory_space<vmem>>
        %dma_wait3A_214 = tpu.memref_squeeze %dma_wait3A_213 : memref<1x40xi32, #tpu.memory_space<vmem>> -> memref<40xi32, #tpu.memory_space<vmem>>
        %dma_wait3A_215 = arith.constant 0 : i32
        %dma_wait3A_216 = tpu.memref_slice %arg4[%add3A, %dma_wait3A_204, %dma_wait3A_215] : memref<32x250x40xi32, #tpu.memory_space<hbm>> -> memref<1x1x40xi32, #tpu.memory_space<hbm>>
        %dma_wait3A_217 = tpu.memref_squeeze %dma_wait3A_216 : memref<1x1x40xi32, #tpu.memory_space<hbm>> -> memref<40xi32, #tpu.memory_space<hbm>>
        tpu.wait_dma2 semaphore(%arg27 : memref<!tpu.dma_semaphore, #tpu.memory_space<semaphore_mem>>) src(%dma_wait3A_217 : memref<40xi32, #tpu.memory_space<hbm>>) dst(%dma_wait3A_214 : memref<40xi32, #tpu.memory_space<vmem>>)
        %dma_start3A_218 = arith.constant 3 : i32
        %dma_start3A_219 = arith.constant 0 : i32
        %dma_start3A_220 = tpu.memref_slice %arg8[%dma_start3A_218, %dma_start3A_219] : memref<5x40xi32, #tpu.memory_space<vmem>> -> memref<1x40xi32, #tpu.memory_space<vmem>>
        %dma_start3A_221 = tpu.memref_squeeze %dma_start3A_220 : memref<1x40xi32, #tpu.memory_space<vmem>> -> memref<40xi32, #tpu.memory_space<vmem>>
        %dma_start3A_222 = arith.constant 0 : i32
        %dma_start3A_223 = arith.constant 0 : i32
        %dma_start3A_224 = tpu.memref_slice %arg6[%dma_start3A_222, %dma_start3A_223] : memref<10240x128xf32, #tpu.memory_space<vmem_shared>> -> memref<10240x128xf32, #tpu.memory_space<vmem_shared>>
        tpu.enqueue_indirect_dma source(%arg12 : memref<40x128xf32, #tpu.memory_space<vmem>>) target(%dma_start3A_224 : memref<10240x128xf32, #tpu.memory_space<vmem_shared>>) offsets(%dma_start3A_221 : memref<40xi32, #tpu.memory_space<vmem>>) semaphore(%arg22 : memref<!tpu.dma_semaphore, #tpu.memory_space<semaphore_mem>>) {add = true}
        %add3A_225 = arith.constant 5 : i32
        %add3A_226 = arith.addi %add3A_183, %add3A_225 : i32
        %lt3A_227 = arith.constant 250 : i32
        %lt3A_228 = arith.cmpi slt, %add3A_226, %lt3A_227 : i32
        %convert_element_type3A_229 = arith.extui %lt3A_228 : i1 to i32
        %cond3A_230 = arith.constant 0 : i32
        %cond3A_231 = arith.cmpi ne, %convert_element_type3A_229, %cond3A_230 : i32
        scf.if %cond3A_231 {
          %dma_wait3A_232 = arith.constant 0 : i32
          %dma_wait3A_233 = arith.constant 0 : i32
          %dma_wait3A_234 = tpu.memref_slice %arg2[%dma_wait3A_232, %dma_wait3A_233] : memref<10000x128xf32, #tpu.memory_space<hbm>> -> memref<40x128xf32, #tpu.memory_space<hbm>>
          %dma_wait3A_235 = arith.constant 0 : i32
          %dma_wait3A_236 = arith.constant 0 : i32
          %dma_wait3A_237 = tpu.memref_slice %arg2[%dma_wait3A_235, %dma_wait3A_236] : memref<10000x128xf32, #tpu.memory_space<hbm>> -> memref<40x128xf32, #tpu.memory_space<hbm>>
          tpu.wait_dma2 semaphore(%arg22 : memref<!tpu.dma_semaphore, #tpu.memory_space<semaphore_mem>>) src(%dma_wait3A_237 : memref<40x128xf32, #tpu.memory_space<hbm>>) dst(%arg12 : memref<40x128xf32, #tpu.memory_space<vmem>>)
          %add3A_238 = arith.constant 5 : i32
          %add3A_239 = arith.addi %add3A_183, %add3A_238 : i32
          %dma_start3A_240 = arith.constant 3 : i32
          %dma_start3A_241 = arith.constant 0 : i32
          %dma_start3A_242 = tpu.memref_slice %arg8[%dma_start3A_240, %dma_start3A_241] : memref<5x40xi32, #tpu.memory_space<vmem>> -> memref<1x40xi32, #tpu.memory_space<vmem>>
          %dma_start3A_243 = tpu.memref_squeeze %dma_start3A_242 : memref<1x40xi32, #tpu.memory_space<vmem>> -> memref<40xi32, #tpu.memory_space<vmem>>
          %dma_start3A_244 = arith.constant 0 : i32
          %dma_start3A_245 = tpu.memref_slice %arg4[%add3A, %add3A_239, %dma_start3A_244] : memref<32x250x40xi32, #tpu.memory_space<hbm>> -> memref<1x1x40xi32, #tpu.memory_space<hbm>>
          %dma_start3A_246 = tpu.memref_squeeze %dma_start3A_245 : memref<1x1x40xi32, #tpu.memory_space<hbm>> -> memref<40xi32, #tpu.memory_space<hbm>>
          %dma_start3A_247 = arith.constant 0 : i32
          %dma_start3A_248 = tpu.memref_slice %arg8[%dma_start3A_240, %dma_start3A_247] : memref<5x40xi32, #tpu.memory_space<vmem>> -> memref<1x40xi32, #tpu.memory_space<vmem>>
          %dma_start3A_249 = tpu.memref_squeeze %dma_start3A_248 : memref<1x40xi32, #tpu.memory_space<vmem>> -> memref<40xi32, #tpu.memory_space<vmem>>
          %dma_start3A_250 = arith.constant 0 : i32
          %dma_start3A_251 = tpu.memref_slice %arg4[%add3A, %add3A_239, %dma_start3A_250] : memref<32x250x40xi32, #tpu.memory_space<hbm>> -> memref<1x1x40xi32, #tpu.memory_space<hbm>>
          %dma_start3A_252 = tpu.memref_squeeze %dma_start3A_251 : memref<1x1x40xi32, #tpu.memory_space<hbm>> -> memref<40xi32, #tpu.memory_space<hbm>>
          tpu.enqueue_dma source(%dma_start3A_252 : memref<40xi32, #tpu.memory_space<hbm>>) target(%dma_start3A_249 : memref<40xi32, #tpu.memory_space<vmem>>) target_semaphore(%arg27 : memref<!tpu.dma_semaphore, #tpu.memory_space<semaphore_mem>>)
          %add3A_253 = arith.constant 5 : i32
          %add3A_254 = arith.addi %add3A_183, %add3A_253 : i32
          %dma_start3A_255 = arith.constant 0 : i32
          %dma_start3A_256 = tpu.memref_slice %arg7[%add3A_254, %dma_start3A_255] : memref<250x40xi32, #tpu.memory_space<vmem>> -> memref<1x40xi32, #tpu.memory_space<vmem>>
          %dma_start3A_257 = tpu.memref_squeeze %dma_start3A_256 : memref<1x40xi32, #tpu.memory_space<vmem>> -> memref<40xi32, #tpu.memory_space<vmem>>
          %dma_start3A_258 = arith.constant 0 : i32
          %dma_start3A_259 = arith.constant 0 : i32
          %dma_start3A_260 = tpu.memref_slice %arg2[%dma_start3A_258, %dma_start3A_259] : memref<10000x128xf32, #tpu.memory_space<hbm>> -> memref<10000x128xf32, #tpu.memory_space<hbm>>
          tpu.enqueue_indirect_dma source(%dma_start3A_260 : memref<10000x128xf32, #tpu.memory_space<hbm>>) target(%arg12 : memref<40x128xf32, #tpu.memory_space<vmem>>) offsets(%dma_start3A_257 : memref<40xi32, #tpu.memory_space<vmem>>) semaphore(%arg17 : memref<!tpu.dma_semaphore, #tpu.memory_space<semaphore_mem>>)
        } else {
        }
      } else {
      }
      %mul3A_189 = arith.constant 5 : i32
      %mul3A_190 = arith.muli %mul3A_189, %scan3A_155 : i32
      %add3A_191 = arith.constant 4 : i32
      %add3A_192 = arith.addi %mul3A_190, %add3A_191 : i32
      %lt3A_193 = arith.constant 250 : i32
      %lt3A_194 = arith.cmpi slt, %add3A_192, %lt3A_193 : i32
      %convert_element_type3A_195 = arith.extui %lt3A_194 : i1 to i32
      %cond3A_196 = arith.constant 0 : i32
      %cond3A_197 = arith.cmpi ne, %convert_element_type3A_195, %cond3A_196 : i32
      scf.if %cond3A_197 {
        %dma_wait3A_198 = arith.constant 0 : i32
        %dma_wait3A_199 = arith.constant 0 : i32
        %dma_wait3A_200 = tpu.memref_slice %arg2[%dma_wait3A_198, %dma_wait3A_199] : memref<10000x128xf32, #tpu.memory_space<hbm>> -> memref<40x128xf32, #tpu.memory_space<hbm>>
        %dma_wait3A_201 = arith.constant 0 : i32
        %dma_wait3A_202 = arith.constant 0 : i32
        %dma_wait3A_203 = tpu.memref_slice %arg2[%dma_wait3A_201, %dma_wait3A_202] : memref<10000x128xf32, #tpu.memory_space<hbm>> -> memref<40x128xf32, #tpu.memory_space<hbm>>
        tpu.wait_dma2 semaphore(%arg18 : memref<!tpu.dma_semaphore, #tpu.memory_space<semaphore_mem>>) src(%dma_wait3A_203 : memref<40x128xf32, #tpu.memory_space<hbm>>) dst(%arg13 : memref<40x128xf32, #tpu.memory_space<vmem>>)
        %dma_wait3A_204 = arith.constant 0 : i32
        %dma_wait3A_205 = arith.constant 4 : i32
        %dma_wait3A_206 = arith.constant 0 : i32
        %dma_wait3A_207 = tpu.memref_slice %arg8[%dma_wait3A_205, %dma_wait3A_206] : memref<5x40xi32, #tpu.memory_space<vmem>> -> memref<1x40xi32, #tpu.memory_space<vmem>>
        %dma_wait3A_208 = tpu.memref_squeeze %dma_wait3A_207 : memref<1x40xi32, #tpu.memory_space<vmem>> -> memref<40xi32, #tpu.memory_space<vmem>>
        %dma_wait3A_209 = arith.constant 0 : i32
        %dma_wait3A_210 = tpu.memref_slice %arg4[%add3A, %dma_wait3A_204, %dma_wait3A_209] : memref<32x250x40xi32, #tpu.memory_space<hbm>> -> memref<1x1x40xi32, #tpu.memory_space<hbm>>
        %dma_wait3A_211 = tpu.memref_squeeze %dma_wait3A_210 : memref<1x1x40xi32, #tpu.memory_space<hbm>> -> memref<40xi32, #tpu.memory_space<hbm>>
        %dma_wait3A_212 = arith.constant 0 : i32
        %dma_wait3A_213 = tpu.memref_slice %arg8[%dma_wait3A_205, %dma_wait3A_212] : memref<5x40xi32, #tpu.memory_space<vmem>> -> memref<1x40xi32, #tpu.memory_space<vmem>>
        %dma_wait3A_214 = tpu.memref_squeeze %dma_wait3A_213 : memref<1x40xi32, #tpu.memory_space<vmem>> -> memref<40xi32, #tpu.memory_space<vmem>>
        %dma_wait3A_215 = arith.constant 0 : i32
        %dma_wait3A_216 = tpu.memref_slice %arg4[%add3A, %dma_wait3A_204, %dma_wait3A_215] : memref<32x250x40xi32, #tpu.memory_space<hbm>> -> memref<1x1x40xi32, #tpu.memory_space<hbm>>
        %dma_wait3A_217 = tpu.memref_squeeze %dma_wait3A_216 : memref<1x1x40xi32, #tpu.memory_space<hbm>> -> memref<40xi32, #tpu.memory_space<hbm>>
        tpu.wait_dma2 semaphore(%arg28 : memref<!tpu.dma_semaphore, #tpu.memory_space<semaphore_mem>>) src(%dma_wait3A_217 : memref<40xi32, #tpu.memory_space<hbm>>) dst(%dma_wait3A_214 : memref<40xi32, #tpu.memory_space<vmem>>)
        %dma_start3A_218 = arith.constant 4 : i32
        %dma_start3A_219 = arith.constant 0 : i32
        %dma_start3A_220 = tpu.memref_slice %arg8[%dma_start3A_218, %dma_start3A_219] : memref<5x40xi32, #tpu.memory_space<vmem>> -> memref<1x40xi32, #tpu.memory_space<vmem>>
        %dma_start3A_221 = tpu.memref_squeeze %dma_start3A_220 : memref<1x40xi32, #tpu.memory_space<vmem>> -> memref<40xi32, #tpu.memory_space<vmem>>
        %dma_start3A_222 = arith.constant 0 : i32
        %dma_start3A_223 = arith.constant 0 : i32
        %dma_start3A_224 = tpu.memref_slice %arg6[%dma_start3A_222, %dma_start3A_223] : memref<10240x128xf32, #tpu.memory_space<vmem_shared>> -> memref<10240x128xf32, #tpu.memory_space<vmem_shared>>
        tpu.enqueue_indirect_dma source(%arg13 : memref<40x128xf32, #tpu.memory_space<vmem>>) target(%dma_start3A_224 : memref<10240x128xf32, #tpu.memory_space<vmem_shared>>) offsets(%dma_start3A_221 : memref<40xi32, #tpu.memory_space<vmem>>) semaphore(%arg23 : memref<!tpu.dma_semaphore, #tpu.memory_space<semaphore_mem>>) {add = true}
        %add3A_225 = arith.constant 5 : i32
        %add3A_226 = arith.addi %add3A_192, %add3A_225 : i32
        %lt3A_227 = arith.constant 250 : i32
        %lt3A_228 = arith.cmpi slt, %add3A_226, %lt3A_227 : i32
        %convert_element_type3A_229 = arith.extui %lt3A_228 : i1 to i32
        %cond3A_230 = arith.constant 0 : i32
        %cond3A_231 = arith.cmpi ne, %convert_element_type3A_229, %cond3A_230 : i32
        scf.if %cond3A_231 {
          %dma_wait3A_232 = arith.constant 0 : i32
          %dma_wait3A_233 = arith.constant 0 : i32
          %dma_wait3A_234 = tpu.memref_slice %arg2[%dma_wait3A_232, %dma_wait3A_233] : memref<10000x128xf32, #tpu.memory_space<hbm>> -> memref<40x128xf32, #tpu.memory_space<hbm>>
          %dma_wait3A_235 = arith.constant 0 : i32
          %dma_wait3A_236 = arith.constant 0 : i32
          %dma_wait3A_237 = tpu.memref_slice %arg2[%dma_wait3A_235, %dma_wait3A_236] : memref<10000x128xf32, #tpu.memory_space<hbm>> -> memref<40x128xf32, #tpu.memory_space<hbm>>
          tpu.wait_dma2 semaphore(%arg23 : memref<!tpu.dma_semaphore, #tpu.memory_space<semaphore_mem>>) src(%dma_wait3A_237 : memref<40x128xf32, #tpu.memory_space<hbm>>) dst(%arg13 : memref<40x128xf32, #tpu.memory_space<vmem>>)
          %add3A_238 = arith.constant 5 : i32
          %add3A_239 = arith.addi %add3A_192, %add3A_238 : i32
          %dma_start3A_240 = arith.constant 4 : i32
          %dma_start3A_241 = arith.constant 0 : i32
          %dma_start3A_242 = tpu.memref_slice %arg8[%dma_start3A_240, %dma_start3A_241] : memref<5x40xi32, #tpu.memory_space<vmem>> -> memref<1x40xi32, #tpu.memory_space<vmem>>
          %dma_start3A_243 = tpu.memref_squeeze %dma_start3A_242 : memref<1x40xi32, #tpu.memory_space<vmem>> -> memref<40xi32, #tpu.memory_space<vmem>>
          %dma_start3A_244 = arith.constant 0 : i32
          %dma_start3A_245 = tpu.memref_slice %arg4[%add3A, %add3A_239, %dma_start3A_244] : memref<32x250x40xi32, #tpu.memory_space<hbm>> -> memref<1x1x40xi32, #tpu.memory_space<hbm>>
          %dma_start3A_246 = tpu.memref_squeeze %dma_start3A_245 : memref<1x1x40xi32, #tpu.memory_space<hbm>> -> memref<40xi32, #tpu.memory_space<hbm>>
          %dma_start3A_247 = arith.constant 0 : i32
          %dma_start3A_248 = tpu.memref_slice %arg8[%dma_start3A_240, %dma_start3A_247] : memref<5x40xi32, #tpu.memory_space<vmem>> -> memref<1x40xi32, #tpu.memory_space<vmem>>
          %dma_start3A_249 = tpu.memref_squeeze %dma_start3A_248 : memref<1x40xi32, #tpu.memory_space<vmem>> -> memref<40xi32, #tpu.memory_space<vmem>>
          %dma_start3A_250 = arith.constant 0 : i32
          %dma_start3A_251 = tpu.memref_slice %arg4[%add3A, %add3A_239, %dma_start3A_250] : memref<32x250x40xi32, #tpu.memory_space<hbm>> -> memref<1x1x40xi32, #tpu.memory_space<hbm>>
          %dma_start3A_252 = tpu.memref_squeeze %dma_start3A_251 : memref<1x1x40xi32, #tpu.memory_space<hbm>> -> memref<40xi32, #tpu.memory_space<hbm>>
          tpu.enqueue_dma source(%dma_start3A_252 : memref<40xi32, #tpu.memory_space<hbm>>) target(%dma_start3A_249 : memref<40xi32, #tpu.memory_space<vmem>>) target_semaphore(%arg28 : memref<!tpu.dma_semaphore, #tpu.memory_space<semaphore_mem>>)
          %add3A_253 = arith.constant 5 : i32
          %add3A_254 = arith.addi %add3A_192, %add3A_253 : i32
          %dma_start3A_255 = arith.constant 0 : i32
          %dma_start3A_256 = tpu.memref_slice %arg7[%add3A_254, %dma_start3A_255] : memref<250x40xi32, #tpu.memory_space<vmem>> -> memref<1x40xi32, #tpu.memory_space<vmem>>
          %dma_start3A_257 = tpu.memref_squeeze %dma_start3A_256 : memref<1x40xi32, #tpu.memory_space<vmem>> -> memref<40xi32, #tpu.memory_space<vmem>>
          %dma_start3A_258 = arith.constant 0 : i32
          %dma_start3A_259 = arith.constant 0 : i32
          %dma_start3A_260 = tpu.memref_slice %arg2[%dma_start3A_258, %dma_start3A_259] : memref<10000x128xf32, #tpu.memory_space<hbm>> -> memref<10000x128xf32, #tpu.memory_space<hbm>>
          tpu.enqueue_indirect_dma source(%dma_start3A_260 : memref<10000x128xf32, #tpu.memory_space<hbm>>) target(%arg13 : memref<40x128xf32, #tpu.memory_space<vmem>>) offsets(%dma_start3A_257 : memref<40xi32, #tpu.memory_space<vmem>>) semaphore(%arg18 : memref<!tpu.dma_semaphore, #tpu.memory_space<semaphore_mem>>)
        } else {
        }
      } else {
      }
    }
    %scan3A_119 = arith.constant 50 : i32
    %dma_wait3A = arith.constant 0 : i32
    %dma_wait3A_120 = arith.constant 0 : i32
    %dma_wait3A_121 = tpu.memref_slice %arg2[%dma_wait3A, %dma_wait3A_120] : memref<10000x128xf32, #tpu.memory_space<hbm>> -> memref<40x128xf32, #tpu.memory_space<hbm>>
    %dma_wait3A_122 = arith.constant 0 : i32
    %dma_wait3A_123 = arith.constant 0 : i32
    %dma_wait3A_124 = tpu.memref_slice %arg2[%dma_wait3A_122, %dma_wait3A_123] : memref<10000x128xf32, #tpu.memory_space<hbm>> -> memref<40x128xf32, #tpu.memory_space<hbm>>
    tpu.wait_dma2 semaphore(%arg19 : memref<!tpu.dma_semaphore, #tpu.memory_space<semaphore_mem>>) src(%dma_wait3A_124 : memref<40x128xf32, #tpu.memory_space<hbm>>) dst(%arg9 : memref<40x128xf32, #tpu.memory_space<vmem>>)
    %dma_wait3A_125 = arith.constant 0 : i32
    %dma_wait3A_126 = arith.constant 0 : i32
    %dma_wait3A_127 = tpu.memref_slice %arg2[%dma_wait3A_125, %dma_wait3A_126] : memref<10000x128xf32, #tpu.memory_space<hbm>> -> memref<40x128xf32, #tpu.memory_space<hbm>>
    %dma_wait3A_128 = arith.constant 0 : i32
    %dma_wait3A_129 = arith.constant 0 : i32
    %dma_wait3A_130 = tpu.memref_slice %arg2[%dma_wait3A_128, %dma_wait3A_129] : memref<10000x128xf32, #tpu.memory_space<hbm>> -> memref<40x128xf32, #tpu.memory_space<hbm>>
    tpu.wait_dma2 semaphore(%arg20 : memref<!tpu.dma_semaphore, #tpu.memory_space<semaphore_mem>>) src(%dma_wait3A_130 : memref<40x128xf32, #tpu.memory_space<hbm>>) dst(%arg10 : memref<40x128xf32, #tpu.memory_space<vmem>>)
    %dma_wait3A_131 = arith.constant 0 : i32
    %dma_wait3A_132 = arith.constant 0 : i32
    %dma_wait3A_133 = tpu.memref_slice %arg2[%dma_wait3A_131, %dma_wait3A_132] : memref<10000x128xf32, #tpu.memory_space<hbm>> -> memref<40x128xf32, #tpu.memory_space<hbm>>
    %dma_wait3A_134 = arith.constant 0 : i32
    %dma_wait3A_135 = arith.constant 0 : i32
    %dma_wait3A_136 = tpu.memref_slice %arg2[%dma_wait3A_134, %dma_wait3A_135] : memref<10000x128xf32, #tpu.memory_space<hbm>> -> memref<40x128xf32, #tpu.memory_space<hbm>>
    tpu.wait_dma2 semaphore(%arg21 : memref<!tpu.dma_semaphore, #tpu.memory_space<semaphore_mem>>) src(%dma_wait3A_136 : memref<40x128xf32, #tpu.memory_space<hbm>>) dst(%arg11 : memref<40x128xf32, #tpu.memory_space<vmem>>)
    %dma_wait3A_137 = arith.constant 0 : i32
    %dma_wait3A_138 = arith.constant 0 : i32
    %dma_wait3A_139 = tpu.memref_slice %arg2[%dma_wait3A_137, %dma_wait3A_138] : memref<10000x128xf32, #tpu.memory_space<hbm>> -> memref<40x128xf32, #tpu.memory_space<hbm>>
    %dma_wait3A_140 = arith.constant 0 : i32
    %dma_wait3A_141 = arith.constant 0 : i32
    %dma_wait3A_142 = tpu.memref_slice %arg2[%dma_wait3A_140, %dma_wait3A_141] : memref<10000x128xf32, #tpu.memory_space<hbm>> -> memref<40x128xf32, #tpu.memory_space<hbm>>
    tpu.wait_dma2 semaphore(%arg22 : memref<!tpu.dma_semaphore, #tpu.memory_space<semaphore_mem>>) src(%dma_wait3A_142 : memref<40x128xf32, #tpu.memory_space<hbm>>) dst(%arg12 : memref<40x128xf32, #tpu.memory_space<vmem>>)
    %dma_wait3A_143 = arith.constant 0 : i32
    %dma_wait3A_144 = arith.constant 0 : i32
    %dma_wait3A_145 = tpu.memref_slice %arg2[%dma_wait3A_143, %dma_wait3A_144] : memref<10000x128xf32, #tpu.memory_space<hbm>> -> memref<40x128xf32, #tpu.memory_space<hbm>>
    %dma_wait3A_146 = arith.constant 0 : i32
    %dma_wait3A_147 = arith.constant 0 : i32
    %dma_wait3A_148 = tpu.memref_slice %arg2[%dma_wait3A_146, %dma_wait3A_147] : memref<10000x128xf32, #tpu.memory_space<hbm>> -> memref<40x128xf32, #tpu.memory_space<hbm>>
    tpu.wait_dma2 semaphore(%arg23 : memref<!tpu.dma_semaphore, #tpu.memory_space<semaphore_mem>>) src(%dma_wait3A_148 : memref<40x128xf32, #tpu.memory_space<hbm>>) dst(%arg13 : memref<40x128xf32, #tpu.memory_space<vmem>>)
    %barrier3A_149 = arith.constant 0 : index
    tpu.barrier barrier_id(%barrier3A_149)
    %scan3A_150 = arith.constant 0 : i32
    %scan3A_151 = arith.constant 16 : i32
    %scan3A_152 = arith.addi %scan3A_150, %scan3A_151 : i32
    %scan3A_153 = arith.constant 1 : i32
    scf.for %scan3A_155 = %scan3A_150 to %scan3A_152 step %scan3A_153  : i32 {
      %mul3A_156 = arith.constant 640 : i32
      %mul3A_157 = arith.muli %arg1, %mul3A_156 : i32
      %mul3A_158 = arith.constant 40 : i32
      %mul3A_159 = arith.muli %scan3A_155, %mul3A_158 : i32
      %add3A_160 = arith.addi %mul3A_157, %mul3A_159 : i32
      "tpu.region"() ({
        %run_scoped3A = tpu.sem_alloc : memref<!tpu.dma_semaphore, #tpu.memory_space<semaphore_mem>>
        %dma_start3A_161 = arith.constant 0 : i32
        %dma_start3A_162 = tpu.memref_slice %arg6[%add3A_160, %dma_start3A_161] : memref<10240x128xf32, #tpu.memory_space<vmem_shared>> -> memref<40x128xf32, #tpu.memory_space<vmem_shared>>
        %dma_start3A_163 = arith.constant 0 : i32
        %dma_start3A_164 = tpu.memref_slice %arg6[%add3A_160, %dma_start3A_163] : memref<10240x128xf32, #tpu.memory_space<vmem_shared>> -> memref<40x128xf32, #tpu.memory_space<vmem_shared>>
        tpu.enqueue_dma source(%dma_start3A_164 : memref<40x128xf32, #tpu.memory_space<vmem_shared>>) target(%arg9 : memref<40x128xf32, #tpu.memory_space<vmem>>) target_semaphore(%run_scoped3A : memref<!tpu.dma_semaphore, #tpu.memory_space<semaphore_mem>>)
        %dma_wait3A_165 = arith.constant 0 : i32
        %dma_wait3A_166 = tpu.memref_slice %arg6[%add3A_160, %dma_wait3A_165] : memref<10240x128xf32, #tpu.memory_space<vmem_shared>> -> memref<40x128xf32, #tpu.memory_space<vmem_shared>>
        %dma_wait3A_167 = arith.constant 0 : i32
        %dma_wait3A_168 = tpu.memref_slice %arg6[%add3A_160, %dma_wait3A_167] : memref<10240x128xf32, #tpu.memory_space<vmem_shared>> -> memref<40x128xf32, #tpu.memory_space<vmem_shared>>
        tpu.wait_dma2 semaphore(%run_scoped3A : memref<!tpu.dma_semaphore, #tpu.memory_space<semaphore_mem>>) src(%dma_wait3A_168 : memref<40x128xf32, #tpu.memory_space<vmem_shared>>) dst(%arg9 : memref<40x128xf32, #tpu.memory_space<vmem>>)
        tpu.yield
      }) : () -> ()
      "tpu.region"() ({
        %run_scoped3A = tpu.sem_alloc : memref<!tpu.dma_semaphore, #tpu.memory_space<semaphore_mem>>
        %dma_start3A_161 = arith.constant 0 : i32
        %dma_start3A_162 = tpu.memref_slice %arg5[%arg0, %add3A_160, %dma_start3A_161] : memref<2x10240x128xf32, #tpu.memory_space<hbm>> -> memref<1x40x128xf32, #tpu.memory_space<hbm>>
        %dma_start3A_163 = tpu.memref_squeeze %dma_start3A_162 : memref<1x40x128xf32, #tpu.memory_space<hbm>> -> memref<40x128xf32, #tpu.memory_space<hbm>>
        %dma_start3A_164 = arith.constant 0 : i32
        %dma_start3A_165 = tpu.memref_slice %arg5[%arg0, %add3A_160, %dma_start3A_164] : memref<2x10240x128xf32, #tpu.memory_space<hbm>> -> memref<1x40x128xf32, #tpu.memory_space<hbm>>
        %dma_start3A_166 = tpu.memref_squeeze %dma_start3A_165 : memref<1x40x128xf32, #tpu.memory_space<hbm>> -> memref<40x128xf32, #tpu.memory_space<hbm>>
        tpu.enqueue_dma source(%arg9 : memref<40x128xf32, #tpu.memory_space<vmem>>) target(%dma_start3A_166 : memref<40x128xf32, #tpu.memory_space<hbm>>) target_semaphore(%run_scoped3A : memref<!tpu.dma_semaphore, #tpu.memory_space<semaphore_mem>>)
        %dma_wait3A_167 = arith.constant 0 : i32
        %dma_wait3A_168 = tpu.memref_slice %arg5[%arg0, %add3A_160, %dma_wait3A_167] : memref<2x10240x128xf32, #tpu.memory_space<hbm>> -> memref<1x40x128xf32, #tpu.memory_space<hbm>>
        %dma_wait3A_169 = tpu.memref_squeeze %dma_wait3A_168 : memref<1x40x128xf32, #tpu.memory_space<hbm>> -> memref<40x128xf32, #tpu.memory_space<hbm>>
        %dma_wait3A_170 = arith.constant 0 : i32
        %dma_wait3A_171 = tpu.memref_slice %arg5[%arg0, %add3A_160, %dma_wait3A_170] : memref<2x10240x128xf32, #tpu.memory_space<hbm>> -> memref<1x40x128xf32, #tpu.memory_space<hbm>>
        %dma_wait3A_172 = tpu.memref_squeeze %dma_wait3A_171 : memref<1x40x128xf32, #tpu.memory_space<hbm>> -> memref<40x128xf32, #tpu.memory_space<hbm>>
        tpu.wait_dma2 semaphore(%run_scoped3A : memref<!tpu.dma_semaphore, #tpu.memory_space<semaphore_mem>>) src(%arg9 : memref<40x128xf32, #tpu.memory_space<vmem>>) dst(%dma_wait3A_172 : memref<40x128xf32, #tpu.memory_space<hbm>>)
        tpu.yield
      }) : () -> ()
    }
    %scan3A_154 = arith.constant 16 : i32
    return
  }
}

#map = affine_map<(d0, d1) -> (0, 0)>
#map1 = affine_map<(d0, d1) -> (0, 0, 0)>
module attributes {stable_mosaic.version = 14 : i64} {
  func.func @_agg(%arg0: i32, %arg1: i32, %arg2: memref<10240x128xf32, #tpu.memory_space<hbm>>, %arg3: memref<32x250x40xi32, #tpu.memory_space<hbm>>, %arg4: memref<32x250x40xi32, #tpu.memory_space<hbm>>, %arg5: memref<2x10240x128xf32, #tpu.memory_space<hbm>>, %arg6: memref<10240x128xf32, #tpu.memory_space<vmem_shared>>, %arg7: memref<250x40xi32, #tpu.memory_space<vmem>>, %arg8: memref<5x40xi32, #tpu.memory_space<vmem>>, %arg9: memref<40x128xf32, #tpu.memory_space<vmem>>, %arg10: memref<40x128xf32, #tpu.memory_space<vmem>>, %arg11: memref<40x128xf32, #tpu.memory_space<vmem>>, %arg12: memref<40x128xf32, #tpu.memory_space<vmem>>, %arg13: memref<40x128xf32, #tpu.memory_space<vmem>>, %arg14: memref<!tpu.dma_semaphore, #tpu.memory_space<semaphore_mem>>, %arg15: memref<!tpu.dma_semaphore, #tpu.memory_space<semaphore_mem>>, %arg16: memref<!tpu.dma_semaphore, #tpu.memory_space<semaphore_mem>>, %arg17: memref<!tpu.dma_semaphore, #tpu.memory_space<semaphore_mem>>, %arg18: memref<!tpu.dma_semaphore, #tpu.memory_space<semaphore_mem>>, %arg19: memref<!tpu.dma_semaphore, #tpu.memory_space<semaphore_mem>>, %arg20: memref<!tpu.dma_semaphore, #tpu.memory_space<semaphore_mem>>, %arg21: memref<!tpu.dma_semaphore, #tpu.memory_space<semaphore_mem>>, %arg22: memref<!tpu.dma_semaphore, #tpu.memory_space<semaphore_mem>>, %arg23: memref<!tpu.dma_semaphore, #tpu.memory_space<semaphore_mem>>, %arg24: memref<!tpu.dma_semaphore, #tpu.memory_space<semaphore_mem>>, %arg25: memref<!tpu.dma_semaphore, #tpu.memory_space<semaphore_mem>>, %arg26: memref<!tpu.dma_semaphore, #tpu.memory_space<semaphore_mem>>, %arg27: memref<!tpu.dma_semaphore, #tpu.memory_space<semaphore_mem>>, %arg28: memref<!tpu.dma_semaphore, #tpu.memory_space<semaphore_mem>>) attributes {dimension_semantics = [#tpu.dimension_semantics<core_parallel>, #tpu.dimension_semantics<subcore_parallel>], iteration_bounds = array<i64: 2, 16>, scalar_prefetch = 0 : i64, scratch_operands = 23 : i64, tpu.core_type = #tpu.core_type<sc_vector_subcore>, window_params = [{transform_indices = #map}, {transform_indices = #map1}, {transform_indices = #map1}, {transform_indices = #map1}]} {
    %mul3A = arith.constant 16 : i32
    %mul3A_0 = arith.muli %arg0, %mul3A : i32
    %add3A = arith.addi %mul3A_0, %arg1 : i32
    %broadcast_in_dim3A = arith.constant 0.000000e+00 : f32
    %broadcast_in_dim3A_1 = vector.broadcast %broadcast_in_dim3A : f32 to vector<16xf32>
    %scan3A = arith.constant 0 : i32
    %scan3A_2 = arith.constant 40 : i32
    %scan3A_3 = arith.addi %scan3A, %scan3A_2 : i32
    %scan3A_4 = arith.constant 1 : i32
    scf.for %scan3A_155 = %scan3A to %scan3A_3 step %scan3A_4  : i32 {
      %swap3A = arith.index_cast %scan3A_155 : i32 to index
      %swap3A_156 = arith.constant 0 : index
      %swap3A_157 = tpu.vector_load %arg9[%swap3A, %swap3A_156] {strides = array<i32>} : memref<40x128xf32, #tpu.memory_space<vmem>>, vector<1x16xf32>,
      %swap3A_158 = vector.shape_cast %swap3A_157 : vector<1x16xf32> to vector<16xf32>
      %swap3A_159 = vector.shape_cast %broadcast_in_dim3A_1 : vector<16xf32> to vector<1x16xf32>
      tpu.vector_store %arg9[%swap3A, %swap3A_156], %swap3A_159 {strides = array<i32>} : memref<40x128xf32, #tpu.memory_space<vmem>>, vector<1x16xf32>,
      %swap3A_160 = arith.index_cast %scan3A_155 : i32 to index
      %swap3A_161 = arith.constant 16 : index
      %swap3A_162 = tpu.vector_load %arg9[%swap3A_160, %swap3A_161] {strides = array<i32>} : memref<40x128xf32, #tpu.memory_space<vmem>>, vector<1x16xf32>,
      %swap3A_163 = vector.shape_cast %swap3A_162 : vector<1x16xf32> to vector<16xf32>
      %swap3A_164 = vector.shape_cast %broadcast_in_dim3A_1 : vector<16xf32> to vector<1x16xf32>
      tpu.vector_store %arg9[%swap3A_160, %swap3A_161], %swap3A_164 {strides = array<i32>} : memref<40x128xf32, #tpu.memory_space<vmem>>, vector<1x16xf32>,
      %swap3A_165 = arith.index_cast %scan3A_155 : i32 to index
      %swap3A_166 = arith.constant 32 : index
      %swap3A_167 = tpu.vector_load %arg9[%swap3A_165, %swap3A_166] {strides = array<i32>} : memref<40x128xf32, #tpu.memory_space<vmem>>, vector<1x16xf32>,
      %swap3A_168 = vector.shape_cast %swap3A_167 : vector<1x16xf32> to vector<16xf32>
      %swap3A_169 = vector.shape_cast %broadcast_in_dim3A_1 : vector<16xf32> to vector<1x16xf32>
      tpu.vector_store %arg9[%swap3A_165, %swap3A_166], %swap3A_169 {strides = array<i32>} : memref<40x128xf32, #tpu.memory_space<vmem>>, vector<1x16xf32>,
      %swap3A_170 = arith.index_cast %scan3A_155 : i32 to index
      %swap3A_171 = arith.constant 48 : index
      %swap3A_172 = tpu.vector_load %arg9[%swap3A_170, %swap3A_171] {strides = array<i32>} : memref<40x128xf32, #tpu.memory_space<vmem>>, vector<1x16xf32>,
      %swap3A_173 = vector.shape_cast %swap3A_172 : vector<1x16xf32> to vector<16xf32>
      %swap3A_174 = vector.shape_cast %broadcast_in_dim3A_1 : vector<16xf32> to vector<1x16xf32>
      tpu.vector_store %arg9[%swap3A_170, %swap3A_171], %swap3A_174 {strides = array<i32>} : memref<40x128xf32, #tpu.memory_space<vmem>>, vector<1x16xf32>,
      %swap3A_175 = arith.index_cast %scan3A_155 : i32 to index
      %swap3A_176 = arith.constant 64 : index
      %swap3A_177 = tpu.vector_load %arg9[%swap3A_175, %swap3A_176] {strides = array<i32>} : memref<40x128xf32, #tpu.memory_space<vmem>>, vector<1x16xf32>,
      %swap3A_178 = vector.shape_cast %swap3A_177 : vector<1x16xf32> to vector<16xf32>
      %swap3A_179 = vector.shape_cast %broadcast_in_dim3A_1 : vector<16xf32> to vector<1x16xf32>
      tpu.vector_store %arg9[%swap3A_175, %swap3A_176], %swap3A_179 {strides = array<i32>} : memref<40x128xf32, #tpu.memory_space<vmem>>, vector<1x16xf32>,
      %swap3A_180 = arith.index_cast %scan3A_155 : i32 to index
      %swap3A_181 = arith.constant 80 : index
      %swap3A_182 = tpu.vector_load %arg9[%swap3A_180, %swap3A_181] {strides = array<i32>} : memref<40x128xf32, #tpu.memory_space<vmem>>, vector<1x16xf32>,
      %swap3A_183 = vector.shape_cast %swap3A_182 : vector<1x16xf32> to vector<16xf32>
      %swap3A_184 = vector.shape_cast %broadcast_in_dim3A_1 : vector<16xf32> to vector<1x16xf32>
      tpu.vector_store %arg9[%swap3A_180, %swap3A_181], %swap3A_184 {strides = array<i32>} : memref<40x128xf32, #tpu.memory_space<vmem>>, vector<1x16xf32>,
      %swap3A_185 = arith.index_cast %scan3A_155 : i32 to index
      %swap3A_186 = arith.constant 96 : index
      %swap3A_187 = tpu.vector_load %arg9[%swap3A_185, %swap3A_186] {strides = array<i32>} : memref<40x128xf32, #tpu.memory_space<vmem>>, vector<1x16xf32>,
      %swap3A_188 = vector.shape_cast %swap3A_187 : vector<1x16xf32> to vector<16xf32>
      %swap3A_189 = vector.shape_cast %broadcast_in_dim3A_1 : vector<16xf32> to vector<1x16xf32>
      tpu.vector_store %arg9[%swap3A_185, %swap3A_186], %swap3A_189 {strides = array<i32>} : memref<40x128xf32, #tpu.memory_space<vmem>>, vector<1x16xf32>,
      %swap3A_190 = arith.index_cast %scan3A_155 : i32 to index
      %swap3A_191 = arith.constant 112 : index
      %swap3A_192 = tpu.vector_load %arg9[%swap3A_190, %swap3A_191] {strides = array<i32>} : memref<40x128xf32, #tpu.memory_space<vmem>>, vector<1x16xf32>,
      %swap3A_193 = vector.shape_cast %swap3A_192 : vector<1x16xf32> to vector<16xf32>
      %swap3A_194 = vector.shape_cast %broadcast_in_dim3A_1 : vector<16xf32> to vector<1x16xf32>
      tpu.vector_store %arg9[%swap3A_190, %swap3A_191], %swap3A_194 {strides = array<i32>} : memref<40x128xf32, #tpu.memory_space<vmem>>, vector<1x16xf32>,
    }
    %scan3A_5 = arith.constant 40 : i32
    %scan3A_6 = arith.constant 0 : i32
    %scan3A_7 = arith.constant 16 : i32
    %scan3A_8 = arith.addi %scan3A_6, %scan3A_7 : i32
    %scan3A_9 = arith.constant 1 : i32
    scf.for %scan3A_155 = %scan3A_6 to %scan3A_8 step %scan3A_9  : i32 {
      %mul3A_156 = arith.constant 640 : i32
      %mul3A_157 = arith.muli %arg1, %mul3A_156 : i32
      %mul3A_158 = arith.constant 40 : i32
      %mul3A_159 = arith.muli %scan3A_155, %mul3A_158 : i32
      %add3A_160 = arith.addi %mul3A_157, %mul3A_159 : i32
      "tpu.region"() ({
        %run_scoped3A = tpu.sem_alloc : memref<!tpu.dma_semaphore, #tpu.memory_space<semaphore_mem>>
        %dma_start3A_161 = arith.constant 0 : i32
        %dma_start3A_162 = tpu.memref_slice %arg6[%add3A_160, %dma_start3A_161] : memref<10240x128xf32, #tpu.memory_space<vmem_shared>> -> memref<40x128xf32, #tpu.memory_space<vmem_shared>>
        %dma_start3A_163 = arith.constant 0 : i32
        %dma_start3A_164 = tpu.memref_slice %arg6[%add3A_160, %dma_start3A_163] : memref<10240x128xf32, #tpu.memory_space<vmem_shared>> -> memref<40x128xf32, #tpu.memory_space<vmem_shared>>
        tpu.enqueue_dma source(%arg9 : memref<40x128xf32, #tpu.memory_space<vmem>>) target(%dma_start3A_164 : memref<40x128xf32, #tpu.memory_space<vmem_shared>>) target_semaphore(%run_scoped3A : memref<!tpu.dma_semaphore, #tpu.memory_space<semaphore_mem>>)
        %dma_wait3A_165 = arith.constant 0 : i32
        %dma_wait3A_166 = tpu.memref_slice %arg6[%add3A_160, %dma_wait3A_165] : memref<10240x128xf32, #tpu.memory_space<vmem_shared>> -> memref<40x128xf32, #tpu.memory_space<vmem_shared>>
        %dma_wait3A_167 = arith.constant 0 : i32
        %dma_wait3A_168 = tpu.memref_slice %arg6[%add3A_160, %dma_wait3A_167] : memref<10240x128xf32, #tpu.memory_space<vmem_shared>> -> memref<40x128xf32, #tpu.memory_space<vmem_shared>>
        tpu.wait_dma2 semaphore(%run_scoped3A : memref<!tpu.dma_semaphore, #tpu.memory_space<semaphore_mem>>) src(%arg9 : memref<40x128xf32, #tpu.memory_space<vmem>>) dst(%dma_wait3A_168 : memref<40x128xf32, #tpu.memory_space<vmem_shared>>)
        tpu.yield
      }) : () -> ()
    }
    %scan3A_10 = arith.constant 16 : i32
    "tpu.region"() ({
      %run_scoped3A = tpu.sem_alloc : memref<!tpu.dma_semaphore, #tpu.memory_space<semaphore_mem>>
      %dma_start3A_155 = arith.constant 0 : i32
      %dma_start3A_156 = arith.constant 0 : i32
      %dma_start3A_157 = tpu.memref_slice %arg3[%add3A, %dma_start3A_155, %dma_start3A_156] : memref<32x250x40xi32, #tpu.memory_space<hbm>> -> memref<1x250x40xi32, #tpu.memory_space<hbm>>
      %dma_start3A_158 = tpu.memref_squeeze %dma_start3A_157 : memref<1x250x40xi32, #tpu.memory_space<hbm>> -> memref<250x40xi32, #tpu.memory_space<hbm>>
      %dma_start3A_159 = arith.constant 0 : i32
      %dma_start3A_160 = arith.constant 0 : i32
      %dma_start3A_161 = tpu.memref_slice %arg3[%add3A, %dma_start3A_159, %dma_start3A_160] : memref<32x250x40xi32, #tpu.memory_space<hbm>> -> memref<1x250x40xi32, #tpu.memory_space<hbm>>
      %dma_start3A_162 = tpu.memref_squeeze %dma_start3A_161 : memref<1x250x40xi32, #tpu.memory_space<hbm>> -> memref<250x40xi32, #tpu.memory_space<hbm>>
      tpu.enqueue_dma source(%dma_start3A_162 : memref<250x40xi32, #tpu.memory_space<hbm>>) target(%arg7 : memref<250x40xi32, #tpu.memory_space<vmem>>) target_semaphore(%run_scoped3A : memref<!tpu.dma_semaphore, #tpu.memory_space<semaphore_mem>>)
      %dma_wait3A_163 = arith.constant 0 : i32
      %dma_wait3A_164 = arith.constant 0 : i32
      %dma_wait3A_165 = tpu.memref_slice %arg3[%add3A, %dma_wait3A_163, %dma_wait3A_164] : memref<32x250x40xi32, #tpu.memory_space<hbm>> -> memref<1x250x40xi32, #tpu.memory_space<hbm>>
      %dma_wait3A_166 = tpu.memref_squeeze %dma_wait3A_165 : memref<1x250x40xi32, #tpu.memory_space<hbm>> -> memref<250x40xi32, #tpu.memory_space<hbm>>
      %dma_wait3A_167 = arith.constant 0 : i32
      %dma_wait3A_168 = arith.constant 0 : i32
      %dma_wait3A_169 = tpu.memref_slice %arg3[%add3A, %dma_wait3A_167, %dma_wait3A_168] : memref<32x250x40xi32, #tpu.memory_space<hbm>> -> memref<1x250x40xi32, #tpu.memory_space<hbm>>
      %dma_wait3A_170 = tpu.memref_squeeze %dma_wait3A_169 : memref<1x250x40xi32, #tpu.memory_space<hbm>> -> memref<250x40xi32, #tpu.memory_space<hbm>>
      tpu.wait_dma2 semaphore(%run_scoped3A : memref<!tpu.dma_semaphore, #tpu.memory_space<semaphore_mem>>) src(%dma_wait3A_170 : memref<250x40xi32, #tpu.memory_space<hbm>>) dst(%arg7 : memref<250x40xi32, #tpu.memory_space<vmem>>)
      tpu.yield
    }) : () -> ()
    %barrier3A = arith.constant 0 : index
    tpu.barrier barrier_id(%barrier3A)
    %dma_start3A = arith.constant 0 : i32
    %dma_start3A_11 = arith.constant 0 : i32
    %dma_start3A_12 = arith.constant 0 : i32
    %dma_start3A_13 = tpu.memref_slice %arg8[%dma_start3A_11, %dma_start3A_12] : memref<5x40xi32, #tpu.memory_space<vmem>> -> memref<1x40xi32, #tpu.memory_space<vmem>>
    %dma_start3A_14 = tpu.memref_squeeze %dma_start3A_13 : memref<1x40xi32, #tpu.memory_space<vmem>> -> memref<40xi32, #tpu.memory_space<vmem>>
    %dma_start3A_15 = arith.constant 0 : i32
    %dma_start3A_16 = tpu.memref_slice %arg4[%add3A, %dma_start3A, %dma_start3A_15] : memref<32x250x40xi32, #tpu.memory_space<hbm>> -> memref<1x1x40xi32, #tpu.memory_space<hbm>>
    %dma_start3A_17 = tpu.memref_squeeze %dma_start3A_16 : memref<1x1x40xi32, #tpu.memory_space<hbm>> -> memref<40xi32, #tpu.memory_space<hbm>>
    %dma_start3A_18 = arith.constant 0 : i32
    %dma_start3A_19 = tpu.memref_slice %arg8[%dma_start3A_11, %dma_start3A_18] : memref<5x40xi32, #tpu.memory_space<vmem>> -> memref<1x40xi32, #tpu.memory_space<vmem>>
    %dma_start3A_20 = tpu.memref_squeeze %dma_start3A_19 : memref<1x40xi32, #tpu.memory_space<vmem>> -> memref<40xi32, #tpu.memory_space<vmem>>
    %dma_start3A_21 = arith.constant 0 : i32
    %dma_start3A_22 = tpu.memref_slice %arg4[%add3A, %dma_start3A, %dma_start3A_21] : memref<32x250x40xi32, #tpu.memory_space<hbm>> -> memref<1x1x40xi32, #tpu.memory_space<hbm>>
    %dma_start3A_23 = tpu.memref_squeeze %dma_start3A_22 : memref<1x1x40xi32, #tpu.memory_space<hbm>> -> memref<40xi32, #tpu.memory_space<hbm>>
    tpu.enqueue_dma source(%dma_start3A_23 : memref<40xi32, #tpu.memory_space<hbm>>) target(%dma_start3A_20 : memref<40xi32, #tpu.memory_space<vmem>>) target_semaphore(%arg24 : memref<!tpu.dma_semaphore, #tpu.memory_space<semaphore_mem>>)
    %dma_start3A_24 = arith.constant 0 : i32
    %dma_start3A_25 = arith.constant 0 : i32
    %dma_start3A_26 = tpu.memref_slice %arg7[%dma_start3A_24, %dma_start3A_25] : memref<250x40xi32, #tpu.memory_space<vmem>> -> memref<1x40xi32, #tpu.memory_space<vmem>>
    %dma_start3A_27 = tpu.memref_squeeze %dma_start3A_26 : memref<1x40xi32, #tpu.memory_space<vmem>> -> memref<40xi32, #tpu.memory_space<vmem>>
    %dma_start3A_28 = arith.constant 0 : i32
    %dma_start3A_29 = arith.constant 0 : i32
    %dma_start3A_30 = tpu.memref_slice %arg2[%dma_start3A_28, %dma_start3A_29] : memref<10240x128xf32, #tpu.memory_space<hbm>> -> memref<10240x128xf32, #tpu.memory_space<hbm>>
    tpu.enqueue_indirect_dma source(%dma_start3A_30 : memref<10240x128xf32, #tpu.memory_space<hbm>>) target(%arg9 : memref<40x128xf32, #tpu.memory_space<vmem>>) offsets(%dma_start3A_27 : memref<40xi32, #tpu.memory_space<vmem>>) semaphore(%arg14 : memref<!tpu.dma_semaphore, #tpu.memory_space<semaphore_mem>>)
    %dma_start3A_31 = arith.constant 1 : i32
    %dma_start3A_32 = arith.constant 1 : i32
    %dma_start3A_33 = arith.constant 0 : i32
    %dma_start3A_34 = tpu.memref_slice %arg8[%dma_start3A_32, %dma_start3A_33] : memref<5x40xi32, #tpu.memory_space<vmem>> -> memref<1x40xi32, #tpu.memory_space<vmem>>
    %dma_start3A_35 = tpu.memref_squeeze %dma_start3A_34 : memref<1x40xi32, #tpu.memory_space<vmem>> -> memref<40xi32, #tpu.memory_space<vmem>>
    %dma_start3A_36 = arith.constant 0 : i32
    %dma_start3A_37 = tpu.memref_slice %arg4[%add3A, %dma_start3A_31, %dma_start3A_36] : memref<32x250x40xi32, #tpu.memory_space<hbm>> -> memref<1x1x40xi32, #tpu.memory_space<hbm>>
    %dma_start3A_38 = tpu.memref_squeeze %dma_start3A_37 : memref<1x1x40xi32, #tpu.memory_space<hbm>> -> memref<40xi32, #tpu.memory_space<hbm>>
    %dma_start3A_39 = arith.constant 0 : i32
    %dma_start3A_40 = tpu.memref_slice %arg8[%dma_start3A_32, %dma_start3A_39] : memref<5x40xi32, #tpu.memory_space<vmem>> -> memref<1x40xi32, #tpu.memory_space<vmem>>
    %dma_start3A_41 = tpu.memref_squeeze %dma_start3A_40 : memref<1x40xi32, #tpu.memory_space<vmem>> -> memref<40xi32, #tpu.memory_space<vmem>>
    %dma_start3A_42 = arith.constant 0 : i32
    %dma_start3A_43 = tpu.memref_slice %arg4[%add3A, %dma_start3A_31, %dma_start3A_42] : memref<32x250x40xi32, #tpu.memory_space<hbm>> -> memref<1x1x40xi32, #tpu.memory_space<hbm>>
    %dma_start3A_44 = tpu.memref_squeeze %dma_start3A_43 : memref<1x1x40xi32, #tpu.memory_space<hbm>> -> memref<40xi32, #tpu.memory_space<hbm>>
    tpu.enqueue_dma source(%dma_start3A_44 : memref<40xi32, #tpu.memory_space<hbm>>) target(%dma_start3A_41 : memref<40xi32, #tpu.memory_space<vmem>>) target_semaphore(%arg25 : memref<!tpu.dma_semaphore, #tpu.memory_space<semaphore_mem>>)
    %dma_start3A_45 = arith.constant 1 : i32
    %dma_start3A_46 = arith.constant 0 : i32
    %dma_start3A_47 = tpu.memref_slice %arg7[%dma_start3A_45, %dma_start3A_46] : memref<250x40xi32, #tpu.memory_space<vmem>> -> memref<1x40xi32, #tpu.memory_space<vmem>>
    %dma_start3A_48 = tpu.memref_squeeze %dma_start3A_47 : memref<1x40xi32, #tpu.memory_space<vmem>> -> memref<40xi32, #tpu.memory_space<vmem>>
    %dma_start3A_49 = arith.constant 0 : i32
    %dma_start3A_50 = arith.constant 0 : i32
    %dma_start3A_51 = tpu.memref_slice %arg2[%dma_start3A_49, %dma_start3A_50] : memref<10240x128xf32, #tpu.memory_space<hbm>> -> memref<10240x128xf32, #tpu.memory_space<hbm>>
    tpu.enqueue_indirect_dma source(%dma_start3A_51 : memref<10240x128xf32, #tpu.memory_space<hbm>>) target(%arg10 : memref<40x128xf32, #tpu.memory_space<vmem>>) offsets(%dma_start3A_48 : memref<40xi32, #tpu.memory_space<vmem>>) semaphore(%arg15 : memref<!tpu.dma_semaphore, #tpu.memory_space<semaphore_mem>>)
    %dma_start3A_52 = arith.constant 2 : i32
    %dma_start3A_53 = arith.constant 2 : i32
    %dma_start3A_54 = arith.constant 0 : i32
    %dma_start3A_55 = tpu.memref_slice %arg8[%dma_start3A_53, %dma_start3A_54] : memref<5x40xi32, #tpu.memory_space<vmem>> -> memref<1x40xi32, #tpu.memory_space<vmem>>
    %dma_start3A_56 = tpu.memref_squeeze %dma_start3A_55 : memref<1x40xi32, #tpu.memory_space<vmem>> -> memref<40xi32, #tpu.memory_space<vmem>>
    %dma_start3A_57 = arith.constant 0 : i32
    %dma_start3A_58 = tpu.memref_slice %arg4[%add3A, %dma_start3A_52, %dma_start3A_57] : memref<32x250x40xi32, #tpu.memory_space<hbm>> -> memref<1x1x40xi32, #tpu.memory_space<hbm>>
    %dma_start3A_59 = tpu.memref_squeeze %dma_start3A_58 : memref<1x1x40xi32, #tpu.memory_space<hbm>> -> memref<40xi32, #tpu.memory_space<hbm>>
    %dma_start3A_60 = arith.constant 0 : i32
    %dma_start3A_61 = tpu.memref_slice %arg8[%dma_start3A_53, %dma_start3A_60] : memref<5x40xi32, #tpu.memory_space<vmem>> -> memref<1x40xi32, #tpu.memory_space<vmem>>
    %dma_start3A_62 = tpu.memref_squeeze %dma_start3A_61 : memref<1x40xi32, #tpu.memory_space<vmem>> -> memref<40xi32, #tpu.memory_space<vmem>>
    %dma_start3A_63 = arith.constant 0 : i32
    %dma_start3A_64 = tpu.memref_slice %arg4[%add3A, %dma_start3A_52, %dma_start3A_63] : memref<32x250x40xi32, #tpu.memory_space<hbm>> -> memref<1x1x40xi32, #tpu.memory_space<hbm>>
    %dma_start3A_65 = tpu.memref_squeeze %dma_start3A_64 : memref<1x1x40xi32, #tpu.memory_space<hbm>> -> memref<40xi32, #tpu.memory_space<hbm>>
    tpu.enqueue_dma source(%dma_start3A_65 : memref<40xi32, #tpu.memory_space<hbm>>) target(%dma_start3A_62 : memref<40xi32, #tpu.memory_space<vmem>>) target_semaphore(%arg26 : memref<!tpu.dma_semaphore, #tpu.memory_space<semaphore_mem>>)
    %dma_start3A_66 = arith.constant 2 : i32
    %dma_start3A_67 = arith.constant 0 : i32
    %dma_start3A_68 = tpu.memref_slice %arg7[%dma_start3A_66, %dma_start3A_67] : memref<250x40xi32, #tpu.memory_space<vmem>> -> memref<1x40xi32, #tpu.memory_space<vmem>>
    %dma_start3A_69 = tpu.memref_squeeze %dma_start3A_68 : memref<1x40xi32, #tpu.memory_space<vmem>> -> memref<40xi32, #tpu.memory_space<vmem>>
    %dma_start3A_70 = arith.constant 0 : i32
    %dma_start3A_71 = arith.constant 0 : i32
    %dma_start3A_72 = tpu.memref_slice %arg2[%dma_start3A_70, %dma_start3A_71] : memref<10240x128xf32, #tpu.memory_space<hbm>> -> memref<10240x128xf32, #tpu.memory_space<hbm>>
    tpu.enqueue_indirect_dma source(%dma_start3A_72 : memref<10240x128xf32, #tpu.memory_space<hbm>>) target(%arg11 : memref<40x128xf32, #tpu.memory_space<vmem>>) offsets(%dma_start3A_69 : memref<40xi32, #tpu.memory_space<vmem>>) semaphore(%arg16 : memref<!tpu.dma_semaphore, #tpu.memory_space<semaphore_mem>>)
    %dma_start3A_73 = arith.constant 3 : i32
    %dma_start3A_74 = arith.constant 3 : i32
    %dma_start3A_75 = arith.constant 0 : i32
    %dma_start3A_76 = tpu.memref_slice %arg8[%dma_start3A_74, %dma_start3A_75] : memref<5x40xi32, #tpu.memory_space<vmem>> -> memref<1x40xi32, #tpu.memory_space<vmem>>
    %dma_start3A_77 = tpu.memref_squeeze %dma_start3A_76 : memref<1x40xi32, #tpu.memory_space<vmem>> -> memref<40xi32, #tpu.memory_space<vmem>>
    %dma_start3A_78 = arith.constant 0 : i32
    %dma_start3A_79 = tpu.memref_slice %arg4[%add3A, %dma_start3A_73, %dma_start3A_78] : memref<32x250x40xi32, #tpu.memory_space<hbm>> -> memref<1x1x40xi32, #tpu.memory_space<hbm>>
    %dma_start3A_80 = tpu.memref_squeeze %dma_start3A_79 : memref<1x1x40xi32, #tpu.memory_space<hbm>> -> memref<40xi32, #tpu.memory_space<hbm>>
    %dma_start3A_81 = arith.constant 0 : i32
    %dma_start3A_82 = tpu.memref_slice %arg8[%dma_start3A_74, %dma_start3A_81] : memref<5x40xi32, #tpu.memory_space<vmem>> -> memref<1x40xi32, #tpu.memory_space<vmem>>
    %dma_start3A_83 = tpu.memref_squeeze %dma_start3A_82 : memref<1x40xi32, #tpu.memory_space<vmem>> -> memref<40xi32, #tpu.memory_space<vmem>>
    %dma_start3A_84 = arith.constant 0 : i32
    %dma_start3A_85 = tpu.memref_slice %arg4[%add3A, %dma_start3A_73, %dma_start3A_84] : memref<32x250x40xi32, #tpu.memory_space<hbm>> -> memref<1x1x40xi32, #tpu.memory_space<hbm>>
    %dma_start3A_86 = tpu.memref_squeeze %dma_start3A_85 : memref<1x1x40xi32, #tpu.memory_space<hbm>> -> memref<40xi32, #tpu.memory_space<hbm>>
    tpu.enqueue_dma source(%dma_start3A_86 : memref<40xi32, #tpu.memory_space<hbm>>) target(%dma_start3A_83 : memref<40xi32, #tpu.memory_space<vmem>>) target_semaphore(%arg27 : memref<!tpu.dma_semaphore, #tpu.memory_space<semaphore_mem>>)
    %dma_start3A_87 = arith.constant 3 : i32
    %dma_start3A_88 = arith.constant 0 : i32
    %dma_start3A_89 = tpu.memref_slice %arg7[%dma_start3A_87, %dma_start3A_88] : memref<250x40xi32, #tpu.memory_space<vmem>> -> memref<1x40xi32, #tpu.memory_space<vmem>>
    %dma_start3A_90 = tpu.memref_squeeze %dma_start3A_89 : memref<1x40xi32, #tpu.memory_space<vmem>> -> memref<40xi32, #tpu.memory_space<vmem>>
    %dma_start3A_91 = arith.constant 0 : i32
    %dma_start3A_92 = arith.constant 0 : i32
    %dma_start3A_93 = tpu.memref_slice %arg2[%dma_start3A_91, %dma_start3A_92] : memref<10240x128xf32, #tpu.memory_space<hbm>> -> memref<10240x128xf32, #tpu.memory_space<hbm>>
    tpu.enqueue_indirect_dma source(%dma_start3A_93 : memref<10240x128xf32, #tpu.memory_space<hbm>>) target(%arg12 : memref<40x128xf32, #tpu.memory_space<vmem>>) offsets(%dma_start3A_90 : memref<40xi32, #tpu.memory_space<vmem>>) semaphore(%arg17 : memref<!tpu.dma_semaphore, #tpu.memory_space<semaphore_mem>>)
    %dma_start3A_94 = arith.constant 4 : i32
    %dma_start3A_95 = arith.constant 4 : i32
    %dma_start3A_96 = arith.constant 0 : i32
    %dma_start3A_97 = tpu.memref_slice %arg8[%dma_start3A_95, %dma_start3A_96] : memref<5x40xi32, #tpu.memory_space<vmem>> -> memref<1x40xi32, #tpu.memory_space<vmem>>
    %dma_start3A_98 = tpu.memref_squeeze %dma_start3A_97 : memref<1x40xi32, #tpu.memory_space<vmem>> -> memref<40xi32, #tpu.memory_space<vmem>>
    %dma_start3A_99 = arith.constant 0 : i32
    %dma_start3A_100 = tpu.memref_slice %arg4[%add3A, %dma_start3A_94, %dma_start3A_99] : memref<32x250x40xi32, #tpu.memory_space<hbm>> -> memref<1x1x40xi32, #tpu.memory_space<hbm>>
    %dma_start3A_101 = tpu.memref_squeeze %dma_start3A_100 : memref<1x1x40xi32, #tpu.memory_space<hbm>> -> memref<40xi32, #tpu.memory_space<hbm>>
    %dma_start3A_102 = arith.constant 0 : i32
    %dma_start3A_103 = tpu.memref_slice %arg8[%dma_start3A_95, %dma_start3A_102] : memref<5x40xi32, #tpu.memory_space<vmem>> -> memref<1x40xi32, #tpu.memory_space<vmem>>
    %dma_start3A_104 = tpu.memref_squeeze %dma_start3A_103 : memref<1x40xi32, #tpu.memory_space<vmem>> -> memref<40xi32, #tpu.memory_space<vmem>>
    %dma_start3A_105 = arith.constant 0 : i32
    %dma_start3A_106 = tpu.memref_slice %arg4[%add3A, %dma_start3A_94, %dma_start3A_105] : memref<32x250x40xi32, #tpu.memory_space<hbm>> -> memref<1x1x40xi32, #tpu.memory_space<hbm>>
    %dma_start3A_107 = tpu.memref_squeeze %dma_start3A_106 : memref<1x1x40xi32, #tpu.memory_space<hbm>> -> memref<40xi32, #tpu.memory_space<hbm>>
    tpu.enqueue_dma source(%dma_start3A_107 : memref<40xi32, #tpu.memory_space<hbm>>) target(%dma_start3A_104 : memref<40xi32, #tpu.memory_space<vmem>>) target_semaphore(%arg28 : memref<!tpu.dma_semaphore, #tpu.memory_space<semaphore_mem>>)
    %dma_start3A_108 = arith.constant 4 : i32
    %dma_start3A_109 = arith.constant 0 : i32
    %dma_start3A_110 = tpu.memref_slice %arg7[%dma_start3A_108, %dma_start3A_109] : memref<250x40xi32, #tpu.memory_space<vmem>> -> memref<1x40xi32, #tpu.memory_space<vmem>>
    %dma_start3A_111 = tpu.memref_squeeze %dma_start3A_110 : memref<1x40xi32, #tpu.memory_space<vmem>> -> memref<40xi32, #tpu.memory_space<vmem>>
    %dma_start3A_112 = arith.constant 0 : i32
    %dma_start3A_113 = arith.constant 0 : i32
    %dma_start3A_114 = tpu.memref_slice %arg2[%dma_start3A_112, %dma_start3A_113] : memref<10240x128xf32, #tpu.memory_space<hbm>> -> memref<10240x128xf32, #tpu.memory_space<hbm>>
    tpu.enqueue_indirect_dma source(%dma_start3A_114 : memref<10240x128xf32, #tpu.memory_space<hbm>>) target(%arg13 : memref<40x128xf32, #tpu.memory_space<vmem>>) offsets(%dma_start3A_111 : memref<40xi32, #tpu.memory_space<vmem>>) semaphore(%arg18 : memref<!tpu.dma_semaphore, #tpu.memory_space<semaphore_mem>>)
    %scan3A_115 = arith.constant 0 : i32
    %scan3A_116 = arith.constant 50 : i32
    %scan3A_117 = arith.addi %scan3A_115, %scan3A_116 : i32
    %scan3A_118 = arith.constant 1 : i32
    scf.for %scan3A_155 = %scan3A_115 to %scan3A_117 step %scan3A_118  : i32 {
      %mul3A_156 = arith.constant 5 : i32
      %mul3A_157 = arith.muli %mul3A_156, %scan3A_155 : i32
      %add3A_158 = arith.constant 0 : i32
      %add3A_159 = arith.addi %mul3A_157, %add3A_158 : i32
      %lt3A = arith.constant 250 : i32
      %lt3A_160 = arith.cmpi slt, %add3A_159, %lt3A : i32
      %convert_element_type3A = arith.extui %lt3A_160 : i1 to i32
      %cond3A = arith.constant 0 : i32
      %cond3A_161 = arith.cmpi ne, %convert_element_type3A, %cond3A : i32
      scf.if %cond3A_161 {
        %dma_wait3A_198 = arith.constant 0 : i32
        %dma_wait3A_199 = arith.constant 0 : i32
        %dma_wait3A_200 = tpu.memref_slice %arg2[%dma_wait3A_198, %dma_wait3A_199] : memref<10240x128xf32, #tpu.memory_space<hbm>> -> memref<40x128xf32, #tpu.memory_space<hbm>>
        %dma_wait3A_201 = arith.constant 0 : i32
        %dma_wait3A_202 = arith.constant 0 : i32
        %dma_wait3A_203 = tpu.memref_slice %arg2[%dma_wait3A_201, %dma_wait3A_202] : memref<10240x128xf32, #tpu.memory_space<hbm>> -> memref<40x128xf32, #tpu.memory_space<hbm>>
        tpu.wait_dma2 semaphore(%arg14 : memref<!tpu.dma_semaphore, #tpu.memory_space<semaphore_mem>>) src(%dma_wait3A_203 : memref<40x128xf32, #tpu.memory_space<hbm>>) dst(%arg9 : memref<40x128xf32, #tpu.memory_space<vmem>>)
        %dma_wait3A_204 = arith.constant 0 : i32
        %dma_wait3A_205 = arith.constant 0 : i32
        %dma_wait3A_206 = arith.constant 0 : i32
        %dma_wait3A_207 = tpu.memref_slice %arg8[%dma_wait3A_205, %dma_wait3A_206] : memref<5x40xi32, #tpu.memory_space<vmem>> -> memref<1x40xi32, #tpu.memory_space<vmem>>
        %dma_wait3A_208 = tpu.memref_squeeze %dma_wait3A_207 : memref<1x40xi32, #tpu.memory_space<vmem>> -> memref<40xi32, #tpu.memory_space<vmem>>
        %dma_wait3A_209 = arith.constant 0 : i32
        %dma_wait3A_210 = tpu.memref_slice %arg4[%add3A, %dma_wait3A_204, %dma_wait3A_209] : memref<32x250x40xi32, #tpu.memory_space<hbm>> -> memref<1x1x40xi32, #tpu.memory_space<hbm>>
        %dma_wait3A_211 = tpu.memref_squeeze %dma_wait3A_210 : memref<1x1x40xi32, #tpu.memory_space<hbm>> -> memref<40xi32, #tpu.memory_space<hbm>>
        %dma_wait3A_212 = arith.constant 0 : i32
        %dma_wait3A_213 = tpu.memref_slice %arg8[%dma_wait3A_205, %dma_wait3A_212] : memref<5x40xi32, #tpu.memory_space<vmem>> -> memref<1x40xi32, #tpu.memory_space<vmem>>
        %dma_wait3A_214 = tpu.memref_squeeze %dma_wait3A_213 : memref<1x40xi32, #tpu.memory_space<vmem>> -> memref<40xi32, #tpu.memory_space<vmem>>
        %dma_wait3A_215 = arith.constant 0 : i32
        %dma_wait3A_216 = tpu.memref_slice %arg4[%add3A, %dma_wait3A_204, %dma_wait3A_215] : memref<32x250x40xi32, #tpu.memory_space<hbm>> -> memref<1x1x40xi32, #tpu.memory_space<hbm>>
        %dma_wait3A_217 = tpu.memref_squeeze %dma_wait3A_216 : memref<1x1x40xi32, #tpu.memory_space<hbm>> -> memref<40xi32, #tpu.memory_space<hbm>>
        tpu.wait_dma2 semaphore(%arg24 : memref<!tpu.dma_semaphore, #tpu.memory_space<semaphore_mem>>) src(%dma_wait3A_217 : memref<40xi32, #tpu.memory_space<hbm>>) dst(%dma_wait3A_214 : memref<40xi32, #tpu.memory_space<vmem>>)
        %dma_start3A_218 = arith.constant 0 : i32
        %dma_start3A_219 = arith.constant 0 : i32
        %dma_start3A_220 = tpu.memref_slice %arg8[%dma_start3A_218, %dma_start3A_219] : memref<5x40xi32, #tpu.memory_space<vmem>> -> memref<1x40xi32, #tpu.memory_space<vmem>>
        %dma_start3A_221 = tpu.memref_squeeze %dma_start3A_220 : memref<1x40xi32, #tpu.memory_space<vmem>> -> memref<40xi32, #tpu.memory_space<vmem>>
        %dma_start3A_222 = arith.constant 0 : i32
        %dma_start3A_223 = arith.constant 0 : i32
        %dma_start3A_224 = tpu.memref_slice %arg6[%dma_start3A_222, %dma_start3A_223] : memref<10240x128xf32, #tpu.memory_space<vmem_shared>> -> memref<10240x128xf32, #tpu.memory_space<vmem_shared>>
        tpu.enqueue_indirect_dma source(%arg9 : memref<40x128xf32, #tpu.memory_space<vmem>>) target(%dma_start3A_224 : memref<10240x128xf32, #tpu.memory_space<vmem_shared>>) offsets(%dma_start3A_221 : memref<40xi32, #tpu.memory_space<vmem>>) semaphore(%arg19 : memref<!tpu.dma_semaphore, #tpu.memory_space<semaphore_mem>>) {add = true}
        %add3A_225 = arith.constant 5 : i32
        %add3A_226 = arith.addi %add3A_159, %add3A_225 : i32
        %lt3A_227 = arith.constant 250 : i32
        %lt3A_228 = arith.cmpi slt, %add3A_226, %lt3A_227 : i32
        %convert_element_type3A_229 = arith.extui %lt3A_228 : i1 to i32
        %cond3A_230 = arith.constant 0 : i32
        %cond3A_231 = arith.cmpi ne, %convert_element_type3A_229, %cond3A_230 : i32
        scf.if %cond3A_231 {
          %dma_wait3A_232 = arith.constant 0 : i32
          %dma_wait3A_233 = arith.constant 0 : i32
          %dma_wait3A_234 = tpu.memref_slice %arg2[%dma_wait3A_232, %dma_wait3A_233] : memref<10240x128xf32, #tpu.memory_space<hbm>> -> memref<40x128xf32, #tpu.memory_space<hbm>>
          %dma_wait3A_235 = arith.constant 0 : i32
          %dma_wait3A_236 = arith.constant 0 : i32
          %dma_wait3A_237 = tpu.memref_slice %arg2[%dma_wait3A_235, %dma_wait3A_236] : memref<10240x128xf32, #tpu.memory_space<hbm>> -> memref<40x128xf32, #tpu.memory_space<hbm>>
          tpu.wait_dma2 semaphore(%arg19 : memref<!tpu.dma_semaphore, #tpu.memory_space<semaphore_mem>>) src(%dma_wait3A_237 : memref<40x128xf32, #tpu.memory_space<hbm>>) dst(%arg9 : memref<40x128xf32, #tpu.memory_space<vmem>>)
          %add3A_238 = arith.constant 5 : i32
          %add3A_239 = arith.addi %add3A_159, %add3A_238 : i32
          %dma_start3A_240 = arith.constant 0 : i32
          %dma_start3A_241 = arith.constant 0 : i32
          %dma_start3A_242 = tpu.memref_slice %arg8[%dma_start3A_240, %dma_start3A_241] : memref<5x40xi32, #tpu.memory_space<vmem>> -> memref<1x40xi32, #tpu.memory_space<vmem>>
          %dma_start3A_243 = tpu.memref_squeeze %dma_start3A_242 : memref<1x40xi32, #tpu.memory_space<vmem>> -> memref<40xi32, #tpu.memory_space<vmem>>
          %dma_start3A_244 = arith.constant 0 : i32
          %dma_start3A_245 = tpu.memref_slice %arg4[%add3A, %add3A_239, %dma_start3A_244] : memref<32x250x40xi32, #tpu.memory_space<hbm>> -> memref<1x1x40xi32, #tpu.memory_space<hbm>>
          %dma_start3A_246 = tpu.memref_squeeze %dma_start3A_245 : memref<1x1x40xi32, #tpu.memory_space<hbm>> -> memref<40xi32, #tpu.memory_space<hbm>>
          %dma_start3A_247 = arith.constant 0 : i32
          %dma_start3A_248 = tpu.memref_slice %arg8[%dma_start3A_240, %dma_start3A_247] : memref<5x40xi32, #tpu.memory_space<vmem>> -> memref<1x40xi32, #tpu.memory_space<vmem>>
          %dma_start3A_249 = tpu.memref_squeeze %dma_start3A_248 : memref<1x40xi32, #tpu.memory_space<vmem>> -> memref<40xi32, #tpu.memory_space<vmem>>
          %dma_start3A_250 = arith.constant 0 : i32
          %dma_start3A_251 = tpu.memref_slice %arg4[%add3A, %add3A_239, %dma_start3A_250] : memref<32x250x40xi32, #tpu.memory_space<hbm>> -> memref<1x1x40xi32, #tpu.memory_space<hbm>>
          %dma_start3A_252 = tpu.memref_squeeze %dma_start3A_251 : memref<1x1x40xi32, #tpu.memory_space<hbm>> -> memref<40xi32, #tpu.memory_space<hbm>>
          tpu.enqueue_dma source(%dma_start3A_252 : memref<40xi32, #tpu.memory_space<hbm>>) target(%dma_start3A_249 : memref<40xi32, #tpu.memory_space<vmem>>) target_semaphore(%arg24 : memref<!tpu.dma_semaphore, #tpu.memory_space<semaphore_mem>>)
          %add3A_253 = arith.constant 5 : i32
          %add3A_254 = arith.addi %add3A_159, %add3A_253 : i32
          %dma_start3A_255 = arith.constant 0 : i32
          %dma_start3A_256 = tpu.memref_slice %arg7[%add3A_254, %dma_start3A_255] : memref<250x40xi32, #tpu.memory_space<vmem>> -> memref<1x40xi32, #tpu.memory_space<vmem>>
          %dma_start3A_257 = tpu.memref_squeeze %dma_start3A_256 : memref<1x40xi32, #tpu.memory_space<vmem>> -> memref<40xi32, #tpu.memory_space<vmem>>
          %dma_start3A_258 = arith.constant 0 : i32
          %dma_start3A_259 = arith.constant 0 : i32
          %dma_start3A_260 = tpu.memref_slice %arg2[%dma_start3A_258, %dma_start3A_259] : memref<10240x128xf32, #tpu.memory_space<hbm>> -> memref<10240x128xf32, #tpu.memory_space<hbm>>
          tpu.enqueue_indirect_dma source(%dma_start3A_260 : memref<10240x128xf32, #tpu.memory_space<hbm>>) target(%arg9 : memref<40x128xf32, #tpu.memory_space<vmem>>) offsets(%dma_start3A_257 : memref<40xi32, #tpu.memory_space<vmem>>) semaphore(%arg14 : memref<!tpu.dma_semaphore, #tpu.memory_space<semaphore_mem>>)
        } else {
        }
      } else {
      }
      %mul3A_162 = arith.constant 5 : i32
      %mul3A_163 = arith.muli %mul3A_162, %scan3A_155 : i32
      %add3A_164 = arith.constant 1 : i32
      %add3A_165 = arith.addi %mul3A_163, %add3A_164 : i32
      %lt3A_166 = arith.constant 250 : i32
      %lt3A_167 = arith.cmpi slt, %add3A_165, %lt3A_166 : i32
      %convert_element_type3A_168 = arith.extui %lt3A_167 : i1 to i32
      %cond3A_169 = arith.constant 0 : i32
      %cond3A_170 = arith.cmpi ne, %convert_element_type3A_168, %cond3A_169 : i32
      scf.if %cond3A_170 {
        %dma_wait3A_198 = arith.constant 0 : i32
        %dma_wait3A_199 = arith.constant 0 : i32
        %dma_wait3A_200 = tpu.memref_slice %arg2[%dma_wait3A_198, %dma_wait3A_199] : memref<10240x128xf32, #tpu.memory_space<hbm>> -> memref<40x128xf32, #tpu.memory_space<hbm>>
        %dma_wait3A_201 = arith.constant 0 : i32
        %dma_wait3A_202 = arith.constant 0 : i32
        %dma_wait3A_203 = tpu.memref_slice %arg2[%dma_wait3A_201, %dma_wait3A_202] : memref<10240x128xf32, #tpu.memory_space<hbm>> -> memref<40x128xf32, #tpu.memory_space<hbm>>
        tpu.wait_dma2 semaphore(%arg15 : memref<!tpu.dma_semaphore, #tpu.memory_space<semaphore_mem>>) src(%dma_wait3A_203 : memref<40x128xf32, #tpu.memory_space<hbm>>) dst(%arg10 : memref<40x128xf32, #tpu.memory_space<vmem>>)
        %dma_wait3A_204 = arith.constant 0 : i32
        %dma_wait3A_205 = arith.constant 1 : i32
        %dma_wait3A_206 = arith.constant 0 : i32
        %dma_wait3A_207 = tpu.memref_slice %arg8[%dma_wait3A_205, %dma_wait3A_206] : memref<5x40xi32, #tpu.memory_space<vmem>> -> memref<1x40xi32, #tpu.memory_space<vmem>>
        %dma_wait3A_208 = tpu.memref_squeeze %dma_wait3A_207 : memref<1x40xi32, #tpu.memory_space<vmem>> -> memref<40xi32, #tpu.memory_space<vmem>>
        %dma_wait3A_209 = arith.constant 0 : i32
        %dma_wait3A_210 = tpu.memref_slice %arg4[%add3A, %dma_wait3A_204, %dma_wait3A_209] : memref<32x250x40xi32, #tpu.memory_space<hbm>> -> memref<1x1x40xi32, #tpu.memory_space<hbm>>
        %dma_wait3A_211 = tpu.memref_squeeze %dma_wait3A_210 : memref<1x1x40xi32, #tpu.memory_space<hbm>> -> memref<40xi32, #tpu.memory_space<hbm>>
        %dma_wait3A_212 = arith.constant 0 : i32
        %dma_wait3A_213 = tpu.memref_slice %arg8[%dma_wait3A_205, %dma_wait3A_212] : memref<5x40xi32, #tpu.memory_space<vmem>> -> memref<1x40xi32, #tpu.memory_space<vmem>>
        %dma_wait3A_214 = tpu.memref_squeeze %dma_wait3A_213 : memref<1x40xi32, #tpu.memory_space<vmem>> -> memref<40xi32, #tpu.memory_space<vmem>>
        %dma_wait3A_215 = arith.constant 0 : i32
        %dma_wait3A_216 = tpu.memref_slice %arg4[%add3A, %dma_wait3A_204, %dma_wait3A_215] : memref<32x250x40xi32, #tpu.memory_space<hbm>> -> memref<1x1x40xi32, #tpu.memory_space<hbm>>
        %dma_wait3A_217 = tpu.memref_squeeze %dma_wait3A_216 : memref<1x1x40xi32, #tpu.memory_space<hbm>> -> memref<40xi32, #tpu.memory_space<hbm>>
        tpu.wait_dma2 semaphore(%arg25 : memref<!tpu.dma_semaphore, #tpu.memory_space<semaphore_mem>>) src(%dma_wait3A_217 : memref<40xi32, #tpu.memory_space<hbm>>) dst(%dma_wait3A_214 : memref<40xi32, #tpu.memory_space<vmem>>)
        %dma_start3A_218 = arith.constant 1 : i32
        %dma_start3A_219 = arith.constant 0 : i32
        %dma_start3A_220 = tpu.memref_slice %arg8[%dma_start3A_218, %dma_start3A_219] : memref<5x40xi32, #tpu.memory_space<vmem>> -> memref<1x40xi32, #tpu.memory_space<vmem>>
        %dma_start3A_221 = tpu.memref_squeeze %dma_start3A_220 : memref<1x40xi32, #tpu.memory_space<vmem>> -> memref<40xi32, #tpu.memory_space<vmem>>
        %dma_start3A_222 = arith.constant 0 : i32
        %dma_start3A_223 = arith.constant 0 : i32
        %dma_start3A_224 = tpu.memref_slice %arg6[%dma_start3A_222, %dma_start3A_223] : memref<10240x128xf32, #tpu.memory_space<vmem_shared>> -> memref<10240x128xf32, #tpu.memory_space<vmem_shared>>
        tpu.enqueue_indirect_dma source(%arg10 : memref<40x128xf32, #tpu.memory_space<vmem>>) target(%dma_start3A_224 : memref<10240x128xf32, #tpu.memory_space<vmem_shared>>) offsets(%dma_start3A_221 : memref<40xi32, #tpu.memory_space<vmem>>) semaphore(%arg20 : memref<!tpu.dma_semaphore, #tpu.memory_space<semaphore_mem>>) {add = true}
        %add3A_225 = arith.constant 5 : i32
        %add3A_226 = arith.addi %add3A_165, %add3A_225 : i32
        %lt3A_227 = arith.constant 250 : i32
        %lt3A_228 = arith.cmpi slt, %add3A_226, %lt3A_227 : i32
        %convert_element_type3A_229 = arith.extui %lt3A_228 : i1 to i32
        %cond3A_230 = arith.constant 0 : i32
        %cond3A_231 = arith.cmpi ne, %convert_element_type3A_229, %cond3A_230 : i32
        scf.if %cond3A_231 {
          %dma_wait3A_232 = arith.constant 0 : i32
          %dma_wait3A_233 = arith.constant 0 : i32
          %dma_wait3A_234 = tpu.memref_slice %arg2[%dma_wait3A_232, %dma_wait3A_233] : memref<10240x128xf32, #tpu.memory_space<hbm>> -> memref<40x128xf32, #tpu.memory_space<hbm>>
          %dma_wait3A_235 = arith.constant 0 : i32
          %dma_wait3A_236 = arith.constant 0 : i32
          %dma_wait3A_237 = tpu.memref_slice %arg2[%dma_wait3A_235, %dma_wait3A_236] : memref<10240x128xf32, #tpu.memory_space<hbm>> -> memref<40x128xf32, #tpu.memory_space<hbm>>
          tpu.wait_dma2 semaphore(%arg20 : memref<!tpu.dma_semaphore, #tpu.memory_space<semaphore_mem>>) src(%dma_wait3A_237 : memref<40x128xf32, #tpu.memory_space<hbm>>) dst(%arg10 : memref<40x128xf32, #tpu.memory_space<vmem>>)
          %add3A_238 = arith.constant 5 : i32
          %add3A_239 = arith.addi %add3A_165, %add3A_238 : i32
          %dma_start3A_240 = arith.constant 1 : i32
          %dma_start3A_241 = arith.constant 0 : i32
          %dma_start3A_242 = tpu.memref_slice %arg8[%dma_start3A_240, %dma_start3A_241] : memref<5x40xi32, #tpu.memory_space<vmem>> -> memref<1x40xi32, #tpu.memory_space<vmem>>
          %dma_start3A_243 = tpu.memref_squeeze %dma_start3A_242 : memref<1x40xi32, #tpu.memory_space<vmem>> -> memref<40xi32, #tpu.memory_space<vmem>>
          %dma_start3A_244 = arith.constant 0 : i32
          %dma_start3A_245 = tpu.memref_slice %arg4[%add3A, %add3A_239, %dma_start3A_244] : memref<32x250x40xi32, #tpu.memory_space<hbm>> -> memref<1x1x40xi32, #tpu.memory_space<hbm>>
          %dma_start3A_246 = tpu.memref_squeeze %dma_start3A_245 : memref<1x1x40xi32, #tpu.memory_space<hbm>> -> memref<40xi32, #tpu.memory_space<hbm>>
          %dma_start3A_247 = arith.constant 0 : i32
          %dma_start3A_248 = tpu.memref_slice %arg8[%dma_start3A_240, %dma_start3A_247] : memref<5x40xi32, #tpu.memory_space<vmem>> -> memref<1x40xi32, #tpu.memory_space<vmem>>
          %dma_start3A_249 = tpu.memref_squeeze %dma_start3A_248 : memref<1x40xi32, #tpu.memory_space<vmem>> -> memref<40xi32, #tpu.memory_space<vmem>>
          %dma_start3A_250 = arith.constant 0 : i32
          %dma_start3A_251 = tpu.memref_slice %arg4[%add3A, %add3A_239, %dma_start3A_250] : memref<32x250x40xi32, #tpu.memory_space<hbm>> -> memref<1x1x40xi32, #tpu.memory_space<hbm>>
          %dma_start3A_252 = tpu.memref_squeeze %dma_start3A_251 : memref<1x1x40xi32, #tpu.memory_space<hbm>> -> memref<40xi32, #tpu.memory_space<hbm>>
          tpu.enqueue_dma source(%dma_start3A_252 : memref<40xi32, #tpu.memory_space<hbm>>) target(%dma_start3A_249 : memref<40xi32, #tpu.memory_space<vmem>>) target_semaphore(%arg25 : memref<!tpu.dma_semaphore, #tpu.memory_space<semaphore_mem>>)
          %add3A_253 = arith.constant 5 : i32
          %add3A_254 = arith.addi %add3A_165, %add3A_253 : i32
          %dma_start3A_255 = arith.constant 0 : i32
          %dma_start3A_256 = tpu.memref_slice %arg7[%add3A_254, %dma_start3A_255] : memref<250x40xi32, #tpu.memory_space<vmem>> -> memref<1x40xi32, #tpu.memory_space<vmem>>
          %dma_start3A_257 = tpu.memref_squeeze %dma_start3A_256 : memref<1x40xi32, #tpu.memory_space<vmem>> -> memref<40xi32, #tpu.memory_space<vmem>>
          %dma_start3A_258 = arith.constant 0 : i32
          %dma_start3A_259 = arith.constant 0 : i32
          %dma_start3A_260 = tpu.memref_slice %arg2[%dma_start3A_258, %dma_start3A_259] : memref<10240x128xf32, #tpu.memory_space<hbm>> -> memref<10240x128xf32, #tpu.memory_space<hbm>>
          tpu.enqueue_indirect_dma source(%dma_start3A_260 : memref<10240x128xf32, #tpu.memory_space<hbm>>) target(%arg10 : memref<40x128xf32, #tpu.memory_space<vmem>>) offsets(%dma_start3A_257 : memref<40xi32, #tpu.memory_space<vmem>>) semaphore(%arg15 : memref<!tpu.dma_semaphore, #tpu.memory_space<semaphore_mem>>)
        } else {
        }
      } else {
      }
      %mul3A_171 = arith.constant 5 : i32
      %mul3A_172 = arith.muli %mul3A_171, %scan3A_155 : i32
      %add3A_173 = arith.constant 2 : i32
      %add3A_174 = arith.addi %mul3A_172, %add3A_173 : i32
      %lt3A_175 = arith.constant 250 : i32
      %lt3A_176 = arith.cmpi slt, %add3A_174, %lt3A_175 : i32
      %convert_element_type3A_177 = arith.extui %lt3A_176 : i1 to i32
      %cond3A_178 = arith.constant 0 : i32
      %cond3A_179 = arith.cmpi ne, %convert_element_type3A_177, %cond3A_178 : i32
      scf.if %cond3A_179 {
        %dma_wait3A_198 = arith.constant 0 : i32
        %dma_wait3A_199 = arith.constant 0 : i32
        %dma_wait3A_200 = tpu.memref_slice %arg2[%dma_wait3A_198, %dma_wait3A_199] : memref<10240x128xf32, #tpu.memory_space<hbm>> -> memref<40x128xf32, #tpu.memory_space<hbm>>
        %dma_wait3A_201 = arith.constant 0 : i32
        %dma_wait3A_202 = arith.constant 0 : i32
        %dma_wait3A_203 = tpu.memref_slice %arg2[%dma_wait3A_201, %dma_wait3A_202] : memref<10240x128xf32, #tpu.memory_space<hbm>> -> memref<40x128xf32, #tpu.memory_space<hbm>>
        tpu.wait_dma2 semaphore(%arg16 : memref<!tpu.dma_semaphore, #tpu.memory_space<semaphore_mem>>) src(%dma_wait3A_203 : memref<40x128xf32, #tpu.memory_space<hbm>>) dst(%arg11 : memref<40x128xf32, #tpu.memory_space<vmem>>)
        %dma_wait3A_204 = arith.constant 0 : i32
        %dma_wait3A_205 = arith.constant 2 : i32
        %dma_wait3A_206 = arith.constant 0 : i32
        %dma_wait3A_207 = tpu.memref_slice %arg8[%dma_wait3A_205, %dma_wait3A_206] : memref<5x40xi32, #tpu.memory_space<vmem>> -> memref<1x40xi32, #tpu.memory_space<vmem>>
        %dma_wait3A_208 = tpu.memref_squeeze %dma_wait3A_207 : memref<1x40xi32, #tpu.memory_space<vmem>> -> memref<40xi32, #tpu.memory_space<vmem>>
        %dma_wait3A_209 = arith.constant 0 : i32
        %dma_wait3A_210 = tpu.memref_slice %arg4[%add3A, %dma_wait3A_204, %dma_wait3A_209] : memref<32x250x40xi32, #tpu.memory_space<hbm>> -> memref<1x1x40xi32, #tpu.memory_space<hbm>>
        %dma_wait3A_211 = tpu.memref_squeeze %dma_wait3A_210 : memref<1x1x40xi32, #tpu.memory_space<hbm>> -> memref<40xi32, #tpu.memory_space<hbm>>
        %dma_wait3A_212 = arith.constant 0 : i32
        %dma_wait3A_213 = tpu.memref_slice %arg8[%dma_wait3A_205, %dma_wait3A_212] : memref<5x40xi32, #tpu.memory_space<vmem>> -> memref<1x40xi32, #tpu.memory_space<vmem>>
        %dma_wait3A_214 = tpu.memref_squeeze %dma_wait3A_213 : memref<1x40xi32, #tpu.memory_space<vmem>> -> memref<40xi32, #tpu.memory_space<vmem>>
        %dma_wait3A_215 = arith.constant 0 : i32
        %dma_wait3A_216 = tpu.memref_slice %arg4[%add3A, %dma_wait3A_204, %dma_wait3A_215] : memref<32x250x40xi32, #tpu.memory_space<hbm>> -> memref<1x1x40xi32, #tpu.memory_space<hbm>>
        %dma_wait3A_217 = tpu.memref_squeeze %dma_wait3A_216 : memref<1x1x40xi32, #tpu.memory_space<hbm>> -> memref<40xi32, #tpu.memory_space<hbm>>
        tpu.wait_dma2 semaphore(%arg26 : memref<!tpu.dma_semaphore, #tpu.memory_space<semaphore_mem>>) src(%dma_wait3A_217 : memref<40xi32, #tpu.memory_space<hbm>>) dst(%dma_wait3A_214 : memref<40xi32, #tpu.memory_space<vmem>>)
        %dma_start3A_218 = arith.constant 2 : i32
        %dma_start3A_219 = arith.constant 0 : i32
        %dma_start3A_220 = tpu.memref_slice %arg8[%dma_start3A_218, %dma_start3A_219] : memref<5x40xi32, #tpu.memory_space<vmem>> -> memref<1x40xi32, #tpu.memory_space<vmem>>
        %dma_start3A_221 = tpu.memref_squeeze %dma_start3A_220 : memref<1x40xi32, #tpu.memory_space<vmem>> -> memref<40xi32, #tpu.memory_space<vmem>>
        %dma_start3A_222 = arith.constant 0 : i32
        %dma_start3A_223 = arith.constant 0 : i32
        %dma_start3A_224 = tpu.memref_slice %arg6[%dma_start3A_222, %dma_start3A_223] : memref<10240x128xf32, #tpu.memory_space<vmem_shared>> -> memref<10240x128xf32, #tpu.memory_space<vmem_shared>>
        tpu.enqueue_indirect_dma source(%arg11 : memref<40x128xf32, #tpu.memory_space<vmem>>) target(%dma_start3A_224 : memref<10240x128xf32, #tpu.memory_space<vmem_shared>>) offsets(%dma_start3A_221 : memref<40xi32, #tpu.memory_space<vmem>>) semaphore(%arg21 : memref<!tpu.dma_semaphore, #tpu.memory_space<semaphore_mem>>) {add = true}
        %add3A_225 = arith.constant 5 : i32
        %add3A_226 = arith.addi %add3A_174, %add3A_225 : i32
        %lt3A_227 = arith.constant 250 : i32
        %lt3A_228 = arith.cmpi slt, %add3A_226, %lt3A_227 : i32
        %convert_element_type3A_229 = arith.extui %lt3A_228 : i1 to i32
        %cond3A_230 = arith.constant 0 : i32
        %cond3A_231 = arith.cmpi ne, %convert_element_type3A_229, %cond3A_230 : i32
        scf.if %cond3A_231 {
          %dma_wait3A_232 = arith.constant 0 : i32
          %dma_wait3A_233 = arith.constant 0 : i32
          %dma_wait3A_234 = tpu.memref_slice %arg2[%dma_wait3A_232, %dma_wait3A_233] : memref<10240x128xf32, #tpu.memory_space<hbm>> -> memref<40x128xf32, #tpu.memory_space<hbm>>
          %dma_wait3A_235 = arith.constant 0 : i32
          %dma_wait3A_236 = arith.constant 0 : i32
          %dma_wait3A_237 = tpu.memref_slice %arg2[%dma_wait3A_235, %dma_wait3A_236] : memref<10240x128xf32, #tpu.memory_space<hbm>> -> memref<40x128xf32, #tpu.memory_space<hbm>>
          tpu.wait_dma2 semaphore(%arg21 : memref<!tpu.dma_semaphore, #tpu.memory_space<semaphore_mem>>) src(%dma_wait3A_237 : memref<40x128xf32, #tpu.memory_space<hbm>>) dst(%arg11 : memref<40x128xf32, #tpu.memory_space<vmem>>)
          %add3A_238 = arith.constant 5 : i32
          %add3A_239 = arith.addi %add3A_174, %add3A_238 : i32
          %dma_start3A_240 = arith.constant 2 : i32
          %dma_start3A_241 = arith.constant 0 : i32
          %dma_start3A_242 = tpu.memref_slice %arg8[%dma_start3A_240, %dma_start3A_241] : memref<5x40xi32, #tpu.memory_space<vmem>> -> memref<1x40xi32, #tpu.memory_space<vmem>>
          %dma_start3A_243 = tpu.memref_squeeze %dma_start3A_242 : memref<1x40xi32, #tpu.memory_space<vmem>> -> memref<40xi32, #tpu.memory_space<vmem>>
          %dma_start3A_244 = arith.constant 0 : i32
          %dma_start3A_245 = tpu.memref_slice %arg4[%add3A, %add3A_239, %dma_start3A_244] : memref<32x250x40xi32, #tpu.memory_space<hbm>> -> memref<1x1x40xi32, #tpu.memory_space<hbm>>
          %dma_start3A_246 = tpu.memref_squeeze %dma_start3A_245 : memref<1x1x40xi32, #tpu.memory_space<hbm>> -> memref<40xi32, #tpu.memory_space<hbm>>
          %dma_start3A_247 = arith.constant 0 : i32
          %dma_start3A_248 = tpu.memref_slice %arg8[%dma_start3A_240, %dma_start3A_247] : memref<5x40xi32, #tpu.memory_space<vmem>> -> memref<1x40xi32, #tpu.memory_space<vmem>>
          %dma_start3A_249 = tpu.memref_squeeze %dma_start3A_248 : memref<1x40xi32, #tpu.memory_space<vmem>> -> memref<40xi32, #tpu.memory_space<vmem>>
          %dma_start3A_250 = arith.constant 0 : i32
          %dma_start3A_251 = tpu.memref_slice %arg4[%add3A, %add3A_239, %dma_start3A_250] : memref<32x250x40xi32, #tpu.memory_space<hbm>> -> memref<1x1x40xi32, #tpu.memory_space<hbm>>
          %dma_start3A_252 = tpu.memref_squeeze %dma_start3A_251 : memref<1x1x40xi32, #tpu.memory_space<hbm>> -> memref<40xi32, #tpu.memory_space<hbm>>
          tpu.enqueue_dma source(%dma_start3A_252 : memref<40xi32, #tpu.memory_space<hbm>>) target(%dma_start3A_249 : memref<40xi32, #tpu.memory_space<vmem>>) target_semaphore(%arg26 : memref<!tpu.dma_semaphore, #tpu.memory_space<semaphore_mem>>)
          %add3A_253 = arith.constant 5 : i32
          %add3A_254 = arith.addi %add3A_174, %add3A_253 : i32
          %dma_start3A_255 = arith.constant 0 : i32
          %dma_start3A_256 = tpu.memref_slice %arg7[%add3A_254, %dma_start3A_255] : memref<250x40xi32, #tpu.memory_space<vmem>> -> memref<1x40xi32, #tpu.memory_space<vmem>>
          %dma_start3A_257 = tpu.memref_squeeze %dma_start3A_256 : memref<1x40xi32, #tpu.memory_space<vmem>> -> memref<40xi32, #tpu.memory_space<vmem>>
          %dma_start3A_258 = arith.constant 0 : i32
          %dma_start3A_259 = arith.constant 0 : i32
          %dma_start3A_260 = tpu.memref_slice %arg2[%dma_start3A_258, %dma_start3A_259] : memref<10240x128xf32, #tpu.memory_space<hbm>> -> memref<10240x128xf32, #tpu.memory_space<hbm>>
          tpu.enqueue_indirect_dma source(%dma_start3A_260 : memref<10240x128xf32, #tpu.memory_space<hbm>>) target(%arg11 : memref<40x128xf32, #tpu.memory_space<vmem>>) offsets(%dma_start3A_257 : memref<40xi32, #tpu.memory_space<vmem>>) semaphore(%arg16 : memref<!tpu.dma_semaphore, #tpu.memory_space<semaphore_mem>>)
        } else {
        }
      } else {
      }
      %mul3A_180 = arith.constant 5 : i32
      %mul3A_181 = arith.muli %mul3A_180, %scan3A_155 : i32
      %add3A_182 = arith.constant 3 : i32
      %add3A_183 = arith.addi %mul3A_181, %add3A_182 : i32
      %lt3A_184 = arith.constant 250 : i32
      %lt3A_185 = arith.cmpi slt, %add3A_183, %lt3A_184 : i32
      %convert_element_type3A_186 = arith.extui %lt3A_185 : i1 to i32
      %cond3A_187 = arith.constant 0 : i32
      %cond3A_188 = arith.cmpi ne, %convert_element_type3A_186, %cond3A_187 : i32
      scf.if %cond3A_188 {
        %dma_wait3A_198 = arith.constant 0 : i32
        %dma_wait3A_199 = arith.constant 0 : i32
        %dma_wait3A_200 = tpu.memref_slice %arg2[%dma_wait3A_198, %dma_wait3A_199] : memref<10240x128xf32, #tpu.memory_space<hbm>> -> memref<40x128xf32, #tpu.memory_space<hbm>>
        %dma_wait3A_201 = arith.constant 0 : i32
        %dma_wait3A_202 = arith.constant 0 : i32
        %dma_wait3A_203 = tpu.memref_slice %arg2[%dma_wait3A_201, %dma_wait3A_202] : memref<10240x128xf32, #tpu.memory_space<hbm>> -> memref<40x128xf32, #tpu.memory_space<hbm>>
        tpu.wait_dma2 semaphore(%arg17 : memref<!tpu.dma_semaphore, #tpu.memory_space<semaphore_mem>>) src(%dma_wait3A_203 : memref<40x128xf32, #tpu.memory_space<hbm>>) dst(%arg12 : memref<40x128xf32, #tpu.memory_space<vmem>>)
        %dma_wait3A_204 = arith.constant 0 : i32
        %dma_wait3A_205 = arith.constant 3 : i32
        %dma_wait3A_206 = arith.constant 0 : i32
        %dma_wait3A_207 = tpu.memref_slice %arg8[%dma_wait3A_205, %dma_wait3A_206] : memref<5x40xi32, #tpu.memory_space<vmem>> -> memref<1x40xi32, #tpu.memory_space<vmem>>
        %dma_wait3A_208 = tpu.memref_squeeze %dma_wait3A_207 : memref<1x40xi32, #tpu.memory_space<vmem>> -> memref<40xi32, #tpu.memory_space<vmem>>
        %dma_wait3A_209 = arith.constant 0 : i32
        %dma_wait3A_210 = tpu.memref_slice %arg4[%add3A, %dma_wait3A_204, %dma_wait3A_209] : memref<32x250x40xi32, #tpu.memory_space<hbm>> -> memref<1x1x40xi32, #tpu.memory_space<hbm>>
        %dma_wait3A_211 = tpu.memref_squeeze %dma_wait3A_210 : memref<1x1x40xi32, #tpu.memory_space<hbm>> -> memref<40xi32, #tpu.memory_space<hbm>>
        %dma_wait3A_212 = arith.constant 0 : i32
        %dma_wait3A_213 = tpu.memref_slice %arg8[%dma_wait3A_205, %dma_wait3A_212] : memref<5x40xi32, #tpu.memory_space<vmem>> -> memref<1x40xi32, #tpu.memory_space<vmem>>
        %dma_wait3A_214 = tpu.memref_squeeze %dma_wait3A_213 : memref<1x40xi32, #tpu.memory_space<vmem>> -> memref<40xi32, #tpu.memory_space<vmem>>
        %dma_wait3A_215 = arith.constant 0 : i32
        %dma_wait3A_216 = tpu.memref_slice %arg4[%add3A, %dma_wait3A_204, %dma_wait3A_215] : memref<32x250x40xi32, #tpu.memory_space<hbm>> -> memref<1x1x40xi32, #tpu.memory_space<hbm>>
        %dma_wait3A_217 = tpu.memref_squeeze %dma_wait3A_216 : memref<1x1x40xi32, #tpu.memory_space<hbm>> -> memref<40xi32, #tpu.memory_space<hbm>>
        tpu.wait_dma2 semaphore(%arg27 : memref<!tpu.dma_semaphore, #tpu.memory_space<semaphore_mem>>) src(%dma_wait3A_217 : memref<40xi32, #tpu.memory_space<hbm>>) dst(%dma_wait3A_214 : memref<40xi32, #tpu.memory_space<vmem>>)
        %dma_start3A_218 = arith.constant 3 : i32
        %dma_start3A_219 = arith.constant 0 : i32
        %dma_start3A_220 = tpu.memref_slice %arg8[%dma_start3A_218, %dma_start3A_219] : memref<5x40xi32, #tpu.memory_space<vmem>> -> memref<1x40xi32, #tpu.memory_space<vmem>>
        %dma_start3A_221 = tpu.memref_squeeze %dma_start3A_220 : memref<1x40xi32, #tpu.memory_space<vmem>> -> memref<40xi32, #tpu.memory_space<vmem>>
        %dma_start3A_222 = arith.constant 0 : i32
        %dma_start3A_223 = arith.constant 0 : i32
        %dma_start3A_224 = tpu.memref_slice %arg6[%dma_start3A_222, %dma_start3A_223] : memref<10240x128xf32, #tpu.memory_space<vmem_shared>> -> memref<10240x128xf32, #tpu.memory_space<vmem_shared>>
        tpu.enqueue_indirect_dma source(%arg12 : memref<40x128xf32, #tpu.memory_space<vmem>>) target(%dma_start3A_224 : memref<10240x128xf32, #tpu.memory_space<vmem_shared>>) offsets(%dma_start3A_221 : memref<40xi32, #tpu.memory_space<vmem>>) semaphore(%arg22 : memref<!tpu.dma_semaphore, #tpu.memory_space<semaphore_mem>>) {add = true}
        %add3A_225 = arith.constant 5 : i32
        %add3A_226 = arith.addi %add3A_183, %add3A_225 : i32
        %lt3A_227 = arith.constant 250 : i32
        %lt3A_228 = arith.cmpi slt, %add3A_226, %lt3A_227 : i32
        %convert_element_type3A_229 = arith.extui %lt3A_228 : i1 to i32
        %cond3A_230 = arith.constant 0 : i32
        %cond3A_231 = arith.cmpi ne, %convert_element_type3A_229, %cond3A_230 : i32
        scf.if %cond3A_231 {
          %dma_wait3A_232 = arith.constant 0 : i32
          %dma_wait3A_233 = arith.constant 0 : i32
          %dma_wait3A_234 = tpu.memref_slice %arg2[%dma_wait3A_232, %dma_wait3A_233] : memref<10240x128xf32, #tpu.memory_space<hbm>> -> memref<40x128xf32, #tpu.memory_space<hbm>>
          %dma_wait3A_235 = arith.constant 0 : i32
          %dma_wait3A_236 = arith.constant 0 : i32
          %dma_wait3A_237 = tpu.memref_slice %arg2[%dma_wait3A_235, %dma_wait3A_236] : memref<10240x128xf32, #tpu.memory_space<hbm>> -> memref<40x128xf32, #tpu.memory_space<hbm>>
          tpu.wait_dma2 semaphore(%arg22 : memref<!tpu.dma_semaphore, #tpu.memory_space<semaphore_mem>>) src(%dma_wait3A_237 : memref<40x128xf32, #tpu.memory_space<hbm>>) dst(%arg12 : memref<40x128xf32, #tpu.memory_space<vmem>>)
          %add3A_238 = arith.constant 5 : i32
          %add3A_239 = arith.addi %add3A_183, %add3A_238 : i32
          %dma_start3A_240 = arith.constant 3 : i32
          %dma_start3A_241 = arith.constant 0 : i32
          %dma_start3A_242 = tpu.memref_slice %arg8[%dma_start3A_240, %dma_start3A_241] : memref<5x40xi32, #tpu.memory_space<vmem>> -> memref<1x40xi32, #tpu.memory_space<vmem>>
          %dma_start3A_243 = tpu.memref_squeeze %dma_start3A_242 : memref<1x40xi32, #tpu.memory_space<vmem>> -> memref<40xi32, #tpu.memory_space<vmem>>
          %dma_start3A_244 = arith.constant 0 : i32
          %dma_start3A_245 = tpu.memref_slice %arg4[%add3A, %add3A_239, %dma_start3A_244] : memref<32x250x40xi32, #tpu.memory_space<hbm>> -> memref<1x1x40xi32, #tpu.memory_space<hbm>>
          %dma_start3A_246 = tpu.memref_squeeze %dma_start3A_245 : memref<1x1x40xi32, #tpu.memory_space<hbm>> -> memref<40xi32, #tpu.memory_space<hbm>>
          %dma_start3A_247 = arith.constant 0 : i32
          %dma_start3A_248 = tpu.memref_slice %arg8[%dma_start3A_240, %dma_start3A_247] : memref<5x40xi32, #tpu.memory_space<vmem>> -> memref<1x40xi32, #tpu.memory_space<vmem>>
          %dma_start3A_249 = tpu.memref_squeeze %dma_start3A_248 : memref<1x40xi32, #tpu.memory_space<vmem>> -> memref<40xi32, #tpu.memory_space<vmem>>
          %dma_start3A_250 = arith.constant 0 : i32
          %dma_start3A_251 = tpu.memref_slice %arg4[%add3A, %add3A_239, %dma_start3A_250] : memref<32x250x40xi32, #tpu.memory_space<hbm>> -> memref<1x1x40xi32, #tpu.memory_space<hbm>>
          %dma_start3A_252 = tpu.memref_squeeze %dma_start3A_251 : memref<1x1x40xi32, #tpu.memory_space<hbm>> -> memref<40xi32, #tpu.memory_space<hbm>>
          tpu.enqueue_dma source(%dma_start3A_252 : memref<40xi32, #tpu.memory_space<hbm>>) target(%dma_start3A_249 : memref<40xi32, #tpu.memory_space<vmem>>) target_semaphore(%arg27 : memref<!tpu.dma_semaphore, #tpu.memory_space<semaphore_mem>>)
          %add3A_253 = arith.constant 5 : i32
          %add3A_254 = arith.addi %add3A_183, %add3A_253 : i32
          %dma_start3A_255 = arith.constant 0 : i32
          %dma_start3A_256 = tpu.memref_slice %arg7[%add3A_254, %dma_start3A_255] : memref<250x40xi32, #tpu.memory_space<vmem>> -> memref<1x40xi32, #tpu.memory_space<vmem>>
          %dma_start3A_257 = tpu.memref_squeeze %dma_start3A_256 : memref<1x40xi32, #tpu.memory_space<vmem>> -> memref<40xi32, #tpu.memory_space<vmem>>
          %dma_start3A_258 = arith.constant 0 : i32
          %dma_start3A_259 = arith.constant 0 : i32
          %dma_start3A_260 = tpu.memref_slice %arg2[%dma_start3A_258, %dma_start3A_259] : memref<10240x128xf32, #tpu.memory_space<hbm>> -> memref<10240x128xf32, #tpu.memory_space<hbm>>
          tpu.enqueue_indirect_dma source(%dma_start3A_260 : memref<10240x128xf32, #tpu.memory_space<hbm>>) target(%arg12 : memref<40x128xf32, #tpu.memory_space<vmem>>) offsets(%dma_start3A_257 : memref<40xi32, #tpu.memory_space<vmem>>) semaphore(%arg17 : memref<!tpu.dma_semaphore, #tpu.memory_space<semaphore_mem>>)
        } else {
        }
      } else {
      }
      %mul3A_189 = arith.constant 5 : i32
      %mul3A_190 = arith.muli %mul3A_189, %scan3A_155 : i32
      %add3A_191 = arith.constant 4 : i32
      %add3A_192 = arith.addi %mul3A_190, %add3A_191 : i32
      %lt3A_193 = arith.constant 250 : i32
      %lt3A_194 = arith.cmpi slt, %add3A_192, %lt3A_193 : i32
      %convert_element_type3A_195 = arith.extui %lt3A_194 : i1 to i32
      %cond3A_196 = arith.constant 0 : i32
      %cond3A_197 = arith.cmpi ne, %convert_element_type3A_195, %cond3A_196 : i32
      scf.if %cond3A_197 {
        %dma_wait3A_198 = arith.constant 0 : i32
        %dma_wait3A_199 = arith.constant 0 : i32
        %dma_wait3A_200 = tpu.memref_slice %arg2[%dma_wait3A_198, %dma_wait3A_199] : memref<10240x128xf32, #tpu.memory_space<hbm>> -> memref<40x128xf32, #tpu.memory_space<hbm>>
        %dma_wait3A_201 = arith.constant 0 : i32
        %dma_wait3A_202 = arith.constant 0 : i32
        %dma_wait3A_203 = tpu.memref_slice %arg2[%dma_wait3A_201, %dma_wait3A_202] : memref<10240x128xf32, #tpu.memory_space<hbm>> -> memref<40x128xf32, #tpu.memory_space<hbm>>
        tpu.wait_dma2 semaphore(%arg18 : memref<!tpu.dma_semaphore, #tpu.memory_space<semaphore_mem>>) src(%dma_wait3A_203 : memref<40x128xf32, #tpu.memory_space<hbm>>) dst(%arg13 : memref<40x128xf32, #tpu.memory_space<vmem>>)
        %dma_wait3A_204 = arith.constant 0 : i32
        %dma_wait3A_205 = arith.constant 4 : i32
        %dma_wait3A_206 = arith.constant 0 : i32
        %dma_wait3A_207 = tpu.memref_slice %arg8[%dma_wait3A_205, %dma_wait3A_206] : memref<5x40xi32, #tpu.memory_space<vmem>> -> memref<1x40xi32, #tpu.memory_space<vmem>>
        %dma_wait3A_208 = tpu.memref_squeeze %dma_wait3A_207 : memref<1x40xi32, #tpu.memory_space<vmem>> -> memref<40xi32, #tpu.memory_space<vmem>>
        %dma_wait3A_209 = arith.constant 0 : i32
        %dma_wait3A_210 = tpu.memref_slice %arg4[%add3A, %dma_wait3A_204, %dma_wait3A_209] : memref<32x250x40xi32, #tpu.memory_space<hbm>> -> memref<1x1x40xi32, #tpu.memory_space<hbm>>
        %dma_wait3A_211 = tpu.memref_squeeze %dma_wait3A_210 : memref<1x1x40xi32, #tpu.memory_space<hbm>> -> memref<40xi32, #tpu.memory_space<hbm>>
        %dma_wait3A_212 = arith.constant 0 : i32
        %dma_wait3A_213 = tpu.memref_slice %arg8[%dma_wait3A_205, %dma_wait3A_212] : memref<5x40xi32, #tpu.memory_space<vmem>> -> memref<1x40xi32, #tpu.memory_space<vmem>>
        %dma_wait3A_214 = tpu.memref_squeeze %dma_wait3A_213 : memref<1x40xi32, #tpu.memory_space<vmem>> -> memref<40xi32, #tpu.memory_space<vmem>>
        %dma_wait3A_215 = arith.constant 0 : i32
        %dma_wait3A_216 = tpu.memref_slice %arg4[%add3A, %dma_wait3A_204, %dma_wait3A_215] : memref<32x250x40xi32, #tpu.memory_space<hbm>> -> memref<1x1x40xi32, #tpu.memory_space<hbm>>
        %dma_wait3A_217 = tpu.memref_squeeze %dma_wait3A_216 : memref<1x1x40xi32, #tpu.memory_space<hbm>> -> memref<40xi32, #tpu.memory_space<hbm>>
        tpu.wait_dma2 semaphore(%arg28 : memref<!tpu.dma_semaphore, #tpu.memory_space<semaphore_mem>>) src(%dma_wait3A_217 : memref<40xi32, #tpu.memory_space<hbm>>) dst(%dma_wait3A_214 : memref<40xi32, #tpu.memory_space<vmem>>)
        %dma_start3A_218 = arith.constant 4 : i32
        %dma_start3A_219 = arith.constant 0 : i32
        %dma_start3A_220 = tpu.memref_slice %arg8[%dma_start3A_218, %dma_start3A_219] : memref<5x40xi32, #tpu.memory_space<vmem>> -> memref<1x40xi32, #tpu.memory_space<vmem>>
        %dma_start3A_221 = tpu.memref_squeeze %dma_start3A_220 : memref<1x40xi32, #tpu.memory_space<vmem>> -> memref<40xi32, #tpu.memory_space<vmem>>
        %dma_start3A_222 = arith.constant 0 : i32
        %dma_start3A_223 = arith.constant 0 : i32
        %dma_start3A_224 = tpu.memref_slice %arg6[%dma_start3A_222, %dma_start3A_223] : memref<10240x128xf32, #tpu.memory_space<vmem_shared>> -> memref<10240x128xf32, #tpu.memory_space<vmem_shared>>
        tpu.enqueue_indirect_dma source(%arg13 : memref<40x128xf32, #tpu.memory_space<vmem>>) target(%dma_start3A_224 : memref<10240x128xf32, #tpu.memory_space<vmem_shared>>) offsets(%dma_start3A_221 : memref<40xi32, #tpu.memory_space<vmem>>) semaphore(%arg23 : memref<!tpu.dma_semaphore, #tpu.memory_space<semaphore_mem>>) {add = true}
        %add3A_225 = arith.constant 5 : i32
        %add3A_226 = arith.addi %add3A_192, %add3A_225 : i32
        %lt3A_227 = arith.constant 250 : i32
        %lt3A_228 = arith.cmpi slt, %add3A_226, %lt3A_227 : i32
        %convert_element_type3A_229 = arith.extui %lt3A_228 : i1 to i32
        %cond3A_230 = arith.constant 0 : i32
        %cond3A_231 = arith.cmpi ne, %convert_element_type3A_229, %cond3A_230 : i32
        scf.if %cond3A_231 {
          %dma_wait3A_232 = arith.constant 0 : i32
          %dma_wait3A_233 = arith.constant 0 : i32
          %dma_wait3A_234 = tpu.memref_slice %arg2[%dma_wait3A_232, %dma_wait3A_233] : memref<10240x128xf32, #tpu.memory_space<hbm>> -> memref<40x128xf32, #tpu.memory_space<hbm>>
          %dma_wait3A_235 = arith.constant 0 : i32
          %dma_wait3A_236 = arith.constant 0 : i32
          %dma_wait3A_237 = tpu.memref_slice %arg2[%dma_wait3A_235, %dma_wait3A_236] : memref<10240x128xf32, #tpu.memory_space<hbm>> -> memref<40x128xf32, #tpu.memory_space<hbm>>
          tpu.wait_dma2 semaphore(%arg23 : memref<!tpu.dma_semaphore, #tpu.memory_space<semaphore_mem>>) src(%dma_wait3A_237 : memref<40x128xf32, #tpu.memory_space<hbm>>) dst(%arg13 : memref<40x128xf32, #tpu.memory_space<vmem>>)
          %add3A_238 = arith.constant 5 : i32
          %add3A_239 = arith.addi %add3A_192, %add3A_238 : i32
          %dma_start3A_240 = arith.constant 4 : i32
          %dma_start3A_241 = arith.constant 0 : i32
          %dma_start3A_242 = tpu.memref_slice %arg8[%dma_start3A_240, %dma_start3A_241] : memref<5x40xi32, #tpu.memory_space<vmem>> -> memref<1x40xi32, #tpu.memory_space<vmem>>
          %dma_start3A_243 = tpu.memref_squeeze %dma_start3A_242 : memref<1x40xi32, #tpu.memory_space<vmem>> -> memref<40xi32, #tpu.memory_space<vmem>>
          %dma_start3A_244 = arith.constant 0 : i32
          %dma_start3A_245 = tpu.memref_slice %arg4[%add3A, %add3A_239, %dma_start3A_244] : memref<32x250x40xi32, #tpu.memory_space<hbm>> -> memref<1x1x40xi32, #tpu.memory_space<hbm>>
          %dma_start3A_246 = tpu.memref_squeeze %dma_start3A_245 : memref<1x1x40xi32, #tpu.memory_space<hbm>> -> memref<40xi32, #tpu.memory_space<hbm>>
          %dma_start3A_247 = arith.constant 0 : i32
          %dma_start3A_248 = tpu.memref_slice %arg8[%dma_start3A_240, %dma_start3A_247] : memref<5x40xi32, #tpu.memory_space<vmem>> -> memref<1x40xi32, #tpu.memory_space<vmem>>
          %dma_start3A_249 = tpu.memref_squeeze %dma_start3A_248 : memref<1x40xi32, #tpu.memory_space<vmem>> -> memref<40xi32, #tpu.memory_space<vmem>>
          %dma_start3A_250 = arith.constant 0 : i32
          %dma_start3A_251 = tpu.memref_slice %arg4[%add3A, %add3A_239, %dma_start3A_250] : memref<32x250x40xi32, #tpu.memory_space<hbm>> -> memref<1x1x40xi32, #tpu.memory_space<hbm>>
          %dma_start3A_252 = tpu.memref_squeeze %dma_start3A_251 : memref<1x1x40xi32, #tpu.memory_space<hbm>> -> memref<40xi32, #tpu.memory_space<hbm>>
          tpu.enqueue_dma source(%dma_start3A_252 : memref<40xi32, #tpu.memory_space<hbm>>) target(%dma_start3A_249 : memref<40xi32, #tpu.memory_space<vmem>>) target_semaphore(%arg28 : memref<!tpu.dma_semaphore, #tpu.memory_space<semaphore_mem>>)
          %add3A_253 = arith.constant 5 : i32
          %add3A_254 = arith.addi %add3A_192, %add3A_253 : i32
          %dma_start3A_255 = arith.constant 0 : i32
          %dma_start3A_256 = tpu.memref_slice %arg7[%add3A_254, %dma_start3A_255] : memref<250x40xi32, #tpu.memory_space<vmem>> -> memref<1x40xi32, #tpu.memory_space<vmem>>
          %dma_start3A_257 = tpu.memref_squeeze %dma_start3A_256 : memref<1x40xi32, #tpu.memory_space<vmem>> -> memref<40xi32, #tpu.memory_space<vmem>>
          %dma_start3A_258 = arith.constant 0 : i32
          %dma_start3A_259 = arith.constant 0 : i32
          %dma_start3A_260 = tpu.memref_slice %arg2[%dma_start3A_258, %dma_start3A_259] : memref<10240x128xf32, #tpu.memory_space<hbm>> -> memref<10240x128xf32, #tpu.memory_space<hbm>>
          tpu.enqueue_indirect_dma source(%dma_start3A_260 : memref<10240x128xf32, #tpu.memory_space<hbm>>) target(%arg13 : memref<40x128xf32, #tpu.memory_space<vmem>>) offsets(%dma_start3A_257 : memref<40xi32, #tpu.memory_space<vmem>>) semaphore(%arg18 : memref<!tpu.dma_semaphore, #tpu.memory_space<semaphore_mem>>)
        } else {
        }
      } else {
      }
    }
    %scan3A_119 = arith.constant 50 : i32
    %dma_wait3A = arith.constant 0 : i32
    %dma_wait3A_120 = arith.constant 0 : i32
    %dma_wait3A_121 = tpu.memref_slice %arg2[%dma_wait3A, %dma_wait3A_120] : memref<10240x128xf32, #tpu.memory_space<hbm>> -> memref<40x128xf32, #tpu.memory_space<hbm>>
    %dma_wait3A_122 = arith.constant 0 : i32
    %dma_wait3A_123 = arith.constant 0 : i32
    %dma_wait3A_124 = tpu.memref_slice %arg2[%dma_wait3A_122, %dma_wait3A_123] : memref<10240x128xf32, #tpu.memory_space<hbm>> -> memref<40x128xf32, #tpu.memory_space<hbm>>
    tpu.wait_dma2 semaphore(%arg19 : memref<!tpu.dma_semaphore, #tpu.memory_space<semaphore_mem>>) src(%dma_wait3A_124 : memref<40x128xf32, #tpu.memory_space<hbm>>) dst(%arg9 : memref<40x128xf32, #tpu.memory_space<vmem>>)
    %dma_wait3A_125 = arith.constant 0 : i32
    %dma_wait3A_126 = arith.constant 0 : i32
    %dma_wait3A_127 = tpu.memref_slice %arg2[%dma_wait3A_125, %dma_wait3A_126] : memref<10240x128xf32, #tpu.memory_space<hbm>> -> memref<40x128xf32, #tpu.memory_space<hbm>>
    %dma_wait3A_128 = arith.constant 0 : i32
    %dma_wait3A_129 = arith.constant 0 : i32
    %dma_wait3A_130 = tpu.memref_slice %arg2[%dma_wait3A_128, %dma_wait3A_129] : memref<10240x128xf32, #tpu.memory_space<hbm>> -> memref<40x128xf32, #tpu.memory_space<hbm>>
    tpu.wait_dma2 semaphore(%arg20 : memref<!tpu.dma_semaphore, #tpu.memory_space<semaphore_mem>>) src(%dma_wait3A_130 : memref<40x128xf32, #tpu.memory_space<hbm>>) dst(%arg10 : memref<40x128xf32, #tpu.memory_space<vmem>>)
    %dma_wait3A_131 = arith.constant 0 : i32
    %dma_wait3A_132 = arith.constant 0 : i32
    %dma_wait3A_133 = tpu.memref_slice %arg2[%dma_wait3A_131, %dma_wait3A_132] : memref<10240x128xf32, #tpu.memory_space<hbm>> -> memref<40x128xf32, #tpu.memory_space<hbm>>
    %dma_wait3A_134 = arith.constant 0 : i32
    %dma_wait3A_135 = arith.constant 0 : i32
    %dma_wait3A_136 = tpu.memref_slice %arg2[%dma_wait3A_134, %dma_wait3A_135] : memref<10240x128xf32, #tpu.memory_space<hbm>> -> memref<40x128xf32, #tpu.memory_space<hbm>>
    tpu.wait_dma2 semaphore(%arg21 : memref<!tpu.dma_semaphore, #tpu.memory_space<semaphore_mem>>) src(%dma_wait3A_136 : memref<40x128xf32, #tpu.memory_space<hbm>>) dst(%arg11 : memref<40x128xf32, #tpu.memory_space<vmem>>)
    %dma_wait3A_137 = arith.constant 0 : i32
    %dma_wait3A_138 = arith.constant 0 : i32
    %dma_wait3A_139 = tpu.memref_slice %arg2[%dma_wait3A_137, %dma_wait3A_138] : memref<10240x128xf32, #tpu.memory_space<hbm>> -> memref<40x128xf32, #tpu.memory_space<hbm>>
    %dma_wait3A_140 = arith.constant 0 : i32
    %dma_wait3A_141 = arith.constant 0 : i32
    %dma_wait3A_142 = tpu.memref_slice %arg2[%dma_wait3A_140, %dma_wait3A_141] : memref<10240x128xf32, #tpu.memory_space<hbm>> -> memref<40x128xf32, #tpu.memory_space<hbm>>
    tpu.wait_dma2 semaphore(%arg22 : memref<!tpu.dma_semaphore, #tpu.memory_space<semaphore_mem>>) src(%dma_wait3A_142 : memref<40x128xf32, #tpu.memory_space<hbm>>) dst(%arg12 : memref<40x128xf32, #tpu.memory_space<vmem>>)
    %dma_wait3A_143 = arith.constant 0 : i32
    %dma_wait3A_144 = arith.constant 0 : i32
    %dma_wait3A_145 = tpu.memref_slice %arg2[%dma_wait3A_143, %dma_wait3A_144] : memref<10240x128xf32, #tpu.memory_space<hbm>> -> memref<40x128xf32, #tpu.memory_space<hbm>>
    %dma_wait3A_146 = arith.constant 0 : i32
    %dma_wait3A_147 = arith.constant 0 : i32
    %dma_wait3A_148 = tpu.memref_slice %arg2[%dma_wait3A_146, %dma_wait3A_147] : memref<10240x128xf32, #tpu.memory_space<hbm>> -> memref<40x128xf32, #tpu.memory_space<hbm>>
    tpu.wait_dma2 semaphore(%arg23 : memref<!tpu.dma_semaphore, #tpu.memory_space<semaphore_mem>>) src(%dma_wait3A_148 : memref<40x128xf32, #tpu.memory_space<hbm>>) dst(%arg13 : memref<40x128xf32, #tpu.memory_space<vmem>>)
    %barrier3A_149 = arith.constant 0 : index
    tpu.barrier barrier_id(%barrier3A_149)
    %scan3A_150 = arith.constant 0 : i32
    %scan3A_151 = arith.constant 16 : i32
    %scan3A_152 = arith.addi %scan3A_150, %scan3A_151 : i32
    %scan3A_153 = arith.constant 1 : i32
    scf.for %scan3A_155 = %scan3A_150 to %scan3A_152 step %scan3A_153  : i32 {
      %mul3A_156 = arith.constant 640 : i32
      %mul3A_157 = arith.muli %arg1, %mul3A_156 : i32
      %mul3A_158 = arith.constant 40 : i32
      %mul3A_159 = arith.muli %scan3A_155, %mul3A_158 : i32
      %add3A_160 = arith.addi %mul3A_157, %mul3A_159 : i32
      "tpu.region"() ({
        %run_scoped3A = tpu.sem_alloc : memref<!tpu.dma_semaphore, #tpu.memory_space<semaphore_mem>>
        %dma_start3A_161 = arith.constant 0 : i32
        %dma_start3A_162 = tpu.memref_slice %arg6[%add3A_160, %dma_start3A_161] : memref<10240x128xf32, #tpu.memory_space<vmem_shared>> -> memref<40x128xf32, #tpu.memory_space<vmem_shared>>
        %dma_start3A_163 = arith.constant 0 : i32
        %dma_start3A_164 = tpu.memref_slice %arg6[%add3A_160, %dma_start3A_163] : memref<10240x128xf32, #tpu.memory_space<vmem_shared>> -> memref<40x128xf32, #tpu.memory_space<vmem_shared>>
        tpu.enqueue_dma source(%dma_start3A_164 : memref<40x128xf32, #tpu.memory_space<vmem_shared>>) target(%arg9 : memref<40x128xf32, #tpu.memory_space<vmem>>) target_semaphore(%run_scoped3A : memref<!tpu.dma_semaphore, #tpu.memory_space<semaphore_mem>>)
        %dma_wait3A_165 = arith.constant 0 : i32
        %dma_wait3A_166 = tpu.memref_slice %arg6[%add3A_160, %dma_wait3A_165] : memref<10240x128xf32, #tpu.memory_space<vmem_shared>> -> memref<40x128xf32, #tpu.memory_space<vmem_shared>>
        %dma_wait3A_167 = arith.constant 0 : i32
        %dma_wait3A_168 = tpu.memref_slice %arg6[%add3A_160, %dma_wait3A_167] : memref<10240x128xf32, #tpu.memory_space<vmem_shared>> -> memref<40x128xf32, #tpu.memory_space<vmem_shared>>
        tpu.wait_dma2 semaphore(%run_scoped3A : memref<!tpu.dma_semaphore, #tpu.memory_space<semaphore_mem>>) src(%dma_wait3A_168 : memref<40x128xf32, #tpu.memory_space<vmem_shared>>) dst(%arg9 : memref<40x128xf32, #tpu.memory_space<vmem>>)
        tpu.yield
      }) : () -> ()
      "tpu.region"() ({
        %run_scoped3A = tpu.sem_alloc : memref<!tpu.dma_semaphore, #tpu.memory_space<semaphore_mem>>
        %dma_start3A_161 = arith.constant 0 : i32
        %dma_start3A_162 = tpu.memref_slice %arg5[%arg0, %add3A_160, %dma_start3A_161] : memref<2x10240x128xf32, #tpu.memory_space<hbm>> -> memref<1x40x128xf32, #tpu.memory_space<hbm>>
        %dma_start3A_163 = tpu.memref_squeeze %dma_start3A_162 : memref<1x40x128xf32, #tpu.memory_space<hbm>> -> memref<40x128xf32, #tpu.memory_space<hbm>>
        %dma_start3A_164 = arith.constant 0 : i32
        %dma_start3A_165 = tpu.memref_slice %arg5[%arg0, %add3A_160, %dma_start3A_164] : memref<2x10240x128xf32, #tpu.memory_space<hbm>> -> memref<1x40x128xf32, #tpu.memory_space<hbm>>
        %dma_start3A_166 = tpu.memref_squeeze %dma_start3A_165 : memref<1x40x128xf32, #tpu.memory_space<hbm>> -> memref<40x128xf32, #tpu.memory_space<hbm>>
        tpu.enqueue_dma source(%arg9 : memref<40x128xf32, #tpu.memory_space<vmem>>) target(%dma_start3A_166 : memref<40x128xf32, #tpu.memory_space<hbm>>) target_semaphore(%run_scoped3A : memref<!tpu.dma_semaphore, #tpu.memory_space<semaphore_mem>>)
        %dma_wait3A_167 = arith.constant 0 : i32
        %dma_wait3A_168 = tpu.memref_slice %arg5[%arg0, %add3A_160, %dma_wait3A_167] : memref<2x10240x128xf32, #tpu.memory_space<hbm>> -> memref<1x40x128xf32, #tpu.memory_space<hbm>>
        %dma_wait3A_169 = tpu.memref_squeeze %dma_wait3A_168 : memref<1x40x128xf32, #tpu.memory_space<hbm>> -> memref<40x128xf32, #tpu.memory_space<hbm>>
        %dma_wait3A_170 = arith.constant 0 : i32
        %dma_wait3A_171 = tpu.memref_slice %arg5[%arg0, %add3A_160, %dma_wait3A_170] : memref<2x10240x128xf32, #tpu.memory_space<hbm>> -> memref<1x40x128xf32, #tpu.memory_space<hbm>>
        %dma_wait3A_172 = tpu.memref_squeeze %dma_wait3A_171 : memref<1x40x128xf32, #tpu.memory_space<hbm>> -> memref<40x128xf32, #tpu.memory_space<hbm>>
        tpu.wait_dma2 semaphore(%run_scoped3A : memref<!tpu.dma_semaphore, #tpu.memory_space<semaphore_mem>>) src(%arg9 : memref<40x128xf32, #tpu.memory_space<vmem>>) dst(%dma_wait3A_172 : memref<40x128xf32, #tpu.memory_space<hbm>>)
        tpu.yield
      }) : () -> ()
    }
    %scan3A_154 = arith.constant 16 : i32
    return
  }
}

module attributes {stable_mosaic.version = 14 : i64} {
  func.func @_tc_layer1_body(%arg0: memref<2x10240x128xf32, #tpu.memory_space<vmem>>, %arg1: memref<10240x2xf32, #tpu.memory_space<vmem>>, %arg2: memref<128x128xf32, #tpu.memory_space<vmem>>, %arg3: memref<128x128xf32, #tpu.memory_space<vmem>>, %arg4: memref<128x128xf32, #tpu.memory_space<vmem>>, %arg5: memref<1x128xf32, #tpu.memory_space<vmem>>, %arg6: memref<1x128xf32, #tpu.memory_space<vmem>>, %arg7: memref<1x128xf32, #tpu.memory_space<vmem>>, %arg8: memref<1x3xf32, #tpu.memory_space<vmem>>, %arg9: memref<1x128xf32, #tpu.memory_space<vmem>>, %arg10: memref<1x128xf32, #tpu.memory_space<vmem>>, %arg11: memref<10240x128xf32, #tpu.memory_space<vmem>>) attributes {dimension_semantics = [], scalar_prefetch = 0 : i64, scratch_operands = 0 : i64, tpu.core_type = #tpu.core_type<tc>} {
    %get3A = arith.constant 0 : index
    %get3A_0 = arith.constant 0 : index
    %get3A_1 = vector.load %arg8[%get3A, %get3A_0] : memref<1x3xf32, #tpu.memory_space<vmem>>, vector<1x3xf32>
    %reduce_sum3A = vector.shape_cast %get3A_1 : vector<1x3xf32> to vector<1x1x3xf32>
    %reduce_sum3A_2 = arith.constant dense<0.000000e+00> : vector<1xf32>
    %reduce_sum3A_3 = vector.multi_reduction <add>, %reduce_sum3A, %reduce_sum3A_2 [1, 2] : vector<1x1x3xf32> to vector<1xf32>
    %reduce_sum3A_4 = vector.shape_cast %reduce_sum3A_3 : vector<1xf32> to vector<1x1x1xf32>
    %reduce_sum3A_5 = vector.extract %reduce_sum3A_4[0, 0, 0] : f32 from vector<1x1x1xf32>
    %div3A = vector.broadcast %reduce_sum3A_5 : f32 to vector<1x3xf32>
    %div3A_6 = arith.divf %get3A_1, %div3A : vector<1x3xf32>
    %slice3A = vector.extract_strided_slice %div3A_6 {offsets = [0, 0], sizes = [1, 1], strides = [1, 1]} : vector<1x3xf32> to vector<1x1xf32>
    %get3A_7 = arith.constant 0 : index
    %get3A_8 = arith.constant 0 : index
    %get3A_9 = vector.load %arg2[%get3A_7, %get3A_8] : memref<128x128xf32, #tpu.memory_space<vmem>>, vector<128x128xf32>
    %mul3A = vector.broadcast %slice3A : vector<1x1xf32> to vector<128x128xf32>
    %mul3A_10 = arith.mulf %mul3A, %get3A_9 : vector<128x128xf32>
    %slice3A_11 = vector.extract_strided_slice %div3A_6 {offsets = [0, 1], sizes = [1, 1], strides = [1, 1]} : vector<1x3xf32> to vector<1x1xf32>
    %get3A_12 = arith.constant 0 : index
    %get3A_13 = arith.constant 0 : index
    %get3A_14 = vector.load %arg3[%get3A_12, %get3A_13] : memref<128x128xf32, #tpu.memory_space<vmem>>, vector<128x128xf32>
    %mul3A_15 = vector.broadcast %slice3A_11 : vector<1x1xf32> to vector<128x128xf32>
    %mul3A_16 = arith.mulf %mul3A_15, %get3A_14 : vector<128x128xf32>
    %add3A = arith.addf %mul3A_10, %mul3A_16 : vector<128x128xf32>
    %slice3A_17 = vector.extract_strided_slice %div3A_6 {offsets = [0, 2], sizes = [1, 1], strides = [1, 1]} : vector<1x3xf32> to vector<1x1xf32>
    %get3A_18 = arith.constant 0 : index
    %get3A_19 = arith.constant 0 : index
    %get3A_20 = vector.load %arg4[%get3A_18, %get3A_19] : memref<128x128xf32, #tpu.memory_space<vmem>>, vector<128x128xf32>
    %mul3A_21 = vector.broadcast %slice3A_17 : vector<1x1xf32> to vector<128x128xf32>
    %mul3A_22 = arith.mulf %mul3A_21, %get3A_20 : vector<128x128xf32>
    %add3A_23 = arith.addf %add3A, %mul3A_22 : vector<128x128xf32>
    %slice3A_24 = vector.extract_strided_slice %div3A_6 {offsets = [0, 0], sizes = [1, 1], strides = [1, 1]} : vector<1x3xf32> to vector<1x1xf32>
    %get3A_25 = arith.constant 0 : index
    %get3A_26 = arith.constant 0 : index
    %get3A_27 = vector.load %arg5[%get3A_25, %get3A_26] : memref<1x128xf32, #tpu.memory_space<vmem>>, vector<1x128xf32>
    %mul3A_28 = vector.broadcast %slice3A_24 : vector<1x1xf32> to vector<1x128xf32>
    %mul3A_29 = arith.mulf %mul3A_28, %get3A_27 : vector<1x128xf32>
    %slice3A_30 = vector.extract_strided_slice %div3A_6 {offsets = [0, 1], sizes = [1, 1], strides = [1, 1]} : vector<1x3xf32> to vector<1x1xf32>
    %get3A_31 = arith.constant 0 : index
    %get3A_32 = arith.constant 0 : index
    %get3A_33 = vector.load %arg6[%get3A_31, %get3A_32] : memref<1x128xf32, #tpu.memory_space<vmem>>, vector<1x128xf32>
    %mul3A_34 = vector.broadcast %slice3A_30 : vector<1x1xf32> to vector<1x128xf32>
    %mul3A_35 = arith.mulf %mul3A_34, %get3A_33 : vector<1x128xf32>
    %add3A_36 = arith.addf %mul3A_29, %mul3A_35 : vector<1x128xf32>
    %slice3A_37 = vector.extract_strided_slice %div3A_6 {offsets = [0, 2], sizes = [1, 1], strides = [1, 1]} : vector<1x3xf32> to vector<1x1xf32>
    %get3A_38 = arith.constant 0 : index
    %get3A_39 = arith.constant 0 : index
    %get3A_40 = vector.load %arg7[%get3A_38, %get3A_39] : memref<1x128xf32, #tpu.memory_space<vmem>>, vector<1x128xf32>
    %mul3A_41 = vector.broadcast %slice3A_37 : vector<1x1xf32> to vector<1x128xf32>
    %mul3A_42 = arith.mulf %mul3A_41, %get3A_40 : vector<1x128xf32>
    %add3A_43 = arith.addf %add3A_36, %mul3A_42 : vector<1x128xf32>
    %get3A_44 = arith.constant 0 : index
    %get3A_45 = arith.constant 0 : index
    %get3A_46 = arith.constant 0 : index
    %get3A_47 = vector.load %arg0[%get3A_44, %get3A_45, %get3A_46] : memref<2x10240x128xf32, #tpu.memory_space<vmem>>, vector<1x10240x128xf32>
    %get3A_48 = vector.shape_cast %get3A_47 : vector<1x10240x128xf32> to vector<10240x128xf32>
    %get3A_49 = arith.constant 1 : index
    %get3A_50 = arith.constant 0 : index
    %get3A_51 = arith.constant 0 : index
    %get3A_52 = vector.load %arg0[%get3A_49, %get3A_50, %get3A_51] : memref<2x10240x128xf32, #tpu.memory_space<vmem>>, vector<1x10240x128xf32>
    %get3A_53 = vector.shape_cast %get3A_52 : vector<1x10240x128xf32> to vector<10240x128xf32>
    %add3A_54 = arith.addf %get3A_48, %get3A_53 : vector<10240x128xf32>
    %get3A_55 = arith.constant 0 : index
    %get3A_56 = arith.constant 1 : index
    %get3A_57 = vector.load %arg1[%get3A_55, %get3A_56] : memref<10240x2xf32, #tpu.memory_space<vmem>>, vector<10240x1xf32>
    %mul3A_58 = vector.broadcast %get3A_57 : vector<10240x1xf32> to vector<10240x128xf32>
    %mul3A_59 = arith.mulf %add3A_54, %mul3A_58 : vector<10240x128xf32>
    %dot_general3A = arith.constant dense<0.000000e+00> : vector<10240x128xf32>
    %dot_general3A_60 = tpu.matmul %mul3A_59, %add3A_23, %dot_general3A {dimension_numbers = #tpu.dot_dimension_numbers<[1], [0], [0], [1], [0, 0, 1, 1], [], []>, transpose_lhs_hint = false} : vector<10240x128xf32>, vector<128x128xf32>, vector<10240x128xf32> -> vector<10240x128xf32>
    %add3A_61 = vector.broadcast %add3A_43 : vector<1x128xf32> to vector<10240x128xf32>
    %add3A_62 = arith.addf %dot_general3A_60, %add3A_61 : vector<10240x128xf32>
    %get3A_63 = arith.constant 0 : index
    %get3A_64 = arith.constant 0 : index
    %get3A_65 = vector.load %arg9[%get3A_63, %get3A_64] : memref<1x128xf32, #tpu.memory_space<vmem>>, vector<1x128xf32>
    %mul3A_66 = vector.broadcast %get3A_65 : vector<1x128xf32> to vector<10240x128xf32>
    %mul3A_67 = arith.mulf %mul3A_66, %add3A_62 : vector<10240x128xf32>
    %get3A_68 = arith.constant 0 : index
    %get3A_69 = arith.constant 0 : index
    %get3A_70 = vector.load %arg10[%get3A_68, %get3A_69] : memref<1x128xf32, #tpu.memory_space<vmem>>, vector<1x128xf32>
    %add3A_71 = vector.broadcast %get3A_70 : vector<1x128xf32> to vector<10240x128xf32>
    %add3A_72 = arith.addf %mul3A_67, %add3A_71 : vector<10240x128xf32>
    %max3A = arith.constant 0.000000e+00 : f32
    %max3A_73 = vector.broadcast %max3A : f32 to vector<10240x128xf32>
    %max3A_74 = arith.maximumf %add3A_72, %max3A_73 : vector<10240x128xf32>
    %get3A_75 = arith.constant 0 : index
    %get3A_76 = arith.constant 0 : index
    %get3A_77 = vector.load %arg1[%get3A_75, %get3A_76] : memref<10240x2xf32, #tpu.memory_space<vmem>>, vector<10240x1xf32>
    %mul3A_78 = vector.broadcast %get3A_77 : vector<10240x1xf32> to vector<10240x128xf32>
    %mul3A_79 = arith.mulf %max3A_74, %mul3A_78 : vector<10240x128xf32>
    %swap3A = arith.constant 0 : index
    %swap3A_80 = arith.constant 0 : index
    %swap3A_81 = vector.load %arg11[%swap3A, %swap3A_80] : memref<10240x128xf32, #tpu.memory_space<vmem>>, vector<10240x128xf32>
    tpu.vector_store %arg11[%swap3A, %swap3A_80], %mul3A_79 {strides = array<i32>} : memref<10240x128xf32, #tpu.memory_space<vmem>>, vector<10240x128xf32>,
    return
  }
}

module attributes {stable_mosaic.version = 14 : i64} {
  func.func @_tc_prep_body(%arg0: memref<2x32x10240xf32, #tpu.memory_space<vmem>>, %arg1: memref<10000x128xf32, #tpu.memory_space<vmem>>, %arg2: memref<10000x128xf32, #tpu.memory_space<vmem>>, %arg3: memref<10240x2xf32, #tpu.memory_space<vmem>>) attributes {dimension_semantics = [], scalar_prefetch = 0 : i64, scratch_operands = 0 : i64, tpu.core_type = #tpu.core_type<tc>} {
    %broadcast_in_dim3A = arith.constant 1.000000e+00 : f32
    %broadcast_in_dim3A_0 = vector.broadcast %broadcast_in_dim3A : f32 to vector<32x1xf32>
    %get3A = arith.constant 0 : index
    %get3A_1 = arith.constant 0 : index
    %get3A_2 = arith.constant 0 : index
    %get3A_3 = vector.load %arg0[%get3A, %get3A_1, %get3A_2] : memref<2x32x10240xf32, #tpu.memory_space<vmem>>, vector<1x32x10240xf32>
    %get3A_4 = vector.shape_cast %get3A_3 : vector<1x32x10240xf32> to vector<32x10240xf32>
    %dot_general3A = arith.constant dense<0.000000e+00> : vector<10240x1xf32>
    %dot_general3A_5 = tpu.matmul %get3A_4, %broadcast_in_dim3A_0, %dot_general3A {dimension_numbers = #tpu.dot_dimension_numbers<[0], [0], [1], [1], [0, 1, 1, 1], [], []>, transpose_lhs_hint = false} : vector<32x10240xf32>, vector<32x1xf32>, vector<10240x1xf32> -> vector<10240x1xf32>
    %get3A_6 = arith.constant 1 : index
    %get3A_7 = arith.constant 0 : index
    %get3A_8 = arith.constant 0 : index
    %get3A_9 = vector.load %arg0[%get3A_6, %get3A_7, %get3A_8] : memref<2x32x10240xf32, #tpu.memory_space<vmem>>, vector<1x32x10240xf32>
    %get3A_10 = vector.shape_cast %get3A_9 : vector<1x32x10240xf32> to vector<32x10240xf32>
    %dot_general3A_11 = arith.constant dense<0.000000e+00> : vector<10240x1xf32>
    %dot_general3A_12 = tpu.matmul %get3A_10, %broadcast_in_dim3A_0, %dot_general3A_11 {dimension_numbers = #tpu.dot_dimension_numbers<[0], [0], [1], [1], [0, 1, 1, 1], [], []>, transpose_lhs_hint = false} : vector<32x10240xf32>, vector<32x1xf32>, vector<10240x1xf32> -> vector<10240x1xf32>
    %max3A = arith.constant 1.000000e+00 : f32
    %max3A_13 = vector.broadcast %max3A : f32 to vector<10240x1xf32>
    %max3A_14 = arith.maximumf %dot_general3A_5, %max3A_13 : vector<10240x1xf32>
    %rsqrt3A = math.rsqrt %max3A_14 : vector<10240x1xf32>
    %max3A_15 = arith.constant 1.000000e+00 : f32
    %max3A_16 = vector.broadcast %max3A_15 : f32 to vector<10240x1xf32>
    %max3A_17 = arith.maximumf %dot_general3A_12, %max3A_16 : vector<10240x1xf32>
    %rsqrt3A_18 = math.rsqrt %max3A_17 : vector<10240x1xf32>
    %concatenate3A = tpu.concatenate %rsqrt3A, %rsqrt3A_18 in 1 : vector<10240x1xf32>, vector<10240x1xf32> -> vector<10240x2xf32>
    %swap3A = arith.constant 0 : index
    %swap3A_19 = arith.constant 0 : index
    %swap3A_20 = vector.load %arg3[%swap3A, %swap3A_19] : memref<10240x2xf32, #tpu.memory_space<vmem>>, vector<10240x2xf32>
    tpu.vector_store %arg3[%swap3A, %swap3A_19], %concatenate3A {strides = array<i32>} : memref<10240x2xf32, #tpu.memory_space<vmem>>, vector<10240x2xf32>,
    %get3A_21 = arith.constant 0 : index
    %get3A_22 = arith.constant 0 : index
    %get3A_23 = vector.load %arg1[%get3A_21, %get3A_22] : memref<10000x128xf32, #tpu.memory_space<vmem>>, vector<10000x128xf32>
    %slice3A = vector.extract_strided_slice %rsqrt3A {offsets = [0, 0], sizes = [10000, 1], strides = [1, 1]} : vector<10240x1xf32> to vector<10000x1xf32>
    %mul3A = vector.broadcast %slice3A : vector<10000x1xf32> to vector<10000x128xf32>
    %mul3A_24 = arith.mulf %get3A_23, %mul3A : vector<10000x128xf32>
    %swap3A_25 = arith.constant 0 : index
    %swap3A_26 = arith.constant 0 : index
    %swap3A_27 = vector.load %arg2[%swap3A_25, %swap3A_26] : memref<10000x128xf32, #tpu.memory_space<vmem>>, vector<10000x128xf32>
    tpu.vector_store %arg2[%swap3A_25, %swap3A_26], %mul3A_24 {strides = array<i32>} : memref<10000x128xf32, #tpu.memory_space<vmem>>, vector<10000x128xf32>,
    return
  }
}

module attributes {stable_mosaic.version = 14 : i64} {
  func.func @_tc_layer2_body(%arg0: memref<2x10240x128xf32, #tpu.memory_space<vmem>>, %arg1: memref<10240x2xf32, #tpu.memory_space<vmem>>, %arg2: memref<128x64xf32, #tpu.memory_space<vmem>>, %arg3: memref<128x64xf32, #tpu.memory_space<vmem>>, %arg4: memref<128x64xf32, #tpu.memory_space<vmem>>, %arg5: memref<1x64xf32, #tpu.memory_space<vmem>>, %arg6: memref<1x64xf32, #tpu.memory_space<vmem>>, %arg7: memref<1x64xf32, #tpu.memory_space<vmem>>, %arg8: memref<1x3xf32, #tpu.memory_space<vmem>>, %arg9: memref<10240x64xf32, #tpu.memory_space<vmem>>) attributes {dimension_semantics = [], scalar_prefetch = 0 : i64, scratch_operands = 0 : i64, tpu.core_type = #tpu.core_type<tc>} {
    %get3A = arith.constant 0 : index
    %get3A_0 = arith.constant 0 : index
    %get3A_1 = vector.load %arg8[%get3A, %get3A_0] : memref<1x3xf32, #tpu.memory_space<vmem>>, vector<1x3xf32>
    %reduce_sum3A = vector.shape_cast %get3A_1 : vector<1x3xf32> to vector<1x1x3xf32>
    %reduce_sum3A_2 = arith.constant dense<0.000000e+00> : vector<1xf32>
    %reduce_sum3A_3 = vector.multi_reduction <add>, %reduce_sum3A, %reduce_sum3A_2 [1, 2] : vector<1x1x3xf32> to vector<1xf32>
    %reduce_sum3A_4 = vector.shape_cast %reduce_sum3A_3 : vector<1xf32> to vector<1x1x1xf32>
    %reduce_sum3A_5 = vector.extract %reduce_sum3A_4[0, 0, 0] : f32 from vector<1x1x1xf32>
    %div3A = vector.broadcast %reduce_sum3A_5 : f32 to vector<1x3xf32>
    %div3A_6 = arith.divf %get3A_1, %div3A : vector<1x3xf32>
    %slice3A = vector.extract_strided_slice %div3A_6 {offsets = [0, 0], sizes = [1, 1], strides = [1, 1]} : vector<1x3xf32> to vector<1x1xf32>
    %get3A_7 = arith.constant 0 : index
    %get3A_8 = arith.constant 0 : index
    %get3A_9 = vector.load %arg2[%get3A_7, %get3A_8] : memref<128x64xf32, #tpu.memory_space<vmem>>, vector<128x64xf32>
    %mul3A = vector.broadcast %slice3A : vector<1x1xf32> to vector<128x64xf32>
    %mul3A_10 = arith.mulf %mul3A, %get3A_9 : vector<128x64xf32>
    %slice3A_11 = vector.extract_strided_slice %div3A_6 {offsets = [0, 1], sizes = [1, 1], strides = [1, 1]} : vector<1x3xf32> to vector<1x1xf32>
    %get3A_12 = arith.constant 0 : index
    %get3A_13 = arith.constant 0 : index
    %get3A_14 = vector.load %arg3[%get3A_12, %get3A_13] : memref<128x64xf32, #tpu.memory_space<vmem>>, vector<128x64xf32>
    %mul3A_15 = vector.broadcast %slice3A_11 : vector<1x1xf32> to vector<128x64xf32>
    %mul3A_16 = arith.mulf %mul3A_15, %get3A_14 : vector<128x64xf32>
    %add3A = arith.addf %mul3A_10, %mul3A_16 : vector<128x64xf32>
    %slice3A_17 = vector.extract_strided_slice %div3A_6 {offsets = [0, 2], sizes = [1, 1], strides = [1, 1]} : vector<1x3xf32> to vector<1x1xf32>
    %get3A_18 = arith.constant 0 : index
    %get3A_19 = arith.constant 0 : index
    %get3A_20 = vector.load %arg4[%get3A_18, %get3A_19] : memref<128x64xf32, #tpu.memory_space<vmem>>, vector<128x64xf32>
    %mul3A_21 = vector.broadcast %slice3A_17 : vector<1x1xf32> to vector<128x64xf32>
    %mul3A_22 = arith.mulf %mul3A_21, %get3A_20 : vector<128x64xf32>
    %add3A_23 = arith.addf %add3A, %mul3A_22 : vector<128x64xf32>
    %slice3A_24 = vector.extract_strided_slice %div3A_6 {offsets = [0, 0], sizes = [1, 1], strides = [1, 1]} : vector<1x3xf32> to vector<1x1xf32>
    %get3A_25 = arith.constant 0 : index
    %get3A_26 = arith.constant 0 : index
    %get3A_27 = vector.load %arg5[%get3A_25, %get3A_26] : memref<1x64xf32, #tpu.memory_space<vmem>>, vector<1x64xf32>
    %mul3A_28 = vector.broadcast %slice3A_24 : vector<1x1xf32> to vector<1x64xf32>
    %mul3A_29 = arith.mulf %mul3A_28, %get3A_27 : vector<1x64xf32>
    %slice3A_30 = vector.extract_strided_slice %div3A_6 {offsets = [0, 1], sizes = [1, 1], strides = [1, 1]} : vector<1x3xf32> to vector<1x1xf32>
    %get3A_31 = arith.constant 0 : index
    %get3A_32 = arith.constant 0 : index
    %get3A_33 = vector.load %arg6[%get3A_31, %get3A_32] : memref<1x64xf32, #tpu.memory_space<vmem>>, vector<1x64xf32>
    %mul3A_34 = vector.broadcast %slice3A_30 : vector<1x1xf32> to vector<1x64xf32>
    %mul3A_35 = arith.mulf %mul3A_34, %get3A_33 : vector<1x64xf32>
    %add3A_36 = arith.addf %mul3A_29, %mul3A_35 : vector<1x64xf32>
    %slice3A_37 = vector.extract_strided_slice %div3A_6 {offsets = [0, 2], sizes = [1, 1], strides = [1, 1]} : vector<1x3xf32> to vector<1x1xf32>
    %get3A_38 = arith.constant 0 : index
    %get3A_39 = arith.constant 0 : index
    %get3A_40 = vector.load %arg7[%get3A_38, %get3A_39] : memref<1x64xf32, #tpu.memory_space<vmem>>, vector<1x64xf32>
    %mul3A_41 = vector.broadcast %slice3A_37 : vector<1x1xf32> to vector<1x64xf32>
    %mul3A_42 = arith.mulf %mul3A_41, %get3A_40 : vector<1x64xf32>
    %add3A_43 = arith.addf %add3A_36, %mul3A_42 : vector<1x64xf32>
    %get3A_44 = arith.constant 0 : index
    %get3A_45 = arith.constant 0 : index
    %get3A_46 = arith.constant 0 : index
    %get3A_47 = vector.load %arg0[%get3A_44, %get3A_45, %get3A_46] : memref<2x10240x128xf32, #tpu.memory_space<vmem>>, vector<1x10240x128xf32>
    %get3A_48 = vector.shape_cast %get3A_47 : vector<1x10240x128xf32> to vector<10240x128xf32>
    %get3A_49 = arith.constant 1 : index
    %get3A_50 = arith.constant 0 : index
    %get3A_51 = arith.constant 0 : index
    %get3A_52 = vector.load %arg0[%get3A_49, %get3A_50, %get3A_51] : memref<2x10240x128xf32, #tpu.memory_space<vmem>>, vector<1x10240x128xf32>
    %get3A_53 = vector.shape_cast %get3A_52 : vector<1x10240x128xf32> to vector<10240x128xf32>
    %add3A_54 = arith.addf %get3A_48, %get3A_53 : vector<10240x128xf32>
    %get3A_55 = arith.constant 0 : index
    %get3A_56 = arith.constant 1 : index
    %get3A_57 = vector.load %arg1[%get3A_55, %get3A_56] : memref<10240x2xf32, #tpu.memory_space<vmem>>, vector<10240x1xf32>
    %mul3A_58 = vector.broadcast %get3A_57 : vector<10240x1xf32> to vector<10240x128xf32>
    %mul3A_59 = arith.mulf %add3A_54, %mul3A_58 : vector<10240x128xf32>
    %dot_general3A = arith.constant dense<0.000000e+00> : vector<10240x64xf32>
    %dot_general3A_60 = tpu.matmul %mul3A_59, %add3A_23, %dot_general3A {dimension_numbers = #tpu.dot_dimension_numbers<[1], [0], [0], [1], [0, 0, 1, 1], [], []>, transpose_lhs_hint = false} : vector<10240x128xf32>, vector<128x64xf32>, vector<10240x64xf32> -> vector<10240x64xf32>
    %add3A_61 = vector.broadcast %add3A_43 : vector<1x64xf32> to vector<10240x64xf32>
    %add3A_62 = arith.addf %dot_general3A_60, %add3A_61 : vector<10240x64xf32>
    %reduce_max3A = arith.constant dense<0xFF800000> : vector<10240xf32>
    %reduce_max3A_63 = vector.multi_reduction <maximumf>, %add3A_62, %reduce_max3A [1] : vector<10240x64xf32> to vector<10240xf32>
    %broadcast_in_dim3A = vector.shape_cast %reduce_max3A_63 : vector<10240xf32> to vector<10240x1xf32>
    %sub3A = vector.broadcast %broadcast_in_dim3A : vector<10240x1xf32> to vector<10240x64xf32>
    %sub3A_64 = arith.subf %add3A_62, %sub3A : vector<10240x64xf32>
    %exp3A = math.exp %sub3A_64 : vector<10240x64xf32>
    %sub3A_65 = vector.broadcast %broadcast_in_dim3A : vector<10240x1xf32> to vector<10240x64xf32>
    %sub3A_66 = arith.subf %add3A_62, %sub3A_65 : vector<10240x64xf32>
    %reduce_sum3A_67 = arith.constant dense<0.000000e+00> : vector<10240xf32>
    %reduce_sum3A_68 = vector.multi_reduction <add>, %exp3A, %reduce_sum3A_67 [1] : vector<10240x64xf32> to vector<10240xf32>
    %broadcast_in_dim3A_69 = vector.shape_cast %reduce_sum3A_68 : vector<10240xf32> to vector<10240x1xf32>
    %log3A = math.log %broadcast_in_dim3A_69 : vector<10240x1xf32>
    %sub3A_70 = vector.broadcast %log3A : vector<10240x1xf32> to vector<10240x64xf32>
    %sub3A_71 = arith.subf %sub3A_66, %sub3A_70 : vector<10240x64xf32>
    %swap3A = arith.constant 0 : index
    %swap3A_72 = arith.constant 0 : index
    %swap3A_73 = vector.load %arg9[%swap3A, %swap3A_72] : memref<10240x64xf32, #tpu.memory_space<vmem>>, vector<10240x64xf32>
    tpu.vector_store %arg9[%swap3A, %swap3A_72], %sub3A_71 {strides = array<i32>} : memref<10240x64xf32, #tpu.memory_space<vmem>>, vector<10240x64xf32>,
    return
  }
}

</mosaic_0001>

<sc_bundles>
// kernel: kernel.11.cloned.1.call-start
scs
__scs_entry_jumppad:
0x0: {  	(pc) =	sbr.rel $0x88, $3  }
0x1: {  	(tag) =	ssettag $0x0;
	lr =	simm.s32 $0x1  }
0x2: {  	[smem:$0x3F8F] =	sst lr;
	_ =	strace $0xD0000000  }
0x3: {  	_ = 	snop  }
0x4: {  	_ = 	snop  }
0x5: {  	_ = 	snop  }
0x6: {  	_ = 	snop  }
0x7: {  	_ = 	snop  }
__scs_overlays_trampoline_lowered:
0x8: {  	[smem:$0x3F9E] =	sst s0  }
0x9: {  	[smem:$0x3F9F] =	sst s1  }
0xa: {  	[smem:$0x3FA0] =	sst s2  }
0xb: {  	[smem:$0x3FA1] =	sst s3  }
0xc: {  	[smem:$0x3FA2] =	sst s4  }
0xd: {  	[smem:$0x3FA3] =	sst s5  }
0xe: {  	[smem:$0x3FA4] =	sst s6  }
0xf: {  	[smem:$0x3FA5] =	sst s7  }
0x10: {  	[smem:$0x3FA6] =	sst s8  }
0x11: {  	[smem:$0x3FA7] =	sst s9;
	s0 =	simm.s32 @!p0 $0x0  }
0x12: {  	s1 =	sld [smem:$0x3F8D];
	s0 =	simm.s32 @p0 $0x1  }
0x13: {  	[smem:$0x3FA8] =	sst s0;
	s0 =	simm.s32 @!p1 $0x0  }
0x14: {  	s2 =	sld [smem:$0x3F8C];
	s0 =	simm.s32 @p1 $0x1  }
0x15: {  	[smem:$0x3FA9] =	sst s0;
	s0 =	simm.s32 @!p2 $0x0  }
0x16: {  	s3 =	sld [smem:$0x3FDB];
	s0 =	simm.s32 @p2 $0x1  }
0x17: {  	s4 =	simm.s32 $0x1BF5;
	[smem:$0x3FAB] =	sst s0  }
0x18: {  	s0 =	sld [smem:$0x3F8E];
	_ =	swait.ge [sflag:s4], $0x0  }
0x19: {  	s7 =	sld [smem:$0x3F8F]  }
0x1a: {  	s8 =	sadd.s32 $0xFFFFE003, lr  }
0x1b: {  	s9 =	sadd.s32 $0xFFFFFEF7, lr;
	s5 =	simm.s32 $0xFFFFFFFF;
	p2 =	slt.u32 s8, $0xFFFFF086  }
0x1c: {  	p1 =	slt.u32 s9, $0xF7A;
	s5 =	simm.s32 @!p2 $0x0  }
0x1d: {  	s5 =	simm.s32 @p1 $0x1;
	p0 =	seq.s32 s7, s2  }
0x1e: {  	s7 =	smul.u32 @!p0 $0xF7A, s2;
	p2 =	seq.s32 @!p0 s5, $0x0  }
0x1f: {  	s9 =	smul.u32 $0xF7A, s1;
	s8 =	simm.s32 @!p0 $0x1BF5;
	p2 =	por !p2, p0  }
0x20: {  	[sflag:s8] =	ssyncset.s32 @!p0 $0xFFFFF086;
	s6 =	sadd.s32 @!p0 s3, s7;
	s7 =	simm.s32 @!p0 $0x108  }
0x21: {  	s3 =	sadd.s32 s3, s9;
	s6 =	sadd.s32 @!p0 $0x88, s6;
	s7 =	simm.s32 @p2 $0x1082  }
0x22: {  	[simem:s7], [sflag:s8] =	dma.local @!p0 [hbm:s6], $0xF7A  }
0x23: {  	s9 =	sor.u32 $0xD0000000, s2;
	s6 =	simm.s32 $0x108;
	_ =	swait.ge @!p0 [sflag:s8], $0x0  }
0x24: {  	s3 =	sadd.s32 $0x88, s3;
	s6 =	simm.s32 @!p1 $0x1082;
	[sflag:s4] =	ssyncset.s32 $0xFFFFF086  }
0x25: {  	[simem:s6], [sflag:s4] =	dma.local [hbm:s3], $0xF7A  }
0x26: {  	[smem:$0x3F8F] =	sst s1;
	(tag) =	ssettag s2;
	_ =	strace s9  }
0x27: {  	s1 =	sld [smem:$0x3F9F]  }
0x28: {  	s2 =	sld [smem:$0x3FA0]  }
0x29: {  	s4 =	sld [smem:$0x3FA2]  }
0x2a: {  	p0 =	seq.s32 s5, $0x0;
	s5 =	sld [smem:$0x3FA3]  }
0x2b: {  	s6 =	sld [smem:$0x3FA4]  }
0x2c: {  	s7 =	sld [smem:$0x3FA5]  }
0x2d: {  	s3 =	simm.s32 $0x108;
	s8 =	sld [smem:$0x3FA6]  }
0x2e: {  	s3 =	simm.s32 @!p0 $0x1082;
	s9 =	sld [smem:$0x3FA7]  }
0x2f: {  	lr =	sadd.s32 s0, s3;
	s0 =	sld [smem:$0x3F9E]  }
0x30: {  	s3 =	sld [smem:$0x3FA1]  }
0x31: {  	[smem:$0x3FAA] =	sst s10  }
0x32: {  	s10 =	sld [smem:$0x3FA8];
	_ =	sdelay $0x3  }
0x33: {  	p0 =	seq.s32 s10, $0x1;
	s10 =	sld [smem:$0x3FAA];
	_ =	sdelay $0x3  }
0x34: {  	[smem:$0x3FAA] =	sst s10  }
0x35: {  	s10 =	sld [smem:$0x3FA9];
	_ =	sdelay $0x3  }
0x36: {  	p1 =	seq.s32 s10, $0x1;
	s10 =	sld [smem:$0x3FAA];
	_ =	sdelay $0x3  }
0x37: {  	[smem:$0x3FAA] =	sst s10  }
0x38: {  	s10 =	sld [smem:$0x3FAB]  }
0x39: {  	_ = 	snop;
	(pc) =	sbr.ind lr, $3  }
0x3a: {  	_ = 	snop  }
0x3b: {  	_ = 	snop  }
0x3c: {  	p2 =	seq.s32 s10, $0x1;
	s10 =	sld [smem:$0x3FAA]  }
0x3d: {  	_ =	shalt  }
0x3e: {  	_ =	shalt  }
0x3f: {  	_ =	shalt  }
0x40: {  	_ =	shalt  }
0x41: {  	_ =	shalt  }
0x42: {  	_ =	shalt  }
0x43: {  	_ =	shalt  }
0x44: {  	_ =	shalt  }
0x45: {  	_ =	shalt  }
0x46: {  	_ =	shalt  }
0x47: {  	_ =	shalt  }
0x48: {  	_ =	shalt  }
0x49: {  	_ =	shalt  }
0x4a: {  	_ =	shalt  }
0x4b: {  	_ =	shalt  }
0x4c: {  	_ =	shalt  }
0x4d: {  	_ =	shalt  }
0x4e: {  	_ =	shalt  }
0x4f: {  	_ =	shalt  }
0x50: {  	_ =	shalt  }
0x51: {  	_ =	shalt  }
0x52: {  	_ =	shalt  }
0x53: {  	_ =	shalt  }
0x54: {  	_ =	shalt  }
0x55: {  	_ =	shalt  }
0x56: {  	_ =	shalt  }
0x57: {  	_ =	shalt  }
0x58: {  	_ =	shalt  }
0x59: {  	_ =	shalt  }
0x5a: {  	_ =	shalt  }
0x5b: {  	_ =	shalt  }
0x5c: {  	_ =	shalt  }
0x5d: {  	_ =	shalt  }
0x5e: {  	_ =	shalt  }
0x5f: {  	_ =	shalt  }
0x60: {  	_ =	shalt  }
0x61: {  	_ =	shalt  }
0x62: {  	_ =	shalt  }
0x63: {  	_ =	shalt  }
0x64: {  	_ =	shalt  }
0x65: {  	_ =	shalt  }
0x66: {  	_ =	shalt  }
0x67: {  	_ =	shalt  }
0x68: {  	_ =	shalt  }
0x69: {  	_ =	shalt  }
0x6a: {  	_ =	shalt  }
0x6b: {  	_ =	shalt  }
0x6c: {  	_ =	shalt  }
0x6d: {  	_ =	shalt  }
0x6e: {  	_ =	shalt  }
0x6f: {  	_ =	shalt  }
0x70: {  	_ =	shalt  }
0x71: {  	_ =	shalt  }
0x72: {  	_ =	shalt  }
0x73: {  	_ =	shalt  }
0x74: {  	_ =	shalt  }
0x75: {  	_ =	shalt  }
0x76: {  	_ =	shalt  }
0x77: {  	_ =	shalt  }
0x78: {  	_ =	shalt  }
0x79: {  	_ =	shalt  }
0x7a: {  	_ =	shalt  }
0x7b: {  	_ =	shalt  }
0x7c: {  	_ =	shalt  }
0x7d: {  	_ =	shalt  }
0x7e: {  	_ =	shalt  }
0x7f: {  	_ =	shalt  }
0x80: {  	_ =	shalt  }
0x81: {  	_ =	shalt  }
0x82: {  	_ =	shalt  }
0x83: {  	_ =	shalt  }
0x84: {  	_ =	shalt  }
0x85: {  	_ =	shalt  }
0x86: {  	_ =	shalt  }
0x87: {  	_ =	shalt  }
.Lfunc_end0:
.L_simem_size_0:
called_computation.1_lowered:
.L_overlay_start_0:
0x88: {  	s2 =	sld [smem:$0x3FD9]  }
0x89: {  	s3 =	sld [smem:$0x3FFE];
	_ =	sdelay $0x1  }
0x8a: {  	s1 =	srdreg.scid  }
0x8b: {  	s0 =	sand.u32 $0x1, s1  }
0x8c: {  	s17 =	sshll.u32 s0, $0xA;
	s2 =	sadd.s32 s3, s2  }
0x8d: {  	s2 =	sadd.s32 s2, s17  }
0x8e: {  	[smem:$0x3FB6] =	sst s2  }
0x8f: {  	_ = 	snop  }
0x90: {  	s2 =	sld [smem:$0x3FD0];
	(tm) =	ssettm $0x1  }
0x91: {  	s18 =	sld [smem:$0x3FFB];
	_ =	sdelay $0x3  }
0x92: {  	_ =	strace s18  }
0x93: {  	s3 =	sld [smem:$0x3FFC];
	_ =	sdelay $0x3  }
0x94: {  	_ =	strace s3  }
0x95: {  	s3 =	sld [smem:$0x3FFD];
	_ =	sdelay $0x3  }
0x96: {  	_ =	strace s3  }
0x97: {  	_ =	strace $0x8FFFFFFF  }
0x98: {  	s19 =	sld [smem:$0x3FDB];
	_ =	sdelay $0x1  }
0x99: {  	s4 =	simm.s32 $_scs_section_size  }
0x9a: {  	s5 =	simm.s32 $_size__tile_overlayer_lowered;
	s6 =	simm.s32 $_tile_overlayer_lowered  }
0x9b: {  	s22 =	simm.s32 $0x1BFF;
	s21 =	sshll.u32 s6, $0x1;
	s3 =	sadd.s32 s4, s19  }
0x9c: {  	s7 =	simm.s32 $0x0;
	s20 =	sshll.u32 s5, $0x1;
	s5 =	sadd.s32 s21, s3  }
0x9d: {  	[timem:s7], [sflag:s22] =	dma.local [hbm:s5], s20  }
0x9e: {  	_ =	swait.ge [sflag:s22], s20  }
0x9f: {  	s4 =	ssub.s32 $0x0, s20;
	[sflag:s22] =	ssyncset.done $0x0  }
0xa0: {  	[sflag:s22] =	ssyncadd.s32 s4;
	_ =	sdelay $0x1  }
0xa1: {  	s23 =	simm.s32 $0x1B8B  }
0xa2: {  	_ =	swait.ge [sflag:s23], $0x1  }
0xa3: {  	[sflag:s23] =	ssyncset.done $0x0  }
0xa4: {  	s25 =	simm.s32 $0x1B8E;
	s24 =	sld [smem:$0x3FFE];
	[sflag:s23] =	ssyncadd.s32 $0xFFFFFFFF  }
0xa5: {  	s26 =	simm.s32 $execute0_lowered;
	[smem:$0x3FD2] =	sst s25  }
0xa6: {  	s5 =	sshll.u32 s26, $0x1;
	_ =	strace $0x80000049;
	[dreg:$0x1] =	wrdreg $0xFFFFFFFF  }
0xa7: {  	s28 =	simm.s32 $_size_execute0_lowered;
	s3 =	sadd.s32 s3, s5;
	[dreg:$0x0] =	wrdreg $0x0  }
0xa8: {  	s5 =	sshll.u32 s28, $0x1;
	[dreg:$0x2] =	wrdreg s3  }
0xa9: {  	[dreg:$0x3] =	wrdreg s5  }
0xaa: {  	[dreg:$0x4] =	wrdreg $0xC0  }
0xab: {  	_ =	task [dreg:s7], $0x5FFFF  }
0xac: {  	[dreg:$0x1] =	wrdreg $0xFFFFFFFF  }
0xad: {  	[dreg:$0x0] =	wrdreg $0x60  }
0xae: {  	[dreg:$0x2] =	wrdreg s24  }
0xaf: {  	[dreg:$0x3] =	wrdreg s2  }
0xb0: {  	[dreg:$0x4] =	wrdreg $0x0  }
0xb1: {  	[dreg:$0x5] =	wrdreg $0x9  }
0xb2: {  	_ =	task.clear_ibuf [dreg:s7], $0x6FFFF;
	_ =	strace $0x90000049  }
0xb3: {  	s29 =	simm.s32 $0x9;
	_ =	strace $0x8000004B  }
0xb4: {  	_ =	swait.ge [sflag:s29], $0x1  }
0xb5: {  	[sflag:s29] =	ssyncadd.s32 $0xFFFFFFFF  }
0xb6: {  	_ =	strace $0x9000004B  }
0xb7: {  	_ =	sfence  }
0xb8: {  	s30 =	sld [smem:$0x0];
	_ =	sdelay $0x2  }
0xb9: {  	s31 =	sshll.u32 s1, $0xD;
	s1 =	sshrl.u32 s1, $0x2  }
0xba: {  	s3 =	sand.u32 $0x4000, s31;
	s1 =	sadd.s32 s1, s30  }
0xbb: {  	s0 =	sor.u32 s3, s0;
	s1 =	sshll.u32 s1, $0x11  }
0xbc: {  	s0 =	sor.u32 s1, s0  }
0xbd: {  	s0 =	sadd.s32 $0x8F2B, s0  }
0xbe: {  	[sflag:s0] =	ssyncadd.remote.s32 $0x1  }
0xbf: {  	_ =	sfence.sel $0xFFFF  }
0xc0: {  	[dreg:$0x0] =	wrdreg $0xFFFFFFFF;
	(pc) =	sbr.abs _section_cstart, $3  }
0xc1: {  	[dreg:$0x1] =	wrdreg $0xFFFFFFFF  }
0xc2: {  	_ =	task.clear_ibuf [dreg:s7], $0x2FFFF;
	_ =	strace $0x9FFFFFFF  }
0xc3: {  	(tm) =	ssettm $0x7FFFFFFF  }
tec
execute0_lowered:
.L_overlay_start_1:
0x0: {  	(tag) =	ssettag $0x1  }
0x1: {  	s0 =	srdreg.scid;
	s2 =	stileid.u32  }
0x2: {  	s1 =	rddreg [dreg:$0x0];
	s8 =	smul.u32 $0x14000, s2  }
0x3: {  	s12 =	rddreg [dreg:$0x1];
	s0 =	sand.u32 $0x1, s0;
	s21 =	smul.u32 $0x2710, s2  }
0x4: {  	s5 =	sadd.s32 $0xD400, s1;
	s3 =	sshll.u32 s0, $0x4;
	s7 =	smul.u32 $0x140000, s0  }
0x5: {  	s10 =	ssub.s32 $0x2, s0;
	s0 =	smul.u32 $0x27100, s0;
	s4 =	sor.u32 s2, s3  }
0x6: {  	s3 =	rddreg [dreg:$0x2];
	s17 =	sshrl.u32 s10, $0x1;
	s6 =	smul.u32 $0x2710, s4  }
0x7: {  	s4 =	simm.s32 $0x0;
	s7 =	sadd.s32 s8, s7;
	s0 =	sadd.s32 s21, s0  }
0x8: {  	[smem:$0x7FF] =	sst s4;
	s7 =	sshrl.u32 s7, $0x3;
	s29 =	sadd.s32 $0x168, s0  }
0x9: {  	s13 =	sadd.s32 $0x118, s0;
	s14 =	sadd.s32 $0xF0, s0;
	s9 =	sshrl.u32 s6, $0x3  }
0xa: {  	_ =	strace $0x8000004A;
	s11 =	sadd.s32 $0x28, s6;
	s16 =	sadd.s32 s9, s1  }
0xb: {  	s1 =	sadd.s32 s7, s1;
	s7 =	ssub.s32 s10, s17;
	s19 =	sadd.s32 s12, s9  }
0xc: {  	s10 =	sadd.s32 $0x140, s0;
	s0 =	sadd.s32 $0xC8, s0;
	[dreg:$0x5] =	wrdreg s19  }
0xd: {  	s6 =	sadd.s32 $0x78, s6;
	s8 =	sadd.s32 $0x3600, s16;
	[dreg:$0x16] =	wrdreg s0  }
0xe: {  	s6 =	sshrl.u32 s6, $0x3;
	s9 =	sadd.s32 $0xA, s19;
	[dreg:$0x4] =	wrdreg s8  }
0xf: {  	s22 =	sadd.s32 s12, s6;
	[dreg:$0x7] =	wrdreg s9  }
0x10: {  	s20 =	smul.u32 $0x50000, s2;
	s23 =	sadd.s32 $0x14, s19;
	[dreg:$0x8] =	wrdreg s22  }
0x11: {  	s17 =	sshrl.u32 s14, $0x3;
	s24 =	smax.u32 s7, $0x1;
	[dreg:$0x9] =	wrdreg s23  }
0x12: {  	s18 =	sshrl.u32 s11, $0x3;
	s19 =	sadd.s32 s17, s12;
	[dreg:$0xb] =	wrdreg s24  }
0x13: {  	s6 =	sshrl.u32 s29, $0x3;
	s8 =	sadd.s32 s12, s18;
	[dreg:$0x15] =	wrdreg s19  }
0x14: {  	s16 =	sshrl.u32 s13, $0x3;
	s9 =	sadd.s32 s6, s12;
	[dreg:$0x6] =	wrdreg s8  }
0x15: {  	s6 =	sshrl.u32 s10, $0x3;
	s18 =	sadd.s32 s16, s12;
	[dreg:$0x12] =	wrdreg s9  }
0x16: {  	s8 =	sshrl.u32 s20, $0x2;
	s15 =	sadd.s32 s6, s12;
	[dreg:$0x14] =	wrdreg s18  }
0x17: {  	s11 =	sadd.s32 s8, s3;
	[dreg:$0x13] =	wrdreg s15  }
0x18: {  	s25 =	sadd.s32 $0x1400, s11;
	[dreg:$0xa] =	wrdreg s11  }
0x19: {  	s30 =	simm.s32 $0xA;
	s26 =	sadd.s32 $0x2800, s11;
	[dreg:$0xc] =	wrdreg s25  }
0x1a: {  	s14 =	simm.s32 $0x28;
	s28 =	sadd.s32 $0x3C00, s11;
	[dreg:$0xd] =	wrdreg s26  }
0x1b: {  	s17 =	simm.s32 $0x167B0;
	s31 =	sadd.s32 $0x5000, s11;
	[dreg:$0xe] =	wrdreg s28  }
0x1c: {  	s10 =	simm.s32 $0x10;
	s7 =	sadd.s32 $0x6400, s11;
	[dreg:$0xf] =	wrdreg s31  }
0x1d: {  	s16 =	simm.s32 $0x18FD8;
	s8 =	sadd.s32 $0x7800, s11;
	[dreg:$0x10] =	wrdreg s7  }
0x1e: {  	s19 =	simm.s32 $0x1;
	s20 =	sadd.s32 $0x8C00, s11;
	[dreg:$0x11] =	wrdreg s8  }
0x1f: {  	s9 =	simm.s32 $0x167D8;
	s21 =	sadd.s32 $0xA000, s11;
	[dreg:$0x17] =	wrdreg s20  }
0x20: {  	s18 =	simm.s32 $0x1B7D8;
	s22 =	sadd.s32 $0xB400, s11;
	[dreg:$0x18] =	wrdreg s21  }
0x21: {  	s15 =	simm.s32 $0x16760;
	s23 =	sadd.s32 $0xC800, s11;
	[dreg:$0x19] =	wrdreg s22  }
0x22: {  	s24 =	sadd.s32 $0xDC00, s11;
	s29 =	sadd.s32 $0x11800, s11;
	[dreg:$0x1a] =	wrdreg s23  }
0x23: {  	s25 =	sadd.s32 $0x34600, s1;
	[dreg:$0x1b] =	wrdreg s24;
	s26 =	sadd.s32 $0xF000, s11  }
0x24: {  	s28 =	sadd.s32 $0x10400, s11;
	[dreg:$0x1e] =	wrdreg s29;
	s31 =	sadd.s32 $0x12C00, s11  }
0x25: {  	s7 =	simm.s32 $0xB;
	s20 =	simm.s32 $0x3;
	[dreg:$0x1c] =	wrdreg s26  }
0x26: {  	s21 =	simm.s32 $0xD;
	s22 =	simm.s32 $0x5;
	[dreg:$0x1d] =	wrdreg s28  }
0x27: {  	v0 =	vimm.f32 $0.0e+00;
	s1 =	simm.s32 $0x0;
	[dreg:$0x1f] =	wrdreg s31;
	s26 =	simm.s32 $0xF  }
.LBB2_1:
0x28: {  	[smem:$0x7FD] =	sst s1;
	s0 =	simm.s32 $0x0;
	s1 =	simm.s32 $0x200  }
.LBB2_2:
0x29: {  	p0 =	sne.s32 s1, $0x4E00;
	[tilespmem:s0+$0x16848] =	vst v0  }
0x2a: {  	[tilespmem:s0+$0x167D8] =	vst v0  }
0x2b: {  	[tilespmem:s0+$0x167E8] =	vst v0  }
.Ltmp0:
0x2c: {  	[tilespmem:s0+$0x167F8] =	vst v0;
	(pc) =	sbr.rel @p0 .LBB2_2-.Ltmp0, $4  }
0x2d: {  	[tilespmem:s0+$0x16808] =	vst v0  }
0x2e: {  	[tilespmem:s0+$0x16818] =	vst v0  }
0x2f: {  	[tilespmem:s0+$0x16828] =	vst v0  }
0x30: {  	[tilespmem:s0+$0x16838] =	vst v0;
	s0 =	sshra.s32 s1, $0x2;
	s1 =	sadd.s32 $0x200, s1  }
0x31: {  	[tilespmem:s0+$0x16848] =	vst v0  }
0x32: {  	[tilespmem:s0+$0x167D8] =	vst v0  }
0x33: {  	[tilespmem:s0+$0x167E8] =	vst v0  }
0x34: {  	[tilespmem:s0+$0x167F8] =	vst v0  }
0x35: {  	[tilespmem:s0+$0x16808] =	vst v0  }
0x36: {  	[tilespmem:s0+$0x16818] =	vst v0  }
0x37: {  	[tilespmem:s0+$0x16828] =	vst v0  }
0x38: {  	[tilespmem:s0+$0x16838] =	vst v0  }
0x39: {  	[spmem:s11] =	stream.linear.scatter [tilespmem:s9], [sflag:$0x10], $0x1400, $0x38;
	[tilespmem:$0x1CBD8] =	vst v63  }
0x3a: {  	_ =	swait.ge [sflag:s10], $0x1400  }
0x3b: {  	[sflag:s10] =	ssyncset.done $0x0  }
0x3c: {  	s12 =	rddreg [dreg:$0xc];
	[sflag:s10] =	ssyncadd.s32 $0xFFFFEC00  }
0x3d: {  	[spmem:s12] =	stream.linear.scatter [tilespmem:s9], [sflag:$0x10], $0x1400, $0x38;
	[tilespmem:$0x1CBD8] =	vst v63  }
0x3e: {  	_ =	swait.ge [sflag:s10], $0x1400  }
0x3f: {  	[sflag:s10] =	ssyncset.done $0x0  }
0x40: {  	s13 =	rddreg [dreg:$0xd];
	[sflag:s10] =	ssyncadd.s32 $0xFFFFEC00  }
0x41: {  	[spmem:s13] =	stream.linear.scatter [tilespmem:s9], [sflag:$0x10], $0x1400, $0x38;
	[tilespmem:$0x1CBD8] =	vst v63  }
0x42: {  	_ =	swait.ge [sflag:s10], $0x1400  }
0x43: {  	[sflag:s10] =	ssyncset.done $0x0  }
0x44: {  	s23 =	rddreg [dreg:$0xe];
	[sflag:s10] =	ssyncadd.s32 $0xFFFFEC00  }
0x45: {  	[spmem:s23] =	stream.linear.scatter [tilespmem:s9], [sflag:$0x10], $0x1400, $0x38;
	[tilespmem:$0x1CBD8] =	vst v63  }
0x46: {  	_ =	swait.ge [sflag:s10], $0x1400  }
0x47: {  	[sflag:s10] =	ssyncset.done $0x0  }
0x48: {  	s24 =	rddreg [dreg:$0xf];
	[sflag:s10] =	ssyncadd.s32 $0xFFFFEC00  }
0x49: {  	[spmem:s24] =	stream.linear.scatter [tilespmem:s9], [sflag:$0x10], $0x1400, $0x38;
	[tilespmem:$0x1CBD8] =	vst v63  }
0x4a: {  	_ =	swait.ge [sflag:s10], $0x1400  }
0x4b: {  	[sflag:s10] =	ssyncset.done $0x0  }
0x4c: {  	s28 =	rddreg [dreg:$0x10];
	[sflag:s10] =	ssyncadd.s32 $0xFFFFEC00  }
0x4d: {  	[spmem:s28] =	stream.linear.scatter [tilespmem:s9], [sflag:$0x10], $0x1400, $0x38;
	[tilespmem:$0x1CBD8] =	vst v63  }
0x4e: {  	_ =	swait.ge [sflag:s10], $0x1400  }
0x4f: {  	[sflag:s10] =	ssyncset.done $0x0  }
0x50: {  	s29 =	rddreg [dreg:$0x11];
	[sflag:s10] =	ssyncadd.s32 $0xFFFFEC00  }
0x51: {  	[spmem:s29] =	stream.linear.scatter [tilespmem:s9], [sflag:$0x10], $0x1400, $0x38;
	[tilespmem:$0x1CBD8] =	vst v63  }
0x52: {  	_ =	swait.ge [sflag:s10], $0x1400  }
0x53: {  	[sflag:s10] =	ssyncset.done $0x0  }
0x54: {  	s31 =	rddreg [dreg:$0x17];
	[sflag:s10] =	ssyncadd.s32 $0xFFFFEC00  }
0x55: {  	[spmem:s31] =	stream.linear.scatter [tilespmem:s9], [sflag:$0x10], $0x1400, $0x38;
	[tilespmem:$0x1CBD8] =	vst v63  }
0x56: {  	_ =	swait.ge [sflag:s10], $0x1400  }
0x57: {  	[sflag:s10] =	ssyncset.done $0x0  }
0x58: {  	s1 =	rddreg [dreg:$0x18];
	[sflag:s10] =	ssyncadd.s32 $0xFFFFEC00  }
0x59: {  	[spmem:s1] =	stream.linear.scatter [tilespmem:s9], [sflag:$0x10], $0x1400, $0x38;
	[tilespmem:$0x1CBD8] =	vst v63  }
0x5a: {  	_ =	swait.ge [sflag:s10], $0x1400  }
0x5b: {  	[sflag:s10] =	ssyncset.done $0x0  }
0x5c: {  	s2 =	rddreg [dreg:$0x19];
	[sflag:s10] =	ssyncadd.s32 $0xFFFFEC00  }
0x5d: {  	[spmem:s2] =	stream.linear.scatter [tilespmem:s9], [sflag:$0x10], $0x1400, $0x38;
	[tilespmem:$0x1CBD8] =	vst v63  }
0x5e: {  	_ =	swait.ge [sflag:s10], $0x1400  }
0x5f: {  	[sflag:s10] =	ssyncset.done $0x0  }
0x60: {  	s6 =	rddreg [dreg:$0x1a];
	[sflag:s10] =	ssyncadd.s32 $0xFFFFEC00  }
0x61: {  	[spmem:s6] =	stream.linear.scatter [tilespmem:s9], [sflag:$0x10], $0x1400, $0x38;
	[tilespmem:$0x1CBD8] =	vst v63  }
0x62: {  	_ =	swait.ge [sflag:s10], $0x1400  }
0x63: {  	[sflag:s10] =	ssyncset.done $0x0  }
0x64: {  	s8 =	rddreg [dreg:$0x1b];
	[sflag:s10] =	ssyncadd.s32 $0xFFFFEC00  }
0x65: {  	[spmem:s8] =	stream.linear.scatter [tilespmem:s9], [sflag:$0x10], $0x1400, $0x38;
	[tilespmem:$0x1CBD8] =	vst v63  }
0x66: {  	_ =	swait.ge [sflag:s10], $0x1400  }
0x67: {  	[sflag:s10] =	ssyncset.done $0x0  }
0x68: {  	s11 =	rddreg [dreg:$0x1c];
	[sflag:s10] =	ssyncadd.s32 $0xFFFFEC00  }
0x69: {  	[spmem:s11] =	stream.linear.scatter [tilespmem:s9], [sflag:$0x10], $0x1400, $0x38;
	[tilespmem:$0x1CBD8] =	vst v63  }
0x6a: {  	_ =	swait.ge [sflag:s10], $0x1400  }
0x6b: {  	[sflag:s10] =	ssyncset.done $0x0  }
0x6c: {  	s12 =	rddreg [dreg:$0x1d];
	[sflag:s10] =	ssyncadd.s32 $0xFFFFEC00  }
0x6d: {  	[spmem:s12] =	stream.linear.scatter [tilespmem:s9], [sflag:$0x10], $0x1400, $0x38;
	[tilespmem:$0x1CBD8] =	vst v63  }
0x6e: {  	_ =	swait.ge [sflag:s10], $0x1400  }
0x6f: {  	[sflag:s10] =	ssyncset.done $0x0  }
0x70: {  	s13 =	rddreg [dreg:$0x1e];
	[sflag:s10] =	ssyncadd.s32 $0xFFFFEC00  }
0x71: {  	[spmem:s13] =	stream.linear.scatter [tilespmem:s9], [sflag:$0x10], $0x1400, $0x38;
	[tilespmem:$0x1CBD8] =	vst v63  }
0x72: {  	_ =	swait.ge [sflag:s10], $0x1400  }
0x73: {  	[sflag:s10] =	ssyncset.done $0x0  }
0x74: {  	s23 =	rddreg [dreg:$0x1f];
	[sflag:s10] =	ssyncadd.s32 $0xFFFFEC00  }
0x75: {  	[spmem:s23] =	stream.linear.scatter [tilespmem:s9], [sflag:$0x10], $0x1400, $0x38;
	[tilespmem:$0x1CBD8] =	vst v63  }
0x76: {  	_ =	swait.ge [sflag:s10], $0x1400  }
0x77: {  	s1 =	simm.s32 $0x0;
	[sflag:s10] =	ssyncset.done $0x0  }
0x78: {  	s2 =	simm.s32 $0x14000;
	s24 =	rddreg [dreg:$0x4];
	[sflag:s10] =	ssyncadd.s32 $0xFFFFEC00  }
0x79: {  	[tilespmem:s2], [sflag:$0x10] =	stream.linear.gather [hbm4b:s24+s1], $0x2710, $0x38;
	[tilespmem:$0x1CBD8] =	vst v63  }
0x7a: {  	_ =	swait.ge [sflag:s10], $0x2710  }
0x7b: {  	[sflag:s10] =	ssyncset.done $0x0  }
0x7c: {  	[sflag:s10] =	ssyncadd.s32 $0xFFFFD8F0  }
0x7d: {  	[bflag:$0x0] =	sbarrier.arrive $0xFFFF  }
0x7e: {  	s6 =	simm.s32 $0x16710;
	s28 =	rddreg [dreg:$0x5]  }
0x7f: {  	[tilespmem:s6], [sflag:$0xB] =	stream.linear.gather [hbm4b:s28+s1], $0x28, $0x38;
	[tilespmem:$0x1CBD8] =	vst v63  }
0x80: {  	s29 =	rddreg [dreg:$0x6]  }
0x81: {  	[tilespmem:s9], [sflag:$0x1] =	stream.indirect.gather [hbm4b:s5+s14], $0x80, s2, s14, $0xb8;
	[tilespmem:$0x1CBD8] =	vst v63  }
0x82: {  	s31 =	simm.s32 $0x16738;
	s11 =	rddreg [dreg:$0x7]  }
0x83: {  	[tilespmem:s31], [sflag:$0xC] =	stream.linear.gather [hbm4b:s29+s1], $0x28, $0x38;
	[tilespmem:$0x1CBD8] =	vst v63  }
0x84: {  	s8 =	simm.s32 $0x17BD8;
	s13 =	rddreg [dreg:$0x8];
	s6 =	simm.s32 $0x14028  }
0x85: {  	[tilespmem:s8], [sflag:$0x2] =	stream.indirect.gather [hbm4b:s5+s14], $0x80, s6, s14, $0xb8;
	[tilespmem:$0x1CBD8] =	vst v63  }
0x86: {  	s0 =	rddreg [dreg:$0x15]  }
0x87: {  	[tilespmem:s15], [sflag:$0xD] =	stream.linear.gather [hbm4b:s11+s1], $0x28, $0x38;
	[tilespmem:$0x1CBD8] =	vst v63  }
0x88: {  	s12 =	simm.s32 $0x14050;
	s29 =	rddreg [dreg:$0x9]  }
0x89: {  	[tilespmem:s16], [sflag:$0x3] =	stream.indirect.gather [hbm4b:s5+s14], $0x80, s12, s14, $0xb8;
	[tilespmem:$0x1CBD8] =	vst v63  }
0x8a: {  	s23 =	simm.s32 $0x16788;
	s6 =	rddreg [dreg:$0x14]  }
0x8b: {  	[tilespmem:s23], [sflag:$0xE] =	stream.linear.gather [hbm4b:s13+s1], $0x28, $0x38;
	[tilespmem:$0x1CBD8] =	vst v63  }
0x8c: {  	s24 =	simm.s32 $0x14078;
	s28 =	simm.s32 $0x1A3D8;
	s8 =	rddreg [dreg:$0x13]  }
0x8d: {  	[tilespmem:s28], [sflag:$0x4] =	stream.indirect.gather [hbm4b:s5+s14], $0x80, s24, s14, $0xb8;
	[tilespmem:$0x1CBD8] =	vst v63  }
0x8e: {  	s11 =	rddreg [dreg:$0x16]  }
0x8f: {  	[tilespmem:s17], [sflag:$0xF] =	stream.linear.gather [hbm4b:s29+s1], $0x28, $0x38;
	[tilespmem:$0x1CBD8] =	vst v63  }
0x90: {  	s31 =	simm.s32 $0x140A0;
	s23 =	rddreg [dreg:$0x12]  }
0x91: {  	[tilespmem:s18], [sflag:$0x5] =	stream.indirect.gather [hbm4b:s5+s14], $0x80, s31, s14, $0xb8;
	[tilespmem:$0x1CBD8] =	vst v63  }
.LBB2_4:
0x92: {  	_ =	swait.ge [sflag:s19], $0x1400  }
0x93: {  	[sflag:s19] =	ssyncset.done $0x0  }
0x94: {  	[sflag:s19] =	ssyncadd.s32 $0xFFFFEC00  }
0x95: {  	_ =	swait.ge [sflag:s7], $0x28  }
0x96: {  	p0 =	seq.s32 s1, $0x9920;
	[sflag:s7] =	ssyncset.done $0x0  }
0x97: {  	s2 =	simm.s32 $0x16710;
	s24 =	simm.s32 @p0 $0x2;
	[sflag:s7] =	ssyncadd.s32 $0xFFFFFFD8  }
0x98: {  	[spmem:s3] =	stream.indirect.scatter.add.f32 [tilespmem:s9], [sflag:$0x6], $0x80, s2, s14, $0xb8;
	[tilespmem:$0x1CBD8] =	vst v63  }
0x99: {  	_ =	swait.ge @p0 [sflag:s24], $0x1400  }
0x9a: {  	[sflag:s24] =	ssyncset.done @p0 $0x0  }
0x9b: {  	[sflag:s24] =	ssyncadd.s32 @p0 $0xFFFFEC00;
	s24 =	simm.s32 @p0 $0xC  }
0x9c: {  	_ =	swait.ge @p0 [sflag:s24], $0x28  }
0x9d: {  	s12 =	simm.s32 @p0 $0x28;
	[sflag:s24] =	ssyncset.done @p0 $0x0  }
0x9e: {  	s28 =	simm.s32 @p0 $0x17BD8;
	[sflag:s24] =	ssyncadd.s32 @p0 $0xFFFFFFD8;
	s24 =	simm.s32 @p0 $0x16738  }
0x9f: {  	[spmem:s3] =	stream.indirect.scatter.add.f32 @p0 [tilespmem:s28], [sflag:$0x7], $0x80, s24, s12, $0xb8;
	[tilespmem:$0x1CBD8] =	vst v63  }
0xa0: {  	s24 =	simm.s32 @!p0 $0x6  }
0xa1: {  	_ =	swait.ge @!p0 [sflag:s24], $0x1400  }
0xa2: {  	[sflag:s24] =	ssyncset.done @!p0 $0x0  }
0xa3: {  	[sflag:s24] =	ssyncadd.s32 @!p0 $0xFFFFEC00  }
0xa4: {  	s24 =	sshrl.u32 @!p0 s11, $0x3;
	s2 =	rddreg [dreg:$0x1]  }
0xa5: {  	s29 =	simm.s32 @!p0 $0x16710;
	s28 =	simm.s32 @!p0 $0x0;
	s24 =	sadd.s32 @!p0 s2, s24  }
0xa6: {  	[tilespmem:s29], [sflag:$0xB] =	stream.linear.gather @!p0 [hbm4b:s24+s28], $0x28, $0x38;
	[tilespmem:$0x1CBD8] =	vst v63  }
0xa7: {  	s24 =	sshra.s32 @!p0 s1, $0x2  }
0xa8: {  	s2 =	simm.s32 @!p0 $0x167D8;
	s29 =	simm.s32 @!p0 $0x28;
	s31 =	sadd.s32 @!p0 $0x140C8, s24  }
0xa9: {  	[tilespmem:s2], [sflag:$0x1] =	stream.indirect.gather @!p0 [hbm4b:s5+s29], $0x80, s31, s29, $0xb8;
	[tilespmem:$0x1CBD8] =	vst v63  }
0xaa: {  	s2 =	simm.s32 @!p0 $0x2  }
0xab: {  	_ =	swait.ge @!p0 [sflag:s2], $0x1400  }
0xac: {  	[sflag:s2] =	ssyncset.done @!p0 $0x0  }
0xad: {  	[sflag:s2] =	ssyncadd.s32 @!p0 $0xFFFFEC00;
	s2 =	simm.s32 @!p0 $0xC  }
0xae: {  	_ =	swait.ge @!p0 [sflag:s2], $0x28  }
0xaf: {  	s13 =	simm.s32 @!p0 $0x7;
	[sflag:s2] =	ssyncset.done @!p0 $0x0  }
0xb0: {  	s31 =	simm.s32 @!p0 $0x17BD8;
	[sflag:s2] =	ssyncadd.s32 @!p0 $0xFFFFFFD8;
	s2 =	simm.s32 @!p0 $0x16738  }
0xb1: {  	[spmem:s3] =	stream.indirect.scatter.add.f32 @!p0 [tilespmem:s31], [sflag:$0x7], $0x80, s2, s29, $0xb8;
	[tilespmem:$0x1CBD8] =	vst v63  }
0xb2: {  	_ =	swait.ge @!p0 [sflag:s13], $0x1400  }
0xb3: {  	[sflag:s13] =	ssyncset.done @!p0 $0x0  }
0xb4: {  	[sflag:s13] =	ssyncadd.s32 @!p0 $0xFFFFEC00  }
0xb5: {  	[tilespmem:s2], [sflag:$0xC] =	stream.linear.gather @!p0 [hbm4b:s0+s28], $0x28, $0x38;
	[tilespmem:$0x1CBD8] =	vst v63  }
0xb6: {  	s2 =	sadd.s32 @!p0 $0x140F0, s24  }
0xb7: {  	[tilespmem:s31], [sflag:$0x2] =	stream.indirect.gather @!p0 [hbm4b:s5+s29], $0x80, s2, s29, $0xb8;
	[tilespmem:$0x1CBD8] =	vst v63  }
0xb8: {  	_ =	swait.ge [sflag:s20], $0x1400  }
0xb9: {  	[sflag:s20] =	ssyncset.done $0x0  }
0xba: {  	[sflag:s20] =	ssyncadd.s32 $0xFFFFEC00  }
0xbb: {  	_ =	swait.ge [sflag:s21], $0x28  }
0xbc: {  	[sflag:s21] =	ssyncset.done $0x0  }
0xbd: {  	s2 =	simm.s32 @p0 $0x4;
	[sflag:s21] =	ssyncadd.s32 $0xFFFFFFD8  }
0xbe: {  	[spmem:s3] =	stream.indirect.scatter.add.f32 [tilespmem:s16], [sflag:$0x8], $0x80, s15, s14, $0xb8;
	[tilespmem:$0x1CBD8] =	vst v63  }
0xbf: {  	_ =	swait.ge @p0 [sflag:s2], $0x1400  }
0xc0: {  	[sflag:s2] =	ssyncset.done @p0 $0x0  }
0xc1: {  	[sflag:s2] =	ssyncadd.s32 @p0 $0xFFFFEC00;
	s2 =	simm.s32 @p0 $0xE  }
0xc2: {  	_ =	swait.ge @p0 [sflag:s2], $0x28  }
0xc3: {  	[sflag:s2] =	ssyncset.done @p0 $0x0  }
0xc4: {  	s13 =	simm.s32 @p0 $0x1A3D8;
	[sflag:s2] =	ssyncadd.s32 @p0 $0xFFFFFFD8;
	s2 =	simm.s32 @p0 $0x16788  }
0xc5: {  	[spmem:s3] =	stream.indirect.scatter.add.f32 @p0 [tilespmem:s13], [sflag:$0x9], $0x80, s2, s12, $0xb8;
	[tilespmem:$0x1CBD8] =	vst v63  }
0xc6: {  	s2 =	simm.s32 @!p0 $0x8  }
0xc7: {  	_ =	swait.ge @!p0 [sflag:s2], $0x1400  }
0xc8: {  	[sflag:s2] =	ssyncset.done @!p0 $0x0  }
0xc9: {  	[sflag:s2] =	ssyncadd.s32 @!p0 $0xFFFFEC00;
	s2 =	simm.s32 @!p0 $0x16760  }
0xca: {  	[tilespmem:s2], [sflag:$0xD] =	stream.linear.gather @!p0 [hbm4b:s6+s28], $0x28, $0x38;
	[tilespmem:$0x1CBD8] =	vst v63  }
0xcb: {  	s12 =	simm.s32 @!p0 $0x18FD8;
	s2 =	sadd.s32 @!p0 $0x14118, s24  }
0xcc: {  	[tilespmem:s12], [sflag:$0x3] =	stream.indirect.gather @!p0 [hbm4b:s5+s29], $0x80, s2, s29, $0xb8;
	[tilespmem:$0x1CBD8] =	vst v63  }
0xcd: {  	s2 =	simm.s32 @!p0 $0x4  }
0xce: {  	_ =	swait.ge @!p0 [sflag:s2], $0x1400  }
0xcf: {  	[sflag:s2] =	ssyncset.done @!p0 $0x0  }
0xd0: {  	[sflag:s2] =	ssyncadd.s32 @!p0 $0xFFFFEC00;
	s2 =	simm.s32 @!p0 $0xE  }
0xd1: {  	_ =	swait.ge @!p0 [sflag:s2], $0x28  }
0xd2: {  	s13 =	simm.s32 @!p0 $0x9;
	[sflag:s2] =	ssyncset.done @!p0 $0x0  }
0xd3: {  	s12 =	simm.s32 @!p0 $0x1A3D8;
	[sflag:s2] =	ssyncadd.s32 @!p0 $0xFFFFFFD8;
	s2 =	simm.s32 @!p0 $0x16788  }
0xd4: {  	[spmem:s3] =	stream.indirect.scatter.add.f32 @!p0 [tilespmem:s12], [sflag:$0x9], $0x80, s2, s29, $0xb8;
	[tilespmem:$0x1CBD8] =	vst v63  }
0xd5: {  	_ =	swait.ge @!p0 [sflag:s13], $0x1400  }
0xd6: {  	[sflag:s13] =	ssyncset.done @!p0 $0x0  }
0xd7: {  	[sflag:s13] =	ssyncadd.s32 @!p0 $0xFFFFEC00  }
0xd8: {  	[tilespmem:s2], [sflag:$0xE] =	stream.linear.gather @!p0 [hbm4b:s8+s28], $0x28, $0x38;
	[tilespmem:$0x1CBD8] =	vst v63  }
0xd9: {  	s2 =	sadd.s32 @!p0 $0x14140, s24  }
0xda: {  	[tilespmem:s12], [sflag:$0x4] =	stream.indirect.gather @!p0 [hbm4b:s5+s29], $0x80, s2, s29, $0xb8;
	[tilespmem:$0x1CBD8] =	vst v63  }
0xdb: {  	_ =	swait.ge [sflag:s22], $0x1400  }
0xdc: {  	[sflag:s22] =	ssyncset.done $0x0  }
.Ltmp1:
0xdd: {  	[sflag:s22] =	ssyncadd.s32 $0xFFFFEC00;
	(pc) =	sbr.rel @p0 .LBB2_6-.Ltmp1, $4  }
0xde: {  	_ =	swait.ge [sflag:s26], $0x28  }
0xdf: {  	[sflag:s26] =	ssyncset.done $0x0  }
0xe0: {  	[sflag:s26] =	ssyncadd.s32 $0xFFFFFFD8  }
0xe1: {  	[spmem:s3] =	stream.indirect.scatter.add.f32 [tilespmem:s18], [sflag:$0xA], $0x80, s17, s14, $0xb8;
	[tilespmem:$0x1CBD8] =	vst v63  }
0xe2: {  	_ =	swait.ge [sflag:s30], $0x1400;
	s2 =	sshra.s32 s1, $0x2;
	s1 =	sadd.s32 $0x320, s1  }
.Ltmp2:
0xe3: {  	s8 =	sadd.s32 $0x19, s8;
	[sflag:s30] =	ssyncset.done $0x0;
	(pc) =	sbr.rel .LBB2_4-.Ltmp2, $4  }
0xe4: {  	s6 =	sadd.s32 $0x19, s6;
	s0 =	sadd.s32 $0x19, s0;
	[sflag:s30] =	ssyncadd.s32 $0xFFFFEC00  }
0xe5: {  	[tilespmem:s17], [sflag:$0xF] =	stream.linear.gather [hbm4b:s23+s4], $0x28, $0x38;
	[tilespmem:$0x1CBD8] =	vst v63  }
0xe6: {  	s11 =	sadd.s32 $0xC8, s11;
	s2 =	sadd.s32 $0x14168, s2;
	s23 =	sadd.s32 $0x19, s23  }
0xe7: {  	[tilespmem:s18], [sflag:$0x5] =	stream.indirect.gather [hbm4b:s5+s14], $0x80, s2, s14, $0xb8;
	[tilespmem:$0x1CBD8] =	vst v63  }
.LBB2_6:
0xe8: {  	s0 =	simm.s32 $0x6  }
0xe9: {  	_ =	swait.ge [sflag:s0], $0x1400  }
0xea: {  	[sflag:s0] =	ssyncset.done $0x0  }
0xeb: {  	s24 =	simm.s32 $0x7;
	[sflag:s0] =	ssyncadd.s32 $0xFFFFEC00  }
0xec: {  	_ =	swait.ge [sflag:s24], $0x1400  }
0xed: {  	[sflag:s24] =	ssyncset.done $0x0  }
0xee: {  	s28 =	simm.s32 $0x8;
	[sflag:s24] =	ssyncadd.s32 $0xFFFFEC00  }
0xef: {  	_ =	swait.ge [sflag:s28], $0x1400  }
0xf0: {  	[sflag:s28] =	ssyncset.done $0x0  }
0xf1: {  	s29 =	simm.s32 $0x9;
	[sflag:s28] =	ssyncadd.s32 $0xFFFFEC00  }
0xf2: {  	_ =	swait.ge [sflag:s29], $0x1400  }
0xf3: {  	[sflag:s29] =	ssyncset.done $0x0  }
0xf4: {  	[sflag:s29] =	ssyncadd.s32 $0xFFFFEC00  }
0xf5: {  	_ =	swait.ge [sflag:s30], $0x1400  }
0xf6: {  	[sflag:s30] =	ssyncset.done $0x0  }
0xf7: {  	[sflag:s30] =	ssyncadd.s32 $0xFFFFEC00  }
0xf8: {  	[bflag:$0x0] =	sbarrier.arrive $0xFFFF  }
0xf9: {  	s11 =	rddreg [dreg:$0xa]  }
0xfa: {  	[tilespmem:s9], [sflag:$0x10] =	stream.linear.gather [spmem:s11], $0x1400, $0x38;
	[tilespmem:$0x1CBD8] =	vst v63  }
0xfb: {  	_ =	swait.ge [sflag:s10], $0x1400  }
0xfc: {  	[sflag:s10] =	ssyncset.done $0x0  }
0xfd: {  	s31 =	sadd.s32 $0x0, s25;
	[sflag:s10] =	ssyncadd.s32 $0xFFFFEC00  }
0xfe: {  	[hbm4b:s31+s4] =	stream.linear.scatter [tilespmem:s9], [sflag:$0x10], $0x1400, $0x38;
	[tilespmem:$0x1CBD8] =	vst v63  }
0xff: {  	_ =	swait.ge [sflag:s10], $0x1400  }
0x100: {  	s0 =	simm.s32 $0x280;
	s1 =	smov.u32 s11;
	[sflag:s10] =	ssyncset.done $0x0  }
.LBB2_7:
0x101: {  	p0 =	sne.s32 s0, $0x2580;
	[sflag:s10] =	ssyncadd.s32 $0xFFFFEC00;
	s1 =	sadd.s32 $0x1400, s1  }
0x102: {  	[tilespmem:s9], [sflag:$0x10] =	stream.linear.gather [spmem:s1], $0x1400, $0x38;
	[tilespmem:$0x1CBD8] =	vst v63  }
0x103: {  	s2 =	smov.u32 s0;
	s0 =	sadd.s32 $0x280, s0;
	_ =	swait.ge [sflag:s10], $0x1400  }
.Ltmp3:
0x104: {  	[sflag:s10] =	ssyncset.done $0x0;
	(pc) =	sbr.rel @p0 .LBB2_7-.Ltmp3, $4  }
0x105: {  	s2 =	sadd.s32 s2, s25;
	[sflag:s10] =	ssyncadd.s32 $0xFFFFEC00  }
0x106: {  	[hbm4b:s2+s4] =	stream.linear.scatter [tilespmem:s9], [sflag:$0x10], $0x1400, $0x38;
	[tilespmem:$0x1CBD8] =	vst v63  }
0x107: {  	_ =	swait.ge [sflag:s10], $0x1400  }
0x108: {  	[sflag:s10] =	ssyncset.done $0x0  }
0x109: {  	s1 =	sld [smem:$0x7FD];
	_ =	sdelay $0x2  }
0x10a: {  	s0 =	rddreg [dreg:$0xb];
	s1 =	sadd.s32 $0x1, s1  }
0x10b: {  	p0 =	sne.s32 s1, s0  }
.Ltmp4:
0x10c: {  	_ = 	snop;
	(pc) =	sbr.rel @p0 .LBB2_1-.Ltmp4, $2  }
0x10d: {  	_ =	sdelay $0x2  }
0x10e: {  	[sflag:s10] =	ssyncadd.s32 $0xFFFFEC00  }
0x10f: {  	_ =	sfence.sel $0x180000  }
0x110: {  	[bflag:$0x0] =	sbarrier.arrive $0xFFFF  }
0x111: {  	_ =	strace $0x9000004A  }
0x112: {  	s0 =	stileid.u32;
	[bflag:$0x2] =	sbarrier.arrive $0xFFFF  }
0x113: {  	p0 =	sne.s32 s0, $0x0;
	s0 =	rddreg [dreg:$0x3]  }
0x114: {  	s0 =	sadd.s32 @!p0 $0x100000, s0  }
0x115: {  	[sflag:s0] =	ssyncadd.tile.s32 @!p0 $0x1;
	_ =	shalt  }
.Lfunc_end2:
_tile_overlayer_lowered:
.L_overlay_start_2:
0x116: {  	(tag) =	ssettag $0x2  }
0x117: {  	s0 =	rddreg [dreg:$0x0];
	s2 =	stileid.u32  }
0x118: {  	s1 =	rddreg [dreg:$0x1];
	p0 =	sne.s32 s2, $0x0  }
0x119: {  	s3 =	rddreg [dreg:$0x2];
	[bflag:$0x3] =	sbarrier.arrive $0xFFFF;
	s2 =	simm.s32 @!p0 $0x1C10  }
0x11a: {  	[timem:s3], [sflag:s2] =	dma.local @!p0 [hbm:s0], s1  }
0x11b: {  	s0 =	simm.s32 @!p0 $0x10  }
0x11c: {  	_ =	swait.ge @!p0 [sflag:s0], s1  }
0x11d: {  	s1 =	ssub.s32 @!p0 $0x0, s1;
	[sflag:s0] =	ssyncset.done @!p0 $0x0  }
0x11e: {  	[sflag:s0] =	ssyncadd.s32 @!p0 s1  }
0x11f: {  	[bflag:$0x3] =	sbarrier.arrive $0xFFFF  }
0x120: {  	_ =	shalt  }

// kernel: kernel.14.cloned.1.call-start
scs
__scs_entry_jumppad:
0x0: {  	(pc) =	sbr.rel $0x88, $3  }
0x1: {  	(tag) =	ssettag $0x0;
	lr =	simm.s32 $0x1  }
0x2: {  	[smem:$0x3F8F] =	sst lr;
	_ =	strace $0xD0000000  }
0x3: {  	_ = 	snop  }
0x4: {  	_ = 	snop  }
0x5: {  	_ = 	snop  }
0x6: {  	_ = 	snop  }
0x7: {  	_ = 	snop  }
__scs_overlays_trampoline_lowered:
0x8: {  	[smem:$0x3F9E] =	sst s0  }
0x9: {  	[smem:$0x3F9F] =	sst s1  }
0xa: {  	[smem:$0x3FA0] =	sst s2  }
0xb: {  	[smem:$0x3FA1] =	sst s3  }
0xc: {  	[smem:$0x3FA2] =	sst s4  }
0xd: {  	[smem:$0x3FA3] =	sst s5  }
0xe: {  	[smem:$0x3FA4] =	sst s6  }
0xf: {  	[smem:$0x3FA5] =	sst s7  }
0x10: {  	[smem:$0x3FA6] =	sst s8  }
0x11: {  	[smem:$0x3FA7] =	sst s9;
	s0 =	simm.s32 @!p0 $0x0  }
0x12: {  	s1 =	sld [smem:$0x3F8D];
	s0 =	simm.s32 @p0 $0x1  }
0x13: {  	[smem:$0x3FA8] =	sst s0;
	s0 =	simm.s32 @!p1 $0x0  }
0x14: {  	s2 =	sld [smem:$0x3F8C];
	s0 =	simm.s32 @p1 $0x1  }
0x15: {  	[smem:$0x3FA9] =	sst s0;
	s0 =	simm.s32 @!p2 $0x0  }
0x16: {  	s3 =	sld [smem:$0x3FDB];
	s0 =	simm.s32 @p2 $0x1  }
0x17: {  	s4 =	simm.s32 $0x1BF5;
	[smem:$0x3FAB] =	sst s0  }
0x18: {  	s0 =	sld [smem:$0x3F8E];
	_ =	swait.ge [sflag:s4], $0x0  }
0x19: {  	s7 =	sld [smem:$0x3F8F]  }
0x1a: {  	s8 =	sadd.s32 $0xFFFFE003, lr  }
0x1b: {  	s9 =	sadd.s32 $0xFFFFFEF7, lr;
	s5 =	simm.s32 $0xFFFFFFFF;
	p2 =	slt.u32 s8, $0xFFFFF086  }
0x1c: {  	p1 =	slt.u32 s9, $0xF7A;
	s5 =	simm.s32 @!p2 $0x0  }
0x1d: {  	s5 =	simm.s32 @p1 $0x1;
	p0 =	seq.s32 s7, s2  }
0x1e: {  	s7 =	smul.u32 @!p0 $0xF7A, s2;
	p2 =	seq.s32 @!p0 s5, $0x0  }
0x1f: {  	s9 =	smul.u32 $0xF7A, s1;
	s8 =	simm.s32 @!p0 $0x1BF5;
	p2 =	por !p2, p0  }
0x20: {  	[sflag:s8] =	ssyncset.s32 @!p0 $0xFFFFF086;
	s6 =	sadd.s32 @!p0 s3, s7;
	s7 =	simm.s32 @!p0 $0x108  }
0x21: {  	s3 =	sadd.s32 s3, s9;
	s6 =	sadd.s32 @!p0 $0x88, s6;
	s7 =	simm.s32 @p2 $0x1082  }
0x22: {  	[simem:s7], [sflag:s8] =	dma.local @!p0 [hbm:s6], $0xF7A  }
0x23: {  	s9 =	sor.u32 $0xD0000000, s2;
	s6 =	simm.s32 $0x108;
	_ =	swait.ge @!p0 [sflag:s8], $0x0  }
0x24: {  	s3 =	sadd.s32 $0x88, s3;
	s6 =	simm.s32 @!p1 $0x1082;
	[sflag:s4] =	ssyncset.s32 $0xFFFFF086  }
0x25: {  	[simem:s6], [sflag:s4] =	dma.local [hbm:s3], $0xF7A  }
0x26: {  	[smem:$0x3F8F] =	sst s1;
	(tag) =	ssettag s2;
	_ =	strace s9  }
0x27: {  	s1 =	sld [smem:$0x3F9F]  }
0x28: {  	s2 =	sld [smem:$0x3FA0]  }
0x29: {  	s4 =	sld [smem:$0x3FA2]  }
0x2a: {  	p0 =	seq.s32 s5, $0x0;
	s5 =	sld [smem:$0x3FA3]  }
0x2b: {  	s6 =	sld [smem:$0x3FA4]  }
0x2c: {  	s7 =	sld [smem:$0x3FA5]  }
0x2d: {  	s3 =	simm.s32 $0x108;
	s8 =	sld [smem:$0x3FA6]  }
0x2e: {  	s3 =	simm.s32 @!p0 $0x1082;
	s9 =	sld [smem:$0x3FA7]  }
0x2f: {  	lr =	sadd.s32 s0, s3;
	s0 =	sld [smem:$0x3F9E]  }
0x30: {  	s3 =	sld [smem:$0x3FA1]  }
0x31: {  	[smem:$0x3FAA] =	sst s10  }
0x32: {  	s10 =	sld [smem:$0x3FA8];
	_ =	sdelay $0x3  }
0x33: {  	p0 =	seq.s32 s10, $0x1;
	s10 =	sld [smem:$0x3FAA];
	_ =	sdelay $0x3  }
0x34: {  	[smem:$0x3FAA] =	sst s10  }
0x35: {  	s10 =	sld [smem:$0x3FA9];
	_ =	sdelay $0x3  }
0x36: {  	p1 =	seq.s32 s10, $0x1;
	s10 =	sld [smem:$0x3FAA];
	_ =	sdelay $0x3  }
0x37: {  	[smem:$0x3FAA] =	sst s10  }
0x38: {  	s10 =	sld [smem:$0x3FAB]  }
0x39: {  	_ = 	snop;
	(pc) =	sbr.ind lr, $3  }
0x3a: {  	_ = 	snop  }
0x3b: {  	_ = 	snop  }
0x3c: {  	p2 =	seq.s32 s10, $0x1;
	s10 =	sld [smem:$0x3FAA]  }
0x3d: {  	_ =	shalt  }
0x3e: {  	_ =	shalt  }
0x3f: {  	_ =	shalt  }
0x40: {  	_ =	shalt  }
0x41: {  	_ =	shalt  }
0x42: {  	_ =	shalt  }
0x43: {  	_ =	shalt  }
0x44: {  	_ =	shalt  }
0x45: {  	_ =	shalt  }
0x46: {  	_ =	shalt  }
0x47: {  	_ =	shalt  }
0x48: {  	_ =	shalt  }
0x49: {  	_ =	shalt  }
0x4a: {  	_ =	shalt  }
0x4b: {  	_ =	shalt  }
0x4c: {  	_ =	shalt  }
0x4d: {  	_ =	shalt  }
0x4e: {  	_ =	shalt  }
0x4f: {  	_ =	shalt  }
0x50: {  	_ =	shalt  }
0x51: {  	_ =	shalt  }
0x52: {  	_ =	shalt  }
0x53: {  	_ =	shalt  }
0x54: {  	_ =	shalt  }
0x55: {  	_ =	shalt  }
0x56: {  	_ =	shalt  }
0x57: {  	_ =	shalt  }
0x58: {  	_ =	shalt  }
0x59: {  	_ =	shalt  }
0x5a: {  	_ =	shalt  }
0x5b: {  	_ =	shalt  }
0x5c: {  	_ =	shalt  }
0x5d: {  	_ =	shalt  }
0x5e: {  	_ =	shalt  }
0x5f: {  	_ =	shalt  }
0x60: {  	_ =	shalt  }
0x61: {  	_ =	shalt  }
0x62: {  	_ =	shalt  }
0x63: {  	_ =	shalt  }
0x64: {  	_ =	shalt  }
0x65: {  	_ =	shalt  }
0x66: {  	_ =	shalt  }
0x67: {  	_ =	shalt  }
0x68: {  	_ =	shalt  }
0x69: {  	_ =	shalt  }
0x6a: {  	_ =	shalt  }
0x6b: {  	_ =	shalt  }
0x6c: {  	_ =	shalt  }
0x6d: {  	_ =	shalt  }
0x6e: {  	_ =	shalt  }
0x6f: {  	_ =	shalt  }
0x70: {  	_ =	shalt  }
0x71: {  	_ =	shalt  }
0x72: {  	_ =	shalt  }
0x73: {  	_ =	shalt  }
0x74: {  	_ =	shalt  }
0x75: {  	_ =	shalt  }
0x76: {  	_ =	shalt  }
0x77: {  	_ =	shalt  }
0x78: {  	_ =	shalt  }
0x79: {  	_ =	shalt  }
0x7a: {  	_ =	shalt  }
0x7b: {  	_ =	shalt  }
0x7c: {  	_ =	shalt  }
0x7d: {  	_ =	shalt  }
0x7e: {  	_ =	shalt  }
0x7f: {  	_ =	shalt  }
0x80: {  	_ =	shalt  }
0x81: {  	_ =	shalt  }
0x82: {  	_ =	shalt  }
0x83: {  	_ =	shalt  }
0x84: {  	_ =	shalt  }
0x85: {  	_ =	shalt  }
0x86: {  	_ =	shalt  }
0x87: {  	_ =	shalt  }
.Lfunc_end0:
.L_simem_size_0:
called_computation.2_lowered:
.L_overlay_start_0:
0x88: {  	s2 =	sld [smem:$0x3FD9]  }
0x89: {  	s3 =	sld [smem:$0x3FFE];
	_ =	sdelay $0x1  }
0x8a: {  	s1 =	srdreg.scid  }
0x8b: {  	s0 =	sand.u32 $0x1, s1  }
0x8c: {  	s17 =	sshll.u32 s0, $0xA;
	s2 =	sadd.s32 s3, s2  }
0x8d: {  	s2 =	sadd.s32 s2, s17  }
0x8e: {  	[smem:$0x3FB6] =	sst s2  }
0x8f: {  	_ = 	snop  }
0x90: {  	s2 =	sld [smem:$0x3FD0];
	(tm) =	ssettm $0x1  }
0x91: {  	s18 =	sld [smem:$0x3FFB];
	_ =	sdelay $0x3  }
0x92: {  	_ =	strace s18  }
0x93: {  	s3 =	sld [smem:$0x3FFC];
	_ =	sdelay $0x3  }
0x94: {  	_ =	strace s3  }
0x95: {  	s3 =	sld [smem:$0x3FFD];
	_ =	sdelay $0x3  }
0x96: {  	_ =	strace s3  }
0x97: {  	_ =	strace $0x8FFFFFFF  }
0x98: {  	s19 =	sld [smem:$0x3FDB];
	_ =	sdelay $0x1  }
0x99: {  	s4 =	simm.s32 $_scs_section_size  }
0x9a: {  	s5 =	simm.s32 $_size__tile_overlayer_lowered;
	s6 =	simm.s32 $_tile_overlayer_lowered  }
0x9b: {  	s22 =	simm.s32 $0x1BFF;
	s21 =	sshll.u32 s6, $0x1;
	s3 =	sadd.s32 s4, s19  }
0x9c: {  	s7 =	simm.s32 $0x0;
	s20 =	sshll.u32 s5, $0x1;
	s5 =	sadd.s32 s21, s3  }
0x9d: {  	[timem:s7], [sflag:s22] =	dma.local [hbm:s5], s20  }
0x9e: {  	_ =	swait.ge [sflag:s22], s20  }
0x9f: {  	s4 =	ssub.s32 $0x0, s20;
	[sflag:s22] =	ssyncset.done $0x0  }
0xa0: {  	[sflag:s22] =	ssyncadd.s32 s4;
	_ =	sdelay $0x1  }
0xa1: {  	s23 =	simm.s32 $0x1B8B  }
0xa2: {  	_ =	swait.ge [sflag:s23], $0x1  }
0xa3: {  	[sflag:s23] =	ssyncset.done $0x0  }
0xa4: {  	s25 =	simm.s32 $0x1B8E;
	s24 =	sld [smem:$0x3FFE];
	[sflag:s23] =	ssyncadd.s32 $0xFFFFFFFF  }
0xa5: {  	s26 =	simm.s32 $execute0_lowered;
	[smem:$0x3FD2] =	sst s25  }
0xa6: {  	s5 =	sshll.u32 s26, $0x1;
	_ =	strace $0x8000004C;
	[dreg:$0x1] =	wrdreg $0xFFFFFFFF  }
0xa7: {  	s28 =	simm.s32 $_size_execute0_lowered;
	s3 =	sadd.s32 s3, s5;
	[dreg:$0x0] =	wrdreg $0x0  }
0xa8: {  	s5 =	sshll.u32 s28, $0x1;
	[dreg:$0x2] =	wrdreg s3  }
0xa9: {  	[dreg:$0x3] =	wrdreg s5  }
0xaa: {  	[dreg:$0x4] =	wrdreg $0xC0  }
0xab: {  	_ =	task [dreg:s7], $0x5FFFF  }
0xac: {  	[dreg:$0x1] =	wrdreg $0xFFFFFFFF  }
0xad: {  	[dreg:$0x0] =	wrdreg $0x60  }
0xae: {  	[dreg:$0x2] =	wrdreg s24  }
0xaf: {  	[dreg:$0x3] =	wrdreg s2  }
0xb0: {  	[dreg:$0x4] =	wrdreg $0x0  }
0xb1: {  	[dreg:$0x5] =	wrdreg $0x9  }
0xb2: {  	_ =	task.clear_ibuf [dreg:s7], $0x6FFFF;
	_ =	strace $0x9000004C  }
0xb3: {  	s29 =	simm.s32 $0x9;
	_ =	strace $0x8000004E  }
0xb4: {  	_ =	swait.ge [sflag:s29], $0x1  }
0xb5: {  	[sflag:s29] =	ssyncadd.s32 $0xFFFFFFFF  }
0xb6: {  	_ =	strace $0x9000004E  }
0xb7: {  	_ =	sfence  }
0xb8: {  	s30 =	sld [smem:$0x0];
	_ =	sdelay $0x2  }
0xb9: {  	s31 =	sshll.u32 s1, $0xD;
	s1 =	sshrl.u32 s1, $0x2  }
0xba: {  	s3 =	sand.u32 $0x4000, s31;
	s1 =	sadd.s32 s1, s30  }
0xbb: {  	s0 =	sor.u32 s3, s0;
	s1 =	sshll.u32 s1, $0x11  }
0xbc: {  	s0 =	sor.u32 s1, s0  }
0xbd: {  	s0 =	sadd.s32 $0x8F2B, s0  }
0xbe: {  	[sflag:s0] =	ssyncadd.remote.s32 $0x1  }
0xbf: {  	_ =	sfence.sel $0xFFFF  }
0xc0: {  	[dreg:$0x0] =	wrdreg $0xFFFFFFFF;
	(pc) =	sbr.abs _section_cstart, $3  }
0xc1: {  	[dreg:$0x1] =	wrdreg $0xFFFFFFFF  }
0xc2: {  	_ =	task.clear_ibuf [dreg:s7], $0x2FFFF;
	_ =	strace $0x9FFFFFFF  }
0xc3: {  	(tm) =	ssettm $0x7FFFFFFF  }
tec
execute0_lowered:
.L_overlay_start_1:
0x0: {  	(tag) =	ssettag $0x1  }
0x1: {  	s0 =	srdreg.scid;
	s2 =	stileid.u32  }
0x2: {  	s1 =	rddreg [dreg:$0x0];
	s8 =	smul.u32 $0x14000, s2  }
0x3: {  	s12 =	rddreg [dreg:$0x1];
	s0 =	sand.u32 $0x1, s0;
	s21 =	smul.u32 $0x2710, s2  }
0x4: {  	s5 =	sadd.s32 $0xD400, s1;
	s3 =	sshll.u32 s0, $0x4;
	s7 =	smul.u32 $0x140000, s0  }
0x5: {  	s10 =	ssub.s32 $0x2, s0;
	s0 =	smul.u32 $0x27100, s0;
	s4 =	sor.u32 s2, s3  }
0x6: {  	s3 =	rddreg [dreg:$0x2];
	s17 =	sshrl.u32 s10, $0x1;
	s6 =	smul.u32 $0x2710, s4  }
0x7: {  	s4 =	simm.s32 $0x0;
	s7 =	sadd.s32 s8, s7;
	s0 =	sadd.s32 s21, s0  }
0x8: {  	[smem:$0x7FF] =	sst s4;
	s7 =	sshrl.u32 s7, $0x3;
	s29 =	sadd.s32 $0x168, s0  }
0x9: {  	s13 =	sadd.s32 $0x118, s0;
	s14 =	sadd.s32 $0xF0, s0;
	s9 =	sshrl.u32 s6, $0x3  }
0xa: {  	_ =	strace $0x8000004D;
	s11 =	sadd.s32 $0x28, s6;
	s16 =	sadd.s32 s9, s1  }
0xb: {  	s1 =	sadd.s32 s7, s1;
	s7 =	ssub.s32 s10, s17;
	s19 =	sadd.s32 s12, s9  }
0xc: {  	s10 =	sadd.s32 $0x140, s0;
	s0 =	sadd.s32 $0xC8, s0;
	[dreg:$0x5] =	wrdreg s19  }
0xd: {  	s6 =	sadd.s32 $0x78, s6;
	s8 =	sadd.s32 $0x3600, s16;
	[dreg:$0x16] =	wrdreg s0  }
0xe: {  	s6 =	sshrl.u32 s6, $0x3;
	s9 =	sadd.s32 $0xA, s19;
	[dreg:$0x4] =	wrdreg s8  }
0xf: {  	s22 =	sadd.s32 s12, s6;
	[dreg:$0x7] =	wrdreg s9  }
0x10: {  	s20 =	smul.u32 $0x50000, s2;
	s23 =	sadd.s32 $0x14, s19;
	[dreg:$0x8] =	wrdreg s22  }
0x11: {  	s17 =	sshrl.u32 s14, $0x3;
	s24 =	smax.u32 s7, $0x1;
	[dreg:$0x9] =	wrdreg s23  }
0x12: {  	s18 =	sshrl.u32 s11, $0x3;
	s19 =	sadd.s32 s17, s12;
	[dreg:$0xb] =	wrdreg s24  }
0x13: {  	s6 =	sshrl.u32 s29, $0x3;
	s8 =	sadd.s32 s12, s18;
	[dreg:$0x15] =	wrdreg s19  }
0x14: {  	s16 =	sshrl.u32 s13, $0x3;
	s9 =	sadd.s32 s6, s12;
	[dreg:$0x6] =	wrdreg s8  }
0x15: {  	s6 =	sshrl.u32 s10, $0x3;
	s18 =	sadd.s32 s16, s12;
	[dreg:$0x12] =	wrdreg s9  }
0x16: {  	s8 =	sshrl.u32 s20, $0x2;
	s15 =	sadd.s32 s6, s12;
	[dreg:$0x14] =	wrdreg s18  }
0x17: {  	s11 =	sadd.s32 s8, s3;
	[dreg:$0x13] =	wrdreg s15  }
0x18: {  	s25 =	sadd.s32 $0x1400, s11;
	[dreg:$0xa] =	wrdreg s11  }
0x19: {  	s30 =	simm.s32 $0xA;
	s26 =	sadd.s32 $0x2800, s11;
	[dreg:$0xc] =	wrdreg s25  }
0x1a: {  	s14 =	simm.s32 $0x28;
	s28 =	sadd.s32 $0x3C00, s11;
	[dreg:$0xd] =	wrdreg s26  }
0x1b: {  	s17 =	simm.s32 $0x167B0;
	s31 =	sadd.s32 $0x5000, s11;
	[dreg:$0xe] =	wrdreg s28  }
0x1c: {  	s10 =	simm.s32 $0x10;
	s7 =	sadd.s32 $0x6400, s11;
	[dreg:$0xf] =	wrdreg s31  }
0x1d: {  	s16 =	simm.s32 $0x18FD8;
	s8 =	sadd.s32 $0x7800, s11;
	[dreg:$0x10] =	wrdreg s7  }
0x1e: {  	s19 =	simm.s32 $0x1;
	s20 =	sadd.s32 $0x8C00, s11;
	[dreg:$0x11] =	wrdreg s8  }
0x1f: {  	s9 =	simm.s32 $0x167D8;
	s21 =	sadd.s32 $0xA000, s11;
	[dreg:$0x17] =	wrdreg s20  }
0x20: {  	s18 =	simm.s32 $0x1B7D8;
	s22 =	sadd.s32 $0xB400, s11;
	[dreg:$0x18] =	wrdreg s21  }
0x21: {  	s15 =	simm.s32 $0x16760;
	s23 =	sadd.s32 $0xC800, s11;
	[dreg:$0x19] =	wrdreg s22  }
0x22: {  	s24 =	sadd.s32 $0xDC00, s11;
	s29 =	sadd.s32 $0x11800, s11;
	[dreg:$0x1a] =	wrdreg s23  }
0x23: {  	s25 =	sadd.s32 $0x35400, s1;
	[dreg:$0x1b] =	wrdreg s24;
	s26 =	sadd.s32 $0xF000, s11  }
0x24: {  	s28 =	sadd.s32 $0x10400, s11;
	[dreg:$0x1e] =	wrdreg s29;
	s31 =	sadd.s32 $0x12C00, s11  }
0x25: {  	s7 =	simm.s32 $0xB;
	s20 =	simm.s32 $0x3;
	[dreg:$0x1c] =	wrdreg s26  }
0x26: {  	s21 =	simm.s32 $0xD;
	s22 =	simm.s32 $0x5;
	[dreg:$0x1d] =	wrdreg s28  }
0x27: {  	v0 =	vimm.f32 $0.0e+00;
	s1 =	simm.s32 $0x0;
	[dreg:$0x1f] =	wrdreg s31;
	s26 =	simm.s32 $0xF  }
.LBB2_1:
0x28: {  	[smem:$0x7FD] =	sst s1;
	s0 =	simm.s32 $0x0;
	s1 =	simm.s32 $0x200  }
.LBB2_2:
0x29: {  	p0 =	sne.s32 s1, $0x4E00;
	[tilespmem:s0+$0x16848] =	vst v0  }
0x2a: {  	[tilespmem:s0+$0x167D8] =	vst v0  }
0x2b: {  	[tilespmem:s0+$0x167E8] =	vst v0  }
.Ltmp0:
0x2c: {  	[tilespmem:s0+$0x167F8] =	vst v0;
	(pc) =	sbr.rel @p0 .LBB2_2-.Ltmp0, $4  }
0x2d: {  	[tilespmem:s0+$0x16808] =	vst v0  }
0x2e: {  	[tilespmem:s0+$0x16818] =	vst v0  }
0x2f: {  	[tilespmem:s0+$0x16828] =	vst v0  }
0x30: {  	[tilespmem:s0+$0x16838] =	vst v0;
	s0 =	sshra.s32 s1, $0x2;
	s1 =	sadd.s32 $0x200, s1  }
0x31: {  	[tilespmem:s0+$0x16848] =	vst v0  }
0x32: {  	[tilespmem:s0+$0x167D8] =	vst v0  }
0x33: {  	[tilespmem:s0+$0x167E8] =	vst v0  }
0x34: {  	[tilespmem:s0+$0x167F8] =	vst v0  }
0x35: {  	[tilespmem:s0+$0x16808] =	vst v0  }
0x36: {  	[tilespmem:s0+$0x16818] =	vst v0  }
0x37: {  	[tilespmem:s0+$0x16828] =	vst v0  }
0x38: {  	[tilespmem:s0+$0x16838] =	vst v0  }
0x39: {  	[spmem:s11] =	stream.linear.scatter [tilespmem:s9], [sflag:$0x10], $0x1400, $0x38;
	[tilespmem:$0x1CBD8] =	vst v63  }
0x3a: {  	_ =	swait.ge [sflag:s10], $0x1400  }
0x3b: {  	[sflag:s10] =	ssyncset.done $0x0  }
0x3c: {  	s12 =	rddreg [dreg:$0xc];
	[sflag:s10] =	ssyncadd.s32 $0xFFFFEC00  }
0x3d: {  	[spmem:s12] =	stream.linear.scatter [tilespmem:s9], [sflag:$0x10], $0x1400, $0x38;
	[tilespmem:$0x1CBD8] =	vst v63  }
0x3e: {  	_ =	swait.ge [sflag:s10], $0x1400  }
0x3f: {  	[sflag:s10] =	ssyncset.done $0x0  }
0x40: {  	s13 =	rddreg [dreg:$0xd];
	[sflag:s10] =	ssyncadd.s32 $0xFFFFEC00  }
0x41: {  	[spmem:s13] =	stream.linear.scatter [tilespmem:s9], [sflag:$0x10], $0x1400, $0x38;
	[tilespmem:$0x1CBD8] =	vst v63  }
0x42: {  	_ =	swait.ge [sflag:s10], $0x1400  }
0x43: {  	[sflag:s10] =	ssyncset.done $0x0  }
0x44: {  	s23 =	rddreg [dreg:$0xe];
	[sflag:s10] =	ssyncadd.s32 $0xFFFFEC00  }
0x45: {  	[spmem:s23] =	stream.linear.scatter [tilespmem:s9], [sflag:$0x10], $0x1400, $0x38;
	[tilespmem:$0x1CBD8] =	vst v63  }
0x46: {  	_ =	swait.ge [sflag:s10], $0x1400  }
0x47: {  	[sflag:s10] =	ssyncset.done $0x0  }
0x48: {  	s24 =	rddreg [dreg:$0xf];
	[sflag:s10] =	ssyncadd.s32 $0xFFFFEC00  }
0x49: {  	[spmem:s24] =	stream.linear.scatter [tilespmem:s9], [sflag:$0x10], $0x1400, $0x38;
	[tilespmem:$0x1CBD8] =	vst v63  }
0x4a: {  	_ =	swait.ge [sflag:s10], $0x1400  }
0x4b: {  	[sflag:s10] =	ssyncset.done $0x0  }
0x4c: {  	s28 =	rddreg [dreg:$0x10];
	[sflag:s10] =	ssyncadd.s32 $0xFFFFEC00  }
0x4d: {  	[spmem:s28] =	stream.linear.scatter [tilespmem:s9], [sflag:$0x10], $0x1400, $0x38;
	[tilespmem:$0x1CBD8] =	vst v63  }
0x4e: {  	_ =	swait.ge [sflag:s10], $0x1400  }
0x4f: {  	[sflag:s10] =	ssyncset.done $0x0  }
0x50: {  	s29 =	rddreg [dreg:$0x11];
	[sflag:s10] =	ssyncadd.s32 $0xFFFFEC00  }
0x51: {  	[spmem:s29] =	stream.linear.scatter [tilespmem:s9], [sflag:$0x10], $0x1400, $0x38;
	[tilespmem:$0x1CBD8] =	vst v63  }
0x52: {  	_ =	swait.ge [sflag:s10], $0x1400  }
0x53: {  	[sflag:s10] =	ssyncset.done $0x0  }
0x54: {  	s31 =	rddreg [dreg:$0x17];
	[sflag:s10] =	ssyncadd.s32 $0xFFFFEC00  }
0x55: {  	[spmem:s31] =	stream.linear.scatter [tilespmem:s9], [sflag:$0x10], $0x1400, $0x38;
	[tilespmem:$0x1CBD8] =	vst v63  }
0x56: {  	_ =	swait.ge [sflag:s10], $0x1400  }
0x57: {  	[sflag:s10] =	ssyncset.done $0x0  }
0x58: {  	s1 =	rddreg [dreg:$0x18];
	[sflag:s10] =	ssyncadd.s32 $0xFFFFEC00  }
0x59: {  	[spmem:s1] =	stream.linear.scatter [tilespmem:s9], [sflag:$0x10], $0x1400, $0x38;
	[tilespmem:$0x1CBD8] =	vst v63  }
0x5a: {  	_ =	swait.ge [sflag:s10], $0x1400  }
0x5b: {  	[sflag:s10] =	ssyncset.done $0x0  }
0x5c: {  	s2 =	rddreg [dreg:$0x19];
	[sflag:s10] =	ssyncadd.s32 $0xFFFFEC00  }
0x5d: {  	[spmem:s2] =	stream.linear.scatter [tilespmem:s9], [sflag:$0x10], $0x1400, $0x38;
	[tilespmem:$0x1CBD8] =	vst v63  }
0x5e: {  	_ =	swait.ge [sflag:s10], $0x1400  }
0x5f: {  	[sflag:s10] =	ssyncset.done $0x0  }
0x60: {  	s6 =	rddreg [dreg:$0x1a];
	[sflag:s10] =	ssyncadd.s32 $0xFFFFEC00  }
0x61: {  	[spmem:s6] =	stream.linear.scatter [tilespmem:s9], [sflag:$0x10], $0x1400, $0x38;
	[tilespmem:$0x1CBD8] =	vst v63  }
0x62: {  	_ =	swait.ge [sflag:s10], $0x1400  }
0x63: {  	[sflag:s10] =	ssyncset.done $0x0  }
0x64: {  	s8 =	rddreg [dreg:$0x1b];
	[sflag:s10] =	ssyncadd.s32 $0xFFFFEC00  }
0x65: {  	[spmem:s8] =	stream.linear.scatter [tilespmem:s9], [sflag:$0x10], $0x1400, $0x38;
	[tilespmem:$0x1CBD8] =	vst v63  }
0x66: {  	_ =	swait.ge [sflag:s10], $0x1400  }
0x67: {  	[sflag:s10] =	ssyncset.done $0x0  }
0x68: {  	s11 =	rddreg [dreg:$0x1c];
	[sflag:s10] =	ssyncadd.s32 $0xFFFFEC00  }
0x69: {  	[spmem:s11] =	stream.linear.scatter [tilespmem:s9], [sflag:$0x10], $0x1400, $0x38;
	[tilespmem:$0x1CBD8] =	vst v63  }
0x6a: {  	_ =	swait.ge [sflag:s10], $0x1400  }
0x6b: {  	[sflag:s10] =	ssyncset.done $0x0  }
0x6c: {  	s12 =	rddreg [dreg:$0x1d];
	[sflag:s10] =	ssyncadd.s32 $0xFFFFEC00  }
0x6d: {  	[spmem:s12] =	stream.linear.scatter [tilespmem:s9], [sflag:$0x10], $0x1400, $0x38;
	[tilespmem:$0x1CBD8] =	vst v63  }
0x6e: {  	_ =	swait.ge [sflag:s10], $0x1400  }
0x6f: {  	[sflag:s10] =	ssyncset.done $0x0  }
0x70: {  	s13 =	rddreg [dreg:$0x1e];
	[sflag:s10] =	ssyncadd.s32 $0xFFFFEC00  }
0x71: {  	[spmem:s13] =	stream.linear.scatter [tilespmem:s9], [sflag:$0x10], $0x1400, $0x38;
	[tilespmem:$0x1CBD8] =	vst v63  }
0x72: {  	_ =	swait.ge [sflag:s10], $0x1400  }
0x73: {  	[sflag:s10] =	ssyncset.done $0x0  }
0x74: {  	s23 =	rddreg [dreg:$0x1f];
	[sflag:s10] =	ssyncadd.s32 $0xFFFFEC00  }
0x75: {  	[spmem:s23] =	stream.linear.scatter [tilespmem:s9], [sflag:$0x10], $0x1400, $0x38;
	[tilespmem:$0x1CBD8] =	vst v63  }
0x76: {  	_ =	swait.ge [sflag:s10], $0x1400  }
0x77: {  	s1 =	simm.s32 $0x0;
	[sflag:s10] =	ssyncset.done $0x0  }
0x78: {  	s2 =	simm.s32 $0x14000;
	s24 =	rddreg [dreg:$0x4];
	[sflag:s10] =	ssyncadd.s32 $0xFFFFEC00  }
0x79: {  	[tilespmem:s2], [sflag:$0x10] =	stream.linear.gather [hbm4b:s24+s1], $0x2710, $0x38;
	[tilespmem:$0x1CBD8] =	vst v63  }
0x7a: {  	_ =	swait.ge [sflag:s10], $0x2710  }
0x7b: {  	[sflag:s10] =	ssyncset.done $0x0  }
0x7c: {  	[sflag:s10] =	ssyncadd.s32 $0xFFFFD8F0  }
0x7d: {  	[bflag:$0x0] =	sbarrier.arrive $0xFFFF  }
0x7e: {  	s6 =	simm.s32 $0x16710;
	s28 =	rddreg [dreg:$0x5]  }
0x7f: {  	[tilespmem:s6], [sflag:$0xB] =	stream.linear.gather [hbm4b:s28+s1], $0x28, $0x38;
	[tilespmem:$0x1CBD8] =	vst v63  }
0x80: {  	s29 =	rddreg [dreg:$0x6]  }
0x81: {  	[tilespmem:s9], [sflag:$0x1] =	stream.indirect.gather [hbm4b:s5+s14], $0x80, s2, s14, $0xb8;
	[tilespmem:$0x1CBD8] =	vst v63  }
0x82: {  	s31 =	simm.s32 $0x16738;
	s11 =	rddreg [dreg:$0x7]  }
0x83: {  	[tilespmem:s31], [sflag:$0xC] =	stream.linear.gather [hbm4b:s29+s1], $0x28, $0x38;
	[tilespmem:$0x1CBD8] =	vst v63  }
0x84: {  	s8 =	simm.s32 $0x17BD8;
	s13 =	rddreg [dreg:$0x8];
	s6 =	simm.s32 $0x14028  }
0x85: {  	[tilespmem:s8], [sflag:$0x2] =	stream.indirect.gather [hbm4b:s5+s14], $0x80, s6, s14, $0xb8;
	[tilespmem:$0x1CBD8] =	vst v63  }
0x86: {  	s0 =	rddreg [dreg:$0x15]  }
0x87: {  	[tilespmem:s15], [sflag:$0xD] =	stream.linear.gather [hbm4b:s11+s1], $0x28, $0x38;
	[tilespmem:$0x1CBD8] =	vst v63  }
0x88: {  	s12 =	simm.s32 $0x14050;
	s29 =	rddreg [dreg:$0x9]  }
0x89: {  	[tilespmem:s16], [sflag:$0x3] =	stream.indirect.gather [hbm4b:s5+s14], $0x80, s12, s14, $0xb8;
	[tilespmem:$0x1CBD8] =	vst v63  }
0x8a: {  	s23 =	simm.s32 $0x16788;
	s6 =	rddreg [dreg:$0x14]  }
0x8b: {  	[tilespmem:s23], [sflag:$0xE] =	stream.linear.gather [hbm4b:s13+s1], $0x28, $0x38;
	[tilespmem:$0x1CBD8] =	vst v63  }
0x8c: {  	s24 =	simm.s32 $0x14078;
	s28 =	simm.s32 $0x1A3D8;
	s8 =	rddreg [dreg:$0x13]  }
0x8d: {  	[tilespmem:s28], [sflag:$0x4] =	stream.indirect.gather [hbm4b:s5+s14], $0x80, s24, s14, $0xb8;
	[tilespmem:$0x1CBD8] =	vst v63  }
0x8e: {  	s11 =	rddreg [dreg:$0x16]  }
0x8f: {  	[tilespmem:s17], [sflag:$0xF] =	stream.linear.gather [hbm4b:s29+s1], $0x28, $0x38;
	[tilespmem:$0x1CBD8] =	vst v63  }
0x90: {  	s31 =	simm.s32 $0x140A0;
	s23 =	rddreg [dreg:$0x12]  }
0x91: {  	[tilespmem:s18], [sflag:$0x5] =	stream.indirect.gather [hbm4b:s5+s14], $0x80, s31, s14, $0xb8;
	[tilespmem:$0x1CBD8] =	vst v63  }
.LBB2_4:
0x92: {  	_ =	swait.ge [sflag:s19], $0x1400  }
0x93: {  	[sflag:s19] =	ssyncset.done $0x0  }
0x94: {  	[sflag:s19] =	ssyncadd.s32 $0xFFFFEC00  }
0x95: {  	_ =	swait.ge [sflag:s7], $0x28  }
0x96: {  	p0 =	seq.s32 s1, $0x9920;
	[sflag:s7] =	ssyncset.done $0x0  }
0x97: {  	s2 =	simm.s32 $0x16710;
	s24 =	simm.s32 @p0 $0x2;
	[sflag:s7] =	ssyncadd.s32 $0xFFFFFFD8  }
0x98: {  	[spmem:s3] =	stream.indirect.scatter.add.f32 [tilespmem:s9], [sflag:$0x6], $0x80, s2, s14, $0xb8;
	[tilespmem:$0x1CBD8] =	vst v63  }
0x99: {  	_ =	swait.ge @p0 [sflag:s24], $0x1400  }
0x9a: {  	[sflag:s24] =	ssyncset.done @p0 $0x0  }
0x9b: {  	[sflag:s24] =	ssyncadd.s32 @p0 $0xFFFFEC00;
	s24 =	simm.s32 @p0 $0xC  }
0x9c: {  	_ =	swait.ge @p0 [sflag:s24], $0x28  }
0x9d: {  	s12 =	simm.s32 @p0 $0x28;
	[sflag:s24] =	ssyncset.done @p0 $0x0  }
0x9e: {  	s28 =	simm.s32 @p0 $0x17BD8;
	[sflag:s24] =	ssyncadd.s32 @p0 $0xFFFFFFD8;
	s24 =	simm.s32 @p0 $0x16738  }
0x9f: {  	[spmem:s3] =	stream.indirect.scatter.add.f32 @p0 [tilespmem:s28], [sflag:$0x7], $0x80, s24, s12, $0xb8;
	[tilespmem:$0x1CBD8] =	vst v63  }
0xa0: {  	s24 =	simm.s32 @!p0 $0x6  }
0xa1: {  	_ =	swait.ge @!p0 [sflag:s24], $0x1400  }
0xa2: {  	[sflag:s24] =	ssyncset.done @!p0 $0x0  }
0xa3: {  	[sflag:s24] =	ssyncadd.s32 @!p0 $0xFFFFEC00  }
0xa4: {  	s24 =	sshrl.u32 @!p0 s11, $0x3;
	s2 =	rddreg [dreg:$0x1]  }
0xa5: {  	s29 =	simm.s32 @!p0 $0x16710;
	s28 =	simm.s32 @!p0 $0x0;
	s24 =	sadd.s32 @!p0 s2, s24  }
0xa6: {  	[tilespmem:s29], [sflag:$0xB] =	stream.linear.gather @!p0 [hbm4b:s24+s28], $0x28, $0x38;
	[tilespmem:$0x1CBD8] =	vst v63  }
0xa7: {  	s24 =	sshra.s32 @!p0 s1, $0x2  }
0xa8: {  	s2 =	simm.s32 @!p0 $0x167D8;
	s29 =	simm.s32 @!p0 $0x28;
	s31 =	sadd.s32 @!p0 $0x140C8, s24  }
0xa9: {  	[tilespmem:s2], [sflag:$0x1] =	stream.indirect.gather @!p0 [hbm4b:s5+s29], $0x80, s31, s29, $0xb8;
	[tilespmem:$0x1CBD8] =	vst v63  }
0xaa: {  	s2 =	simm.s32 @!p0 $0x2  }
0xab: {  	_ =	swait.ge @!p0 [sflag:s2], $0x1400  }
0xac: {  	[sflag:s2] =	ssyncset.done @!p0 $0x0  }
0xad: {  	[sflag:s2] =	ssyncadd.s32 @!p0 $0xFFFFEC00;
	s2 =	simm.s32 @!p0 $0xC  }
0xae: {  	_ =	swait.ge @!p0 [sflag:s2], $0x28  }
0xaf: {  	s13 =	simm.s32 @!p0 $0x7;
	[sflag:s2] =	ssyncset.done @!p0 $0x0  }
0xb0: {  	s31 =	simm.s32 @!p0 $0x17BD8;
	[sflag:s2] =	ssyncadd.s32 @!p0 $0xFFFFFFD8;
	s2 =	simm.s32 @!p0 $0x16738  }
0xb1: {  	[spmem:s3] =	stream.indirect.scatter.add.f32 @!p0 [tilespmem:s31], [sflag:$0x7], $0x80, s2, s29, $0xb8;
	[tilespmem:$0x1CBD8] =	vst v63  }
0xb2: {  	_ =	swait.ge @!p0 [sflag:s13], $0x1400  }
0xb3: {  	[sflag:s13] =	ssyncset.done @!p0 $0x0  }
0xb4: {  	[sflag:s13] =	ssyncadd.s32 @!p0 $0xFFFFEC00  }
0xb5: {  	[tilespmem:s2], [sflag:$0xC] =	stream.linear.gather @!p0 [hbm4b:s0+s28], $0x28, $0x38;
	[tilespmem:$0x1CBD8] =	vst v63  }
0xb6: {  	s2 =	sadd.s32 @!p0 $0x140F0, s24  }
0xb7: {  	[tilespmem:s31], [sflag:$0x2] =	stream.indirect.gather @!p0 [hbm4b:s5+s29], $0x80, s2, s29, $0xb8;
	[tilespmem:$0x1CBD8] =	vst v63  }
0xb8: {  	_ =	swait.ge [sflag:s20], $0x1400  }
0xb9: {  	[sflag:s20] =	ssyncset.done $0x0  }
0xba: {  	[sflag:s20] =	ssyncadd.s32 $0xFFFFEC00  }
0xbb: {  	_ =	swait.ge [sflag:s21], $0x28  }
0xbc: {  	[sflag:s21] =	ssyncset.done $0x0  }
0xbd: {  	s2 =	simm.s32 @p0 $0x4;
	[sflag:s21] =	ssyncadd.s32 $0xFFFFFFD8  }
0xbe: {  	[spmem:s3] =	stream.indirect.scatter.add.f32 [tilespmem:s16], [sflag:$0x8], $0x80, s15, s14, $0xb8;
	[tilespmem:$0x1CBD8] =	vst v63  }
0xbf: {  	_ =	swait.ge @p0 [sflag:s2], $0x1400  }
0xc0: {  	[sflag:s2] =	ssyncset.done @p0 $0x0  }
0xc1: {  	[sflag:s2] =	ssyncadd.s32 @p0 $0xFFFFEC00;
	s2 =	simm.s32 @p0 $0xE  }
0xc2: {  	_ =	swait.ge @p0 [sflag:s2], $0x28  }
0xc3: {  	[sflag:s2] =	ssyncset.done @p0 $0x0  }
0xc4: {  	s13 =	simm.s32 @p0 $0x1A3D8;
	[sflag:s2] =	ssyncadd.s32 @p0 $0xFFFFFFD8;
	s2 =	simm.s32 @p0 $0x16788  }
0xc5: {  	[spmem:s3] =	stream.indirect.scatter.add.f32 @p0 [tilespmem:s13], [sflag:$0x9], $0x80, s2, s12, $0xb8;
	[tilespmem:$0x1CBD8] =	vst v63  }
0xc6: {  	s2 =	simm.s32 @!p0 $0x8  }
0xc7: {  	_ =	swait.ge @!p0 [sflag:s2], $0x1400  }
0xc8: {  	[sflag:s2] =	ssyncset.done @!p0 $0x0  }
0xc9: {  	[sflag:s2] =	ssyncadd.s32 @!p0 $0xFFFFEC00;
	s2 =	simm.s32 @!p0 $0x16760  }
0xca: {  	[tilespmem:s2], [sflag:$0xD] =	stream.linear.gather @!p0 [hbm4b:s6+s28], $0x28, $0x38;
	[tilespmem:$0x1CBD8] =	vst v63  }
0xcb: {  	s12 =	simm.s32 @!p0 $0x18FD8;
	s2 =	sadd.s32 @!p0 $0x14118, s24  }
0xcc: {  	[tilespmem:s12], [sflag:$0x3] =	stream.indirect.gather @!p0 [hbm4b:s5+s29], $0x80, s2, s29, $0xb8;
	[tilespmem:$0x1CBD8] =	vst v63  }
0xcd: {  	s2 =	simm.s32 @!p0 $0x4  }
0xce: {  	_ =	swait.ge @!p0 [sflag:s2], $0x1400  }
0xcf: {  	[sflag:s2] =	ssyncset.done @!p0 $0x0  }
0xd0: {  	[sflag:s2] =	ssyncadd.s32 @!p0 $0xFFFFEC00;
	s2 =	simm.s32 @!p0 $0xE  }
0xd1: {  	_ =	swait.ge @!p0 [sflag:s2], $0x28  }
0xd2: {  	s13 =	simm.s32 @!p0 $0x9;
	[sflag:s2] =	ssyncset.done @!p0 $0x0  }
0xd3: {  	s12 =	simm.s32 @!p0 $0x1A3D8;
	[sflag:s2] =	ssyncadd.s32 @!p0 $0xFFFFFFD8;
	s2 =	simm.s32 @!p0 $0x16788  }
0xd4: {  	[spmem:s3] =	stream.indirect.scatter.add.f32 @!p0 [tilespmem:s12], [sflag:$0x9], $0x80, s2, s29, $0xb8;
	[tilespmem:$0x1CBD8] =	vst v63  }
0xd5: {  	_ =	swait.ge @!p0 [sflag:s13], $0x1400  }
0xd6: {  	[sflag:s13] =	ssyncset.done @!p0 $0x0  }
0xd7: {  	[sflag:s13] =	ssyncadd.s32 @!p0 $0xFFFFEC00  }
0xd8: {  	[tilespmem:s2], [sflag:$0xE] =	stream.linear.gather @!p0 [hbm4b:s8+s28], $0x28, $0x38;
	[tilespmem:$0x1CBD8] =	vst v63  }
0xd9: {  	s2 =	sadd.s32 @!p0 $0x14140, s24  }
0xda: {  	[tilespmem:s12], [sflag:$0x4] =	stream.indirect.gather @!p0 [hbm4b:s5+s29], $0x80, s2, s29, $0xb8;
	[tilespmem:$0x1CBD8] =	vst v63  }
0xdb: {  	_ =	swait.ge [sflag:s22], $0x1400  }
0xdc: {  	[sflag:s22] =	ssyncset.done $0x0  }
.Ltmp1:
0xdd: {  	[sflag:s22] =	ssyncadd.s32 $0xFFFFEC00;
	(pc) =	sbr.rel @p0 .LBB2_6-.Ltmp1, $4  }
0xde: {  	_ =	swait.ge [sflag:s26], $0x28  }
0xdf: {  	[sflag:s26] =	ssyncset.done $0x0  }
0xe0: {  	[sflag:s26] =	ssyncadd.s32 $0xFFFFFFD8  }
0xe1: {  	[spmem:s3] =	stream.indirect.scatter.add.f32 [tilespmem:s18], [sflag:$0xA], $0x80, s17, s14, $0xb8;
	[tilespmem:$0x1CBD8] =	vst v63  }
0xe2: {  	_ =	swait.ge [sflag:s30], $0x1400;
	s2 =	sshra.s32 s1, $0x2;
	s1 =	sadd.s32 $0x320, s1  }
.Ltmp2:
0xe3: {  	s8 =	sadd.s32 $0x19, s8;
	[sflag:s30] =	ssyncset.done $0x0;
	(pc) =	sbr.rel .LBB2_4-.Ltmp2, $4  }
0xe4: {  	s6 =	sadd.s32 $0x19, s6;
	s0 =	sadd.s32 $0x19, s0;
	[sflag:s30] =	ssyncadd.s32 $0xFFFFEC00  }
0xe5: {  	[tilespmem:s17], [sflag:$0xF] =	stream.linear.gather [hbm4b:s23+s4], $0x28, $0x38;
	[tilespmem:$0x1CBD8] =	vst v63  }
0xe6: {  	s11 =	sadd.s32 $0xC8, s11;
	s2 =	sadd.s32 $0x14168, s2;
	s23 =	sadd.s32 $0x19, s23  }
0xe7: {  	[tilespmem:s18], [sflag:$0x5] =	stream.indirect.gather [hbm4b:s5+s14], $0x80, s2, s14, $0xb8;
	[tilespmem:$0x1CBD8] =	vst v63  }
.LBB2_6:
0xe8: {  	s0 =	simm.s32 $0x6  }
0xe9: {  	_ =	swait.ge [sflag:s0], $0x1400  }
0xea: {  	[sflag:s0] =	ssyncset.done $0x0  }
0xeb: {  	s24 =	simm.s32 $0x7;
	[sflag:s0] =	ssyncadd.s32 $0xFFFFEC00  }
0xec: {  	_ =	swait.ge [sflag:s24], $0x1400  }
0xed: {  	[sflag:s24] =	ssyncset.done $0x0  }
0xee: {  	s28 =	simm.s32 $0x8;
	[sflag:s24] =	ssyncadd.s32 $0xFFFFEC00  }
0xef: {  	_ =	swait.ge [sflag:s28], $0x1400  }
0xf0: {  	[sflag:s28] =	ssyncset.done $0x0  }
0xf1: {  	s29 =	simm.s32 $0x9;
	[sflag:s28] =	ssyncadd.s32 $0xFFFFEC00  }
0xf2: {  	_ =	swait.ge [sflag:s29], $0x1400  }
0xf3: {  	[sflag:s29] =	ssyncset.done $0x0  }
0xf4: {  	[sflag:s29] =	ssyncadd.s32 $0xFFFFEC00  }
0xf5: {  	_ =	swait.ge [sflag:s30], $0x1400  }
0xf6: {  	[sflag:s30] =	ssyncset.done $0x0  }
0xf7: {  	[sflag:s30] =	ssyncadd.s32 $0xFFFFEC00  }
0xf8: {  	[bflag:$0x0] =	sbarrier.arrive $0xFFFF  }
0xf9: {  	s11 =	rddreg [dreg:$0xa]  }
0xfa: {  	[tilespmem:s9], [sflag:$0x10] =	stream.linear.gather [spmem:s11], $0x1400, $0x38;
	[tilespmem:$0x1CBD8] =	vst v63  }
0xfb: {  	_ =	swait.ge [sflag:s10], $0x1400  }
0xfc: {  	[sflag:s10] =	ssyncset.done $0x0  }
0xfd: {  	s31 =	sadd.s32 $0x0, s25;
	[sflag:s10] =	ssyncadd.s32 $0xFFFFEC00  }
0xfe: {  	[hbm4b:s31+s4] =	stream.linear.scatter [tilespmem:s9], [sflag:$0x10], $0x1400, $0x38;
	[tilespmem:$0x1CBD8] =	vst v63  }
0xff: {  	_ =	swait.ge [sflag:s10], $0x1400  }
0x100: {  	s0 =	simm.s32 $0x280;
	s1 =	smov.u32 s11;
	[sflag:s10] =	ssyncset.done $0x0  }
.LBB2_7:
0x101: {  	p0 =	sne.s32 s0, $0x2580;
	[sflag:s10] =	ssyncadd.s32 $0xFFFFEC00;
	s1 =	sadd.s32 $0x1400, s1  }
0x102: {  	[tilespmem:s9], [sflag:$0x10] =	stream.linear.gather [spmem:s1], $0x1400, $0x38;
	[tilespmem:$0x1CBD8] =	vst v63  }
0x103: {  	s2 =	smov.u32 s0;
	s0 =	sadd.s32 $0x280, s0;
	_ =	swait.ge [sflag:s10], $0x1400  }
.Ltmp3:
0x104: {  	[sflag:s10] =	ssyncset.done $0x0;
	(pc) =	sbr.rel @p0 .LBB2_7-.Ltmp3, $4  }
0x105: {  	s2 =	sadd.s32 s2, s25;
	[sflag:s10] =	ssyncadd.s32 $0xFFFFEC00  }
0x106: {  	[hbm4b:s2+s4] =	stream.linear.scatter [tilespmem:s9], [sflag:$0x10], $0x1400, $0x38;
	[tilespmem:$0x1CBD8] =	vst v63  }
0x107: {  	_ =	swait.ge [sflag:s10], $0x1400  }
0x108: {  	[sflag:s10] =	ssyncset.done $0x0  }
0x109: {  	s1 =	sld [smem:$0x7FD];
	_ =	sdelay $0x2  }
0x10a: {  	s0 =	rddreg [dreg:$0xb];
	s1 =	sadd.s32 $0x1, s1  }
0x10b: {  	p0 =	sne.s32 s1, s0  }
.Ltmp4:
0x10c: {  	_ = 	snop;
	(pc) =	sbr.rel @p0 .LBB2_1-.Ltmp4, $2  }
0x10d: {  	_ =	sdelay $0x2  }
0x10e: {  	[sflag:s10] =	ssyncadd.s32 $0xFFFFEC00  }
0x10f: {  	_ =	sfence.sel $0x180000  }
0x110: {  	[bflag:$0x0] =	sbarrier.arrive $0xFFFF  }
0x111: {  	_ =	strace $0x9000004D  }
0x112: {  	s0 =	stileid.u32;
	[bflag:$0x2] =	sbarrier.arrive $0xFFFF  }
0x113: {  	p0 =	sne.s32 s0, $0x0;
	s0 =	rddreg [dreg:$0x3]  }
0x114: {  	s0 =	sadd.s32 @!p0 $0x100000, s0  }
0x115: {  	[sflag:s0] =	ssyncadd.tile.s32 @!p0 $0x1;
	_ =	shalt  }
.Lfunc_end2:
_tile_overlayer_lowered:
.L_overlay_start_2:
0x116: {  	(tag) =	ssettag $0x2  }
0x117: {  	s0 =	rddreg [dreg:$0x0];
	s2 =	stileid.u32  }
0x118: {  	s1 =	rddreg [dreg:$0x1];
	p0 =	sne.s32 s2, $0x0  }
0x119: {  	s3 =	rddreg [dreg:$0x2];
	[bflag:$0x3] =	sbarrier.arrive $0xFFFF;
	s2 =	simm.s32 @!p0 $0x1C10  }
0x11a: {  	[timem:s3], [sflag:s2] =	dma.local @!p0 [hbm:s0], s1  }
0x11b: {  	s0 =	simm.s32 @!p0 $0x10  }
0x11c: {  	_ =	swait.ge @!p0 [sflag:s0], s1  }
0x11d: {  	s1 =	ssub.s32 @!p0 $0x0, s1;
	[sflag:s0] =	ssyncset.done @!p0 $0x0  }
0x11e: {  	[sflag:s0] =	ssyncadd.s32 @!p0 s1  }
0x11f: {  	[bflag:$0x3] =	sbarrier.arrive $0xFFFF  }
0x120: {  	_ =	shalt  }

// kernel: kernel.8.cloned.1.call-start
scs
__scs_entry_jumppad:
0x0: {  	(pc) =	sbr.rel $0x88, $3  }
0x1: {  	(tag) =	ssettag $0x0;
	lr =	simm.s32 $0x1  }
0x2: {  	[smem:$0x3F8F] =	sst lr;
	_ =	strace $0xD0000000  }
0x3: {  	_ = 	snop  }
0x4: {  	_ = 	snop  }
0x5: {  	_ = 	snop  }
0x6: {  	_ = 	snop  }
0x7: {  	_ = 	snop  }
__scs_overlays_trampoline_lowered:
0x8: {  	[smem:$0x3F9E] =	sst s0  }
0x9: {  	[smem:$0x3F9F] =	sst s1  }
0xa: {  	[smem:$0x3FA0] =	sst s2  }
0xb: {  	[smem:$0x3FA1] =	sst s3  }
0xc: {  	[smem:$0x3FA2] =	sst s4  }
0xd: {  	[smem:$0x3FA3] =	sst s5  }
0xe: {  	[smem:$0x3FA4] =	sst s6  }
0xf: {  	[smem:$0x3FA5] =	sst s7  }
0x10: {  	[smem:$0x3FA6] =	sst s8  }
0x11: {  	[smem:$0x3FA7] =	sst s9;
	s0 =	simm.s32 @!p0 $0x0  }
0x12: {  	s1 =	sld [smem:$0x3F8D];
	s0 =	simm.s32 @p0 $0x1  }
0x13: {  	[smem:$0x3FA8] =	sst s0;
	s0 =	simm.s32 @!p1 $0x0  }
0x14: {  	s2 =	sld [smem:$0x3F8C];
	s0 =	simm.s32 @p1 $0x1  }
0x15: {  	[smem:$0x3FA9] =	sst s0;
	s0 =	simm.s32 @!p2 $0x0  }
0x16: {  	s3 =	sld [smem:$0x3FDB];
	s0 =	simm.s32 @p2 $0x1  }
0x17: {  	s4 =	simm.s32 $0x1BF5;
	[smem:$0x3FAB] =	sst s0  }
0x18: {  	s0 =	sld [smem:$0x3F8E];
	_ =	swait.ge [sflag:s4], $0x0  }
0x19: {  	s7 =	sld [smem:$0x3F8F]  }
0x1a: {  	s8 =	sadd.s32 $0xFFFFE003, lr  }
0x1b: {  	s9 =	sadd.s32 $0xFFFFFEF7, lr;
	s5 =	simm.s32 $0xFFFFFFFF;
	p2 =	slt.u32 s8, $0xFFFFF086  }
0x1c: {  	p1 =	slt.u32 s9, $0xF7A;
	s5 =	simm.s32 @!p2 $0x0  }
0x1d: {  	s5 =	simm.s32 @p1 $0x1;
	p0 =	seq.s32 s7, s2  }
0x1e: {  	s7 =	smul.u32 @!p0 $0xF7A, s2;
	p2 =	seq.s32 @!p0 s5, $0x0  }
0x1f: {  	s9 =	smul.u32 $0xF7A, s1;
	s8 =	simm.s32 @!p0 $0x1BF5;
	p2 =	por !p2, p0  }
0x20: {  	[sflag:s8] =	ssyncset.s32 @!p0 $0xFFFFF086;
	s6 =	sadd.s32 @!p0 s3, s7;
	s7 =	simm.s32 @!p0 $0x108  }
0x21: {  	s3 =	sadd.s32 s3, s9;
	s6 =	sadd.s32 @!p0 $0x88, s6;
	s7 =	simm.s32 @p2 $0x1082  }
0x22: {  	[simem:s7], [sflag:s8] =	dma.local @!p0 [hbm:s6], $0xF7A  }
0x23: {  	s9 =	sor.u32 $0xD0000000, s2;
	s6 =	simm.s32 $0x108;
	_ =	swait.ge @!p0 [sflag:s8], $0x0  }
0x24: {  	s3 =	sadd.s32 $0x88, s3;
	s6 =	simm.s32 @!p1 $0x1082;
	[sflag:s4] =	ssyncset.s32 $0xFFFFF086  }
0x25: {  	[simem:s6], [sflag:s4] =	dma.local [hbm:s3], $0xF7A  }
0x26: {  	[smem:$0x3F8F] =	sst s1;
	(tag) =	ssettag s2;
	_ =	strace s9  }
0x27: {  	s1 =	sld [smem:$0x3F9F]  }
0x28: {  	s2 =	sld [smem:$0x3FA0]  }
0x29: {  	s4 =	sld [smem:$0x3FA2]  }
0x2a: {  	p0 =	seq.s32 s5, $0x0;
	s5 =	sld [smem:$0x3FA3]  }
0x2b: {  	s6 =	sld [smem:$0x3FA4]  }
0x2c: {  	s7 =	sld [smem:$0x3FA5]  }
0x2d: {  	s3 =	simm.s32 $0x108;
	s8 =	sld [smem:$0x3FA6]  }
0x2e: {  	s3 =	simm.s32 @!p0 $0x1082;
	s9 =	sld [smem:$0x3FA7]  }
0x2f: {  	lr =	sadd.s32 s0, s3;
	s0 =	sld [smem:$0x3F9E]  }
0x30: {  	s3 =	sld [smem:$0x3FA1]  }
0x31: {  	[smem:$0x3FAA] =	sst s10  }
0x32: {  	s10 =	sld [smem:$0x3FA8];
	_ =	sdelay $0x3  }
0x33: {  	p0 =	seq.s32 s10, $0x1;
	s10 =	sld [smem:$0x3FAA];
	_ =	sdelay $0x3  }
0x34: {  	[smem:$0x3FAA] =	sst s10  }
0x35: {  	s10 =	sld [smem:$0x3FA9];
	_ =	sdelay $0x3  }
0x36: {  	p1 =	seq.s32 s10, $0x1;
	s10 =	sld [smem:$0x3FAA];
	_ =	sdelay $0x3  }
0x37: {  	[smem:$0x3FAA] =	sst s10  }
0x38: {  	s10 =	sld [smem:$0x3FAB]  }
0x39: {  	_ = 	snop;
	(pc) =	sbr.ind lr, $3  }
0x3a: {  	_ = 	snop  }
0x3b: {  	_ = 	snop  }
0x3c: {  	p2 =	seq.s32 s10, $0x1;
	s10 =	sld [smem:$0x3FAA]  }
0x3d: {  	_ =	shalt  }
0x3e: {  	_ =	shalt  }
0x3f: {  	_ =	shalt  }
0x40: {  	_ =	shalt  }
0x41: {  	_ =	shalt  }
0x42: {  	_ =	shalt  }
0x43: {  	_ =	shalt  }
0x44: {  	_ =	shalt  }
0x45: {  	_ =	shalt  }
0x46: {  	_ =	shalt  }
0x47: {  	_ =	shalt  }
0x48: {  	_ =	shalt  }
0x49: {  	_ =	shalt  }
0x4a: {  	_ =	shalt  }
0x4b: {  	_ =	shalt  }
0x4c: {  	_ =	shalt  }
0x4d: {  	_ =	shalt  }
0x4e: {  	_ =	shalt  }
0x4f: {  	_ =	shalt  }
0x50: {  	_ =	shalt  }
0x51: {  	_ =	shalt  }
0x52: {  	_ =	shalt  }
0x53: {  	_ =	shalt  }
0x54: {  	_ =	shalt  }
0x55: {  	_ =	shalt  }
0x56: {  	_ =	shalt  }
0x57: {  	_ =	shalt  }
0x58: {  	_ =	shalt  }
0x59: {  	_ =	shalt  }
0x5a: {  	_ =	shalt  }
0x5b: {  	_ =	shalt  }
0x5c: {  	_ =	shalt  }
0x5d: {  	_ =	shalt  }
0x5e: {  	_ =	shalt  }
0x5f: {  	_ =	shalt  }
0x60: {  	_ =	shalt  }
0x61: {  	_ =	shalt  }
0x62: {  	_ =	shalt  }
0x63: {  	_ =	shalt  }
0x64: {  	_ =	shalt  }
0x65: {  	_ =	shalt  }
0x66: {  	_ =	shalt  }
0x67: {  	_ =	shalt  }
0x68: {  	_ =	shalt  }
0x69: {  	_ =	shalt  }
0x6a: {  	_ =	shalt  }
0x6b: {  	_ =	shalt  }
0x6c: {  	_ =	shalt  }
0x6d: {  	_ =	shalt  }
0x6e: {  	_ =	shalt  }
0x6f: {  	_ =	shalt  }
0x70: {  	_ =	shalt  }
0x71: {  	_ =	shalt  }
0x72: {  	_ =	shalt  }
0x73: {  	_ =	shalt  }
0x74: {  	_ =	shalt  }
0x75: {  	_ =	shalt  }
0x76: {  	_ =	shalt  }
0x77: {  	_ =	shalt  }
0x78: {  	_ =	shalt  }
0x79: {  	_ =	shalt  }
0x7a: {  	_ =	shalt  }
0x7b: {  	_ =	shalt  }
0x7c: {  	_ =	shalt  }
0x7d: {  	_ =	shalt  }
0x7e: {  	_ =	shalt  }
0x7f: {  	_ =	shalt  }
0x80: {  	_ =	shalt  }
0x81: {  	_ =	shalt  }
0x82: {  	_ =	shalt  }
0x83: {  	_ =	shalt  }
0x84: {  	_ =	shalt  }
0x85: {  	_ =	shalt  }
0x86: {  	_ =	shalt  }
0x87: {  	_ =	shalt  }
.Lfunc_end0:
.L_simem_size_0:
called_computation_lowered:
.L_overlay_start_0:
0x88: {  	s2 =	sld [smem:$0x3FD9]  }
0x89: {  	s3 =	sld [smem:$0x3FFE];
	_ =	sdelay $0x1  }
0x8a: {  	s1 =	srdreg.scid  }
0x8b: {  	s0 =	sand.u32 $0x1, s1  }
0x8c: {  	s17 =	sshll.u32 s0, $0xA;
	s2 =	sadd.s32 s3, s2  }
0x8d: {  	s2 =	sadd.s32 s2, s17  }
0x8e: {  	[smem:$0x3FB6] =	sst s2  }
0x8f: {  	_ = 	snop  }
0x90: {  	s2 =	sld [smem:$0x3FD0];
	(tm) =	ssettm $0x1  }
0x91: {  	s18 =	sld [smem:$0x3FFB];
	_ =	sdelay $0x3  }
0x92: {  	_ =	strace s18  }
0x93: {  	s3 =	sld [smem:$0x3FFC];
	_ =	sdelay $0x3  }
0x94: {  	_ =	strace s3  }
0x95: {  	s3 =	sld [smem:$0x3FFD];
	_ =	sdelay $0x3  }
0x96: {  	_ =	strace s3  }
0x97: {  	_ =	strace $0x8FFFFFFF  }
0x98: {  	s19 =	sld [smem:$0x3FDB];
	_ =	sdelay $0x1  }
0x99: {  	s4 =	simm.s32 $_scs_section_size  }
0x9a: {  	s5 =	simm.s32 $_size__tile_overlayer_lowered;
	s6 =	simm.s32 $_tile_overlayer_lowered  }
0x9b: {  	s22 =	simm.s32 $0x1BFF;
	s21 =	sshll.u32 s6, $0x1;
	s3 =	sadd.s32 s4, s19  }
0x9c: {  	s7 =	simm.s32 $0x0;
	s20 =	sshll.u32 s5, $0x1;
	s5 =	sadd.s32 s21, s3  }
0x9d: {  	[timem:s7], [sflag:s22] =	dma.local [hbm:s5], s20  }
0x9e: {  	_ =	swait.ge [sflag:s22], s20  }
0x9f: {  	s4 =	ssub.s32 $0x0, s20;
	[sflag:s22] =	ssyncset.done $0x0  }
0xa0: {  	[sflag:s22] =	ssyncadd.s32 s4;
	_ =	sdelay $0x1  }
0xa1: {  	s23 =	simm.s32 $0x1B8B  }
0xa2: {  	_ =	swait.ge [sflag:s23], $0x1  }
0xa3: {  	[sflag:s23] =	ssyncset.done $0x0  }
0xa4: {  	s25 =	simm.s32 $0x1B8E;
	s24 =	sld [smem:$0x3FFE];
	[sflag:s23] =	ssyncadd.s32 $0xFFFFFFFF  }
0xa5: {  	s26 =	simm.s32 $execute0_lowered;
	[smem:$0x3FD2] =	sst s25  }
0xa6: {  	s5 =	sshll.u32 s26, $0x1;
	_ =	strace $0x80000046;
	[dreg:$0x1] =	wrdreg $0xFFFFFFFF  }
0xa7: {  	s28 =	simm.s32 $_size_execute0_lowered;
	s3 =	sadd.s32 s3, s5;
	[dreg:$0x0] =	wrdreg $0x0  }
0xa8: {  	s5 =	sshll.u32 s28, $0x1;
	[dreg:$0x2] =	wrdreg s3  }
0xa9: {  	[dreg:$0x3] =	wrdreg s5  }
0xaa: {  	[dreg:$0x4] =	wrdreg $0xC0  }
0xab: {  	_ =	task [dreg:s7], $0x5FFFF  }
0xac: {  	[dreg:$0x1] =	wrdreg $0xFFFFFFFF  }
0xad: {  	[dreg:$0x0] =	wrdreg $0x60  }
0xae: {  	[dreg:$0x2] =	wrdreg s24  }
0xaf: {  	[dreg:$0x3] =	wrdreg s2  }
0xb0: {  	[dreg:$0x4] =	wrdreg $0x9  }
0xb1: {  	_ =	task.clear_ibuf [dreg:s7], $0x5FFFF;
	_ =	strace $0x90000046  }
0xb2: {  	s29 =	simm.s32 $0x9;
	_ =	strace $0x80000048  }
0xb3: {  	_ =	swait.ge [sflag:s29], $0x1  }
0xb4: {  	[sflag:s29] =	ssyncadd.s32 $0xFFFFFFFF  }
0xb5: {  	_ =	strace $0x90000048  }
0xb6: {  	_ =	sfence  }
0xb7: {  	s30 =	sld [smem:$0x0];
	_ =	sdelay $0x2  }
0xb8: {  	s31 =	sshll.u32 s1, $0xD;
	s1 =	sshrl.u32 s1, $0x2  }
0xb9: {  	s3 =	sand.u32 $0x4000, s31;
	s1 =	sadd.s32 s1, s30  }
0xba: {  	s0 =	sor.u32 s3, s0;
	s1 =	sshll.u32 s1, $0x11  }
0xbb: {  	s0 =	sor.u32 s1, s0  }
0xbc: {  	s0 =	sadd.s32 $0x8F2B, s0  }
0xbd: {  	[sflag:s0] =	ssyncadd.remote.s32 $0x1  }
0xbe: {  	_ =	sfence.sel $0xFFFF  }
0xbf: {  	[dreg:$0x0] =	wrdreg $0xFFFFFFFF;
	(pc) =	sbr.abs _section_cstart, $3  }
0xc0: {  	[dreg:$0x1] =	wrdreg $0xFFFFFFFF  }
0xc1: {  	_ =	task.clear_ibuf [dreg:s7], $0x2FFFF;
	_ =	strace $0x9FFFFFFF  }
0xc2: {  	(tm) =	ssettm $0x7FFFFFFF  }
0xc3: {  	_ =	shalt  }
tec
execute0_lowered:
.L_overlay_start_1:
0x0: {  	(tag) =	ssettag $0x1  }
0x1: {  	s5 =	rddreg [dreg:$0x0]  }
0x2: {  	s0 =	srdreg.scid;
	s2 =	rddreg [dreg:$0x1]  }
0x3: {  	s3 =	simm.s32 $0x0;
	s10 =	simm.s32 $0x1;
	s4 =	sand.u32 $0x1, s0  }
0x4: {  	s11 =	simm.s32 $0x57D0;
	s0 =	stileid.u32;
	s1 =	sshll.u32 s4, $0x4  }
0x5: {  	s12 =	simm.s32 $0x2800;
	s13 =	simm.s32 $0x0;
	s6 =	sor.u32 s0, s1  }
0x6: {  	[smem:$0x7FF] =	sst s3;
	s8 =	ssub.s32 $0x2, s4;
	s7 =	smul.u32 $0x2800, s6  }
0x7: {  	s4 =	sadd.s32 $0x3600, s5;
	s1 =	rddreg [dreg:$0x2];
	s9 =	sshrl.u32 s8, $0x1  }
0x8: {  	_ =	strace $0x80000047;
	s8 =	ssub.s32 s8, s9;
	s7 =	sshrl.u32 s7, $0x3  }
0x9: {  	s9 =	simm.s32 $0x5000;
	s8 =	smax.u32 s8, $0x1;
	s7 =	sadd.s32 s7, s5  }
0xa: {  	v0 =	vimm.f32 $0.0e+00;
	v1 =	vimm.f32 $1.000000000e+00;
	s5 =	smul.u32 $0x2710, s6;
	s6 =	sadd.s32 $0xD400, s7;
	s7 =	sadd.s32 $0x17400, s7  }
.LBB2_1:
0xb: {  	s14 =	simm.s32 $0x40;
	s15 =	simm.s32 $0x0  }
.LBB2_2:
0xc: {  	p0 =	sne.s32 s14, $0x9FC0;
	[tilespmem:s15+$0x0] =	vst v0;
	s16 =	smov.u32 s14;
	s14 =	sadd.s32 $0x40, s14  }
.Ltmp0:
0xd: {  	[tilespmem:s15+$0x2800] =	vst v0;
	(pc) =	sbr.rel @p0 .LBB2_2-.Ltmp0, $2  }
0xe: {  	_ =	sdelay $0x2  }
0xf: {  	s15 =	sshra.s32 s16, $0x2  }
0x10: {  	[tilespmem:s15+$0x0] =	vst v0  }
0x11: {  	s14 =	simm.s32 $0x0;
	[tilespmem:s15+$0x2800] =	vst v0;
	s15 =	simm.s32 $0x0  }
.LBB2_4:
0x12: {  	s16 =	smul.u32 $0x7D0, s15;
	_ =	sdelay $0x1  }
0x13: {  	s16 =	sadd.s32 s5, s16  }
0x14: {  	s16 =	sshrl.u32 s16, $0x3  }
0x15: {  	s17 =	sadd.s32 s4, s16  }
0x16: {  	[tilespmem:s9], [sflag:$0x1] =	stream.linear.gather [hbm4b:s17+s14], $0x7D0, $0x38;
	[tilespmem:$0x5FA0] =	vst v63  }
0x17: {  	_ =	swait.ge [sflag:s10], $0x7D0  }
0x18: {  	[sflag:s10] =	ssyncset.done $0x0  }
0x19: {  	s16 =	sadd.s32 s2, s16;
	[sflag:s10] =	ssyncadd.s32 $0xFFFFF830  }
0x1a: {  	[tilespmem:s11], [sflag:$0x1] =	stream.linear.gather [hbm4b:s16+s14], $0x7D0, $0x38;
	[tilespmem:$0x5FA0] =	vst v63  }
0x1b: {  	_ =	swait.ge [sflag:s10], $0x7D0  }
0x1c: {  	[sflag:s10] =	ssyncset.done $0x0  }
0x1d: {  	s17 =	simm.s32 $0x0;
	[sflag:s10] =	ssyncadd.s32 $0xFFFFF830  }
0x1e: {  	s16 =	simm.s32 $0x40;
	v2 =	vld [tilespmem:s17+$0x5000]  }
.LBB2_5:
0x1f: {  	p0 =	sne.s32 s16, $0x1F00;
	v3 =	vld [tilespmem:s17+$0x57D0];
	_ =	sdelay $0x4  }
.Ltmp1:
0x20: {  	(pc) =	sbr.rel @p0 .LBB2_5-.Ltmp1, $4  }
0x21: {  	_ = 	snop  }
0x22: {  	[tilespmem:v2+s3+$0x0] =	vst.idx.add.f32.msk $0xffff, v1  }
0x23: {  	s17 =	sshra.s32 s16, $0x2;
	[tilespmem:v3+s12+$0x0] =	vst.idx.add.f32.msk $0xffff, v1  }
0x24: {  	s16 =	sadd.s32 $0x40, s16;
	v2 =	vld [tilespmem:s17+$0x5000]  }
0x25: {  	_ = 	snop  }
0x26: {  	v3 =	vld [tilespmem:s17+$0x57D0];
	_ =	sdelay $0x1  }
0x27: {  	s15 =	sadd.s32 $0x1, s15  }
0x28: {  	p0 =	sne.s32 s15, $0x5  }
.Ltmp2:
0x29: {  	_ = 	snop;
	(pc) =	sbr.rel @p0 .LBB2_4-.Ltmp2, $3  }
0x2a: {  	_ =	sdelay $0x1  }
0x2b: {  	[tilespmem:v2+s3+$0x0] =	vst.idx.add.f32.msk $0xffff, v1  }
0x2c: {  	[tilespmem:v3+s12+$0x0] =	vst.idx.add.f32.msk $0xffff, v1  }
0x2d: {  	[hbm4b:s6+s3] =	stream.linear.scatter [tilespmem:s3], [sflag:$0x1], $0x2800, $0x38;
	[tilespmem:$0x5FA0] =	vst v63  }
0x2e: {  	s13 =	sadd.s32 $0x1, s13;
	_ =	swait.ge [sflag:s10], $0x2800  }
0x2f: {  	p0 =	sne.s32 s13, s8;
	[sflag:s10] =	ssyncset.done $0x0  }
.Ltmp3:
0x30: {  	[sflag:s10] =	ssyncadd.s32 $0xFFFFD800;
	(pc) =	sbr.rel @p0 .LBB2_1-.Ltmp3, $4  }
0x31: {  	[hbm4b:s7+s3] =	stream.linear.scatter [tilespmem:s12], [sflag:$0x1], $0x2800, $0x38;
	[tilespmem:$0x5FA0] =	vst v63  }
0x32: {  	_ =	swait.ge [sflag:s10], $0x2800  }
0x33: {  	[sflag:s10] =	ssyncset.done $0x0  }
0x34: {  	[sflag:s10] =	ssyncadd.s32 $0xFFFFD800  }
0x35: {  	_ =	sfence.sel $0x180000  }
0x36: {  	[bflag:$0x0] =	sbarrier.arrive $0xFFFF  }
0x37: {  	p0 =	sne.s32 s0, $0x0;
	_ =	strace $0x90000047  }
0x38: {  	s0 =	sadd.s32 @!p0 $0x100000, s1;
	[bflag:$0x2] =	sbarrier.arrive $0xFFFF  }
0x39: {  	[sflag:s0] =	ssyncadd.tile.s32 @!p0 $0x1;
	_ =	shalt  }
.Lfunc_end2:
_tile_overlayer_lowered:
.L_overlay_start_2:
0x3a: {  	(tag) =	ssettag $0x2  }
0x3b: {  	s0 =	rddreg [dreg:$0x0];
	s2 =	stileid.u32  }
0x3c: {  	s1 =	rddreg [dreg:$0x1];
	p0 =	sne.s32 s2, $0x0  }
0x3d: {  	s3 =	rddreg [dreg:$0x2];
	[bflag:$0x3] =	sbarrier.arrive $0xFFFF;
	s2 =	simm.s32 @!p0 $0x1C01  }
0x3e: {  	[timem:s3], [sflag:s2] =	dma.local @!p0 [hbm:s0], s1  }
0x3f: {  	s0 =	simm.s32 @!p0 $0x1  }
0x40: {  	_ =	swait.ge @!p0 [sflag:s0], s1  }
0x41: {  	s1 =	ssub.s32 @!p0 $0x0, s1;
	[sflag:s0] =	ssyncset.done @!p0 $0x0  }
0x42: {  	[sflag:s0] =	ssyncadd.s32 @!p0 s1  }
0x43: {  	[bflag:$0x3] =	sbarrier.arrive $0xFFFF  }
0x44: {  	_ =	shalt  }

</sc_bundles>
